<compile_context>
chip_gen: v7x
topology: tpu7x:2x2x1
jax: 0.10.2.dev20260603
libtpu: 0.0.44.dev20260713+nightly
codegen_flags: <defaults>
</compile_context>

<pallas_src>
import dataclasses
import functools

import jax
import jax.numpy as jnp
from jax import lax
from jax.experimental import pallas as pl
from jax.experimental.pallas import tpu as pltpu
from jax.experimental.pallas import tpu_sc as plsc

EMBED_DIM = 64
SCALE = 8.0
VOCAB = 1000000
B = 4096
S = 200
BT = B // 128


def _compiler_params():
    cp = pltpu.CompilerParams(use_tc_tiling_on_sc=False)
    if "needs_layout_passes" in pltpu.CompilerParams.__dataclass_fields__:
        cp = dataclasses.replace(cp, needs_layout_passes=False)
    return cp


def kernel(x, table):
    tp = jnp.pad(table, ((0, 0), (0, 128 - EMBED_DIM)))
    tp2 = tp.reshape(2 * VOCAB, EMBED_DIM)
    xt2 = x.astype(jnp.int32).T * 2

    mesh = plsc.VectorSubcoreMesh(
        core_axis_name="core", subcore_axis_name="subcore"
    )

    @functools.partial(
        pl.kernel,
        out_type=jax.ShapeDtypeStruct((S, 8, BT, 8, 128), jnp.float32),
        mesh=mesh,
        compiler_params=_compiler_params(),
        scratch_types=[
            pltpu.VMEM((S, 128), jnp.int32),
            pltpu.VMEM((2, 128, EMBED_DIM), jnp.float32),
            pltpu.VMEM((2, EMBED_DIM, 129), jnp.float32),
            pltpu.SemaphoreType.DMA,
            pltpu.SemaphoreType.DMA,
            pltpu.SemaphoreType.DMA,
            pltpu.SemaphoreType.DMA,
        ],
    )
    def emb(table_hbm, idx_hbm, o_hbm, idx_v, rows_v, dst_v,
            sem_g0, sem_g1, sem_o0, sem_o1):
        wid = lax.axis_index("subcore") * 2 + lax.axis_index("core")
        lane = lax.iota(jnp.int32, 16)
        dvecs = [lane + (16 * dq) for dq in range(4)]
        sem_g = (sem_g0, sem_g1)
        sem_o = (sem_o0, sem_o1)
        rows = (rows_v.at[0], rows_v.at[1])
        dst = (dst_v.at[0], dst_v.at[1])

        pltpu.sync_copy(idx_hbm.at[:, pl.ds(wid * 128, 128)], idx_v)

        def gather(s, b):
            return pltpu.make_async_copy(
                table_hbm.at[idx_v.at[s]], rows[b], sem_g[b]
            )

        def out_copies(s, b):
            return [
                pltpu.make_async_copy(
                    dst[b].at[pl.ds(db * 8, 8), pl.ds(0, 128)],
                    o_hbm.at[s, db, wid],
                    sem_o[b],
                )
                for db in range(8)
            ]

        gather(0, 0).start()
        gather(1, 1).start()

        @pl.loop(0, S, step=2)
        def _(g):
            for b in range(2):
                s = g + b
                gather(s, b).wait()

                @pl.when(s >= 2)
                def _():
                    for c in out_copies(s - 2, b):
                        c.wait()

                @plsc.parallel_loop(0, 128, unroll=4)
                def _(l):
                    lcol = jnp.full((16,), l, dtype=jnp.int32)
                    for dq in range(4):
                        vals = rows[b][l, pl.ds(dq * 16, 16)]
                        plsc.store_scatter(
                            dst[b], [dvecs[dq], lcol], vals * SCALE
                        )

                @pl.when(s < S - 2)
                def _():
                    gather(s + 2, b).start()

                for c in out_copies(s, b):
                    c.start()

        for b in range(2):
            for c in out_copies(S - 2 + b, b):
                c.wait()

    o5 = emb(tp2, xt2)
    return o5.transpose(2, 4, 0, 1, 3).reshape(B, S, EMBED_DIM)

# --- scband reference (transcript-rebuilt; emitter-appended) ---
"""Pipeline reference for scband-word-embedding-81003083202678 (READ-ONLY COPY).

The authoritative reference and input builder live on the scoring server;
editing this copy changes nothing except your own understanding.
"""

import jax, jax.numpy as jnp
import numpy as np
import math

VOCAB = 1000000
EMBED_DIM = 64
PADDING_IDX = 0

def setup_inputs(seed: int = 0) -> dict:
    key = jax.random.key(seed)
    k1, k2 = jax.random.split(key)
    x = jax.random.randint(k1, (4096, 200), 0, VOCAB, dtype=jnp.int64) if jax.config.jax_enable_x64 else jax.random.randint(k1, (4096, 200), 0, VOCAB, dtype=jnp.int32)
    table = jax.random.normal(k2, (VOCAB, EMBED_DIM), dtype=jnp.float32) * 0.02
    # nn.Embedding with padding_idx zeroes the padding row
    table = table.at[PADDING_IDX].set(0.0)
    return {"x": x, "table": table}

def reference(x, table):
    # WordEmbedding.forward: embedding(x) * sqrt(embed_dim)
    emb = jnp.take(table, x, axis=0)
    return emb * math.sqrt(EMBED_DIM)

if __name__ == "__main__":
    import jax
    _d = setup_inputs()
    print(jax.jit(kernel)(*tuple(_d.values())))

</pallas_src>

<mosaic_0001>
#map = affine_map<(d0, d1) -> (0, 0)>
#map1 = affine_map<(d0, d1) -> (0, 0, 0, 0, 0)>
module attributes {stable_mosaic.version = 14 : i64} {
  func.func @emb(%arg0: i32, %arg1: i32, %arg2: memref<2000000x64xf32, #tpu.memory_space<hbm>>, %arg3: memref<200x4096xi32, #tpu.memory_space<hbm>>, %arg4: memref<200x8x32x8x128xf32, #tpu.memory_space<hbm>>, %arg5: memref<200x128xi32, #tpu.memory_space<vmem>>, %arg6: memref<2x128x64xf32, #tpu.memory_space<vmem>>, %arg7: memref<2x64x129xf32, #tpu.memory_space<vmem>>, %arg8: memref<!tpu.dma_semaphore, #tpu.memory_space<semaphore_mem>>, %arg9: memref<!tpu.dma_semaphore, #tpu.memory_space<semaphore_mem>>, %arg10: memref<!tpu.dma_semaphore, #tpu.memory_space<semaphore_mem>>, %arg11: memref<!tpu.dma_semaphore, #tpu.memory_space<semaphore_mem>>) attributes {dimension_semantics = [#tpu.dimension_semantics<core_parallel>, #tpu.dimension_semantics<subcore_parallel>], iteration_bounds = array<i64: 2, 16>, scalar_prefetch = 0 : i64, scratch_operands = 7 : i64, tpu.core_type = #tpu.core_type<sc_vector_subcore>, window_params = [{transform_indices = #map}, {transform_indices = #map}, {transform_indices = #map1}]} {
    %mul3A = arith.constant 2 : i32
    %mul3A_0 = arith.muli %arg1, %mul3A : i32
    %add3A = arith.addi %mul3A_0, %arg0 : i32
    %iota3A = tpu.iota {dimensions = array<i32: 0>} : vector<16xi32>
    %add3A_1 = arith.constant 0 : i32
    %add3A_2 = vector.broadcast %add3A_1 : i32 to vector<16xi32>
    %add3A_3 = arith.addi %iota3A, %add3A_2 : vector<16xi32>
    %add3A_4 = arith.constant 16 : i32
    %add3A_5 = vector.broadcast %add3A_4 : i32 to vector<16xi32>
    %add3A_6 = arith.addi %iota3A, %add3A_5 : vector<16xi32>
    %add3A_7 = arith.constant 32 : i32
    %add3A_8 = vector.broadcast %add3A_7 : i32 to vector<16xi32>
    %add3A_9 = arith.addi %iota3A, %add3A_8 : vector<16xi32>
    %add3A_10 = arith.constant 48 : i32
    %add3A_11 = vector.broadcast %add3A_10 : i32 to vector<16xi32>
    %add3A_12 = arith.addi %iota3A, %add3A_11 : vector<16xi32>
    %mul3A_13 = arith.constant 128 : i32
    %mul3A_14 = arith.muli %add3A, %mul3A_13 : i32
    "tpu.region"() ({
      %run_scoped3A = tpu.sem_alloc : memref<!tpu.dma_semaphore, #tpu.memory_space<semaphore_mem>>
      %dma_start3A_445 = arith.constant 0 : i32
      %dma_start3A_446 = tpu.memref_slice %arg3[%dma_start3A_445, %mul3A_14] : memref<200x4096xi32, #tpu.memory_space<hbm>> -> memref<200x128xi32, #tpu.memory_space<hbm>>
      %dma_start3A_447 = arith.constant 0 : i32
      %dma_start3A_448 = tpu.memref_slice %arg3[%dma_start3A_447, %mul3A_14] : memref<200x4096xi32, #tpu.memory_space<hbm>> -> memref<200x128xi32, #tpu.memory_space<hbm>>
      tpu.enqueue_dma source(%dma_start3A_448 : memref<200x128xi32, #tpu.memory_space<hbm>>) target(%arg5 : memref<200x128xi32, #tpu.memory_space<vmem>>) target_semaphore(%run_scoped3A : memref<!tpu.dma_semaphore, #tpu.memory_space<semaphore_mem>>)
      %dma_wait3A_449 = arith.constant 0 : i32
      %dma_wait3A_450 = tpu.memref_slice %arg3[%dma_wait3A_449, %mul3A_14] : memref<200x4096xi32, #tpu.memory_space<hbm>> -> memref<200x128xi32, #tpu.memory_space<hbm>>
      %dma_wait3A_451 = arith.constant 0 : i32
      %dma_wait3A_452 = tpu.memref_slice %arg3[%dma_wait3A_451, %mul3A_14] : memref<200x4096xi32, #tpu.memory_space<hbm>> -> memref<200x128xi32, #tpu.memory_space<hbm>>
      tpu.wait_dma2 semaphore(%run_scoped3A : memref<!tpu.dma_semaphore, #tpu.memory_space<semaphore_mem>>) src(%dma_wait3A_452 : memref<200x128xi32, #tpu.memory_space<hbm>>) dst(%arg5 : memref<200x128xi32, #tpu.memory_space<vmem>>)
      tpu.yield
    }) : () -> ()
    %dma_start3A = arith.constant 0 : i32
    %dma_start3A_15 = arith.constant 0 : i32
    %dma_start3A_16 = arith.constant 0 : i32
    %dma_start3A_17 = arith.constant 0 : i32
    %dma_start3A_18 = tpu.memref_slice %arg6[%dma_start3A_15, %dma_start3A_16, %dma_start3A_17] : memref<2x128x64xf32, #tpu.memory_space<vmem>> -> memref<1x128x64xf32, #tpu.memory_space<vmem>>
    %dma_start3A_19 = tpu.memref_squeeze %dma_start3A_18 : memref<1x128x64xf32, #tpu.memory_space<vmem>> -> memref<128x64xf32, #tpu.memory_space<vmem>>
    %dma_start3A_20 = arith.constant 0 : i32
    %dma_start3A_21 = tpu.memref_slice %arg5[%dma_start3A, %dma_start3A_20] : memref<200x128xi32, #tpu.memory_space<vmem>> -> memref<1x128xi32, #tpu.memory_space<vmem>>
    %dma_start3A_22 = tpu.memref_squeeze %dma_start3A_21 : memref<1x128xi32, #tpu.memory_space<vmem>> -> memref<128xi32, #tpu.memory_space<vmem>>
    %dma_start3A_23 = arith.constant 0 : i32
    %dma_start3A_24 = arith.constant 0 : i32
    %dma_start3A_25 = tpu.memref_slice %arg2[%dma_start3A_23, %dma_start3A_24] : memref<2000000x64xf32, #tpu.memory_space<hbm>> -> memref<2000000x64xf32, #tpu.memory_space<hbm>>
    tpu.enqueue_indirect_dma source(%dma_start3A_25 : memref<2000000x64xf32, #tpu.memory_space<hbm>>) target(%dma_start3A_19 : memref<128x64xf32, #tpu.memory_space<vmem>>) offsets(%dma_start3A_22 : memref<128xi32, #tpu.memory_space<vmem>>) semaphore(%arg8 : memref<!tpu.dma_semaphore, #tpu.memory_space<semaphore_mem>>)
    %dma_start3A_26 = arith.constant 1 : i32
    %dma_start3A_27 = arith.constant 1 : i32
    %dma_start3A_28 = arith.constant 0 : i32
    %dma_start3A_29 = arith.constant 0 : i32
    %dma_start3A_30 = tpu.memref_slice %arg6[%dma_start3A_27, %dma_start3A_28, %dma_start3A_29] : memref<2x128x64xf32, #tpu.memory_space<vmem>> -> memref<1x128x64xf32, #tpu.memory_space<vmem>>
    %dma_start3A_31 = tpu.memref_squeeze %dma_start3A_30 : memref<1x128x64xf32, #tpu.memory_space<vmem>> -> memref<128x64xf32, #tpu.memory_space<vmem>>
    %dma_start3A_32 = arith.constant 0 : i32
    %dma_start3A_33 = tpu.memref_slice %arg5[%dma_start3A_26, %dma_start3A_32] : memref<200x128xi32, #tpu.memory_space<vmem>> -> memref<1x128xi32, #tpu.memory_space<vmem>>
    %dma_start3A_34 = tpu.memref_squeeze %dma_start3A_33 : memref<1x128xi32, #tpu.memory_space<vmem>> -> memref<128xi32, #tpu.memory_space<vmem>>
    %dma_start3A_35 = arith.constant 0 : i32
    %dma_start3A_36 = arith.constant 0 : i32
    %dma_start3A_37 = tpu.memref_slice %arg2[%dma_start3A_35, %dma_start3A_36] : memref<2000000x64xf32, #tpu.memory_space<hbm>> -> memref<2000000x64xf32, #tpu.memory_space<hbm>>
    tpu.enqueue_indirect_dma source(%dma_start3A_37 : memref<2000000x64xf32, #tpu.memory_space<hbm>>) target(%dma_start3A_31 : memref<128x64xf32, #tpu.memory_space<vmem>>) offsets(%dma_start3A_34 : memref<128xi32, #tpu.memory_space<vmem>>) semaphore(%arg9 : memref<!tpu.dma_semaphore, #tpu.memory_space<semaphore_mem>>)
    %scan3A = arith.constant 0 : i32
    %scan3A_38 = arith.constant 0 : i32
    %scan3A_39 = arith.constant 1 : i32
    %scan3A_40 = arith.constant 1 : i32
    %scan3A_41 = arith.constant 0 : i32
    %scan3A_42 = arith.constant 100 : i32
    %scan3A_43 = arith.addi %scan3A_41, %scan3A_42 : i32
    %scan3A_44 = arith.constant 1 : i32
    scf.for %scan3A_445 = %scan3A_41 to %scan3A_43 step %scan3A_44  : i32 {
      %mul3A_446 = arith.constant 2 : i32
      %mul3A_447 = arith.muli %scan3A_445, %mul3A_446 : i32
      %add3A_448 = arith.constant 0 : i32
      %add3A_449 = arith.addi %add3A_448, %mul3A_447 : i32
      %add3A_450 = arith.constant 0 : i32
      %add3A_451 = arith.addi %add3A_449, %add3A_450 : i32
      %dma_wait3A_452 = arith.constant 0 : i32
      %dma_wait3A_453 = arith.constant 0 : i32
      %dma_wait3A_454 = tpu.memref_slice %arg6[%scan3A, %dma_wait3A_452, %dma_wait3A_453] : memref<2x128x64xf32, #tpu.memory_space<vmem>> -> memref<1x128x64xf32, #tpu.memory_space<vmem>>
      %dma_wait3A_455 = tpu.memref_squeeze %dma_wait3A_454 : memref<1x128x64xf32, #tpu.memory_space<vmem>> -> memref<128x64xf32, #tpu.memory_space<vmem>>
      %dma_wait3A_456 = arith.constant 0 : i32
      %dma_wait3A_457 = tpu.memref_slice %arg5[%add3A_451, %dma_wait3A_456] : memref<200x128xi32, #tpu.memory_space<vmem>> -> memref<1x128xi32, #tpu.memory_space<vmem>>
      %dma_wait3A_458 = tpu.memref_squeeze %dma_wait3A_457 : memref<1x128xi32, #tpu.memory_space<vmem>> -> memref<128xi32, #tpu.memory_space<vmem>>
      %dma_wait3A_459 = arith.constant 0 : i32
      %dma_wait3A_460 = arith.constant 0 : i32
      %dma_wait3A_461 = tpu.memref_slice %arg2[%dma_wait3A_459, %dma_wait3A_460] : memref<2000000x64xf32, #tpu.memory_space<hbm>> -> memref<2000000x64xf32, #tpu.memory_space<hbm>>
      tpu.wait_indirect_dma semaphore(%arg8 : memref<!tpu.dma_semaphore, #tpu.memory_space<semaphore_mem>>) src(%dma_wait3A_461 : memref<2000000x64xf32, #tpu.memory_space<hbm>>) dst(%dma_wait3A_455 : memref<128x64xf32, #tpu.memory_space<vmem>>)
      %ge3A = arith.constant 2 : i32
      %ge3A_462 = arith.cmpi sge, %add3A_451, %ge3A : i32
      %convert_element_type3A = arith.extui %ge3A_462 : i1 to i32
      %cond3A = arith.constant 0 : i32
      %cond3A_463 = arith.cmpi ne, %convert_element_type3A, %cond3A : i32
      scf.if %cond3A_463 {
        %sub3A = arith.constant 2 : i32
        %sub3A_863 = arith.subi %add3A_451, %sub3A : i32
        %dma_wait3A_864 = arith.constant 0 : i32
        %dma_wait3A_865 = arith.constant 0 : i32
        %dma_wait3A_866 = arith.constant 0 : i32
        %dma_wait3A_867 = tpu.memref_slice %arg7[%scan3A_38, %dma_wait3A_865, %dma_wait3A_866] : memref<2x64x129xf32, #tpu.memory_space<vmem>> -> memref<1x64x129xf32, #tpu.memory_space<vmem>>
        %dma_wait3A_868 = tpu.memref_squeeze %dma_wait3A_867 : memref<1x64x129xf32, #tpu.memory_space<vmem>> -> memref<64x129xf32, #tpu.memory_space<vmem>>
        %dma_wait3A_869 = arith.constant 0 : i32
        %dma_wait3A_870 = arith.constant 0 : i32
        %dma_wait3A_871 = tpu.memref_slice %dma_wait3A_868[%dma_wait3A_869, %dma_wait3A_870] : memref<64x129xf32, #tpu.memory_space<vmem>> -> memref<8x128xf32, #tpu.memory_space<vmem>>
        %dma_wait3A_872 = arith.constant 0 : i32
        %dma_wait3A_873 = arith.constant 0 : i32
        %dma_wait3A_874 = tpu.memref_slice %arg4[%sub3A_863, %dma_wait3A_864, %add3A, %dma_wait3A_872, %dma_wait3A_873] : memref<200x8x32x8x128xf32, #tpu.memory_space<hbm>> -> memref<1x1x1x8x128xf32, #tpu.memory_space<hbm>>
        %dma_wait3A_875 = tpu.memref_squeeze %dma_wait3A_874 : memref<1x1x1x8x128xf32, #tpu.memory_space<hbm>> -> memref<8x128xf32, #tpu.memory_space<hbm>>
        %dma_wait3A_876 = arith.constant 0 : i32
        %dma_wait3A_877 = arith.constant 0 : i32
        %dma_wait3A_878 = tpu.memref_slice %arg4[%sub3A_863, %dma_wait3A_864, %add3A, %dma_wait3A_876, %dma_wait3A_877] : memref<200x8x32x8x128xf32, #tpu.memory_space<hbm>> -> memref<1x1x1x8x128xf32, #tpu.memory_space<hbm>>
        %dma_wait3A_879 = tpu.memref_squeeze %dma_wait3A_878 : memref<1x1x1x8x128xf32, #tpu.memory_space<hbm>> -> memref<8x128xf32, #tpu.memory_space<hbm>>
        %dma_wait3A_880 = arith.constant 0 : i32
        %dma_wait3A_881 = arith.constant 0 : i32
        %dma_wait3A_882 = tpu.memref_slice %arg7[%scan3A_38, %dma_wait3A_880, %dma_wait3A_881] : memref<2x64x129xf32, #tpu.memory_space<vmem>> -> memref<1x64x129xf32, #tpu.memory_space<vmem>>
        %dma_wait3A_883 = tpu.memref_squeeze %dma_wait3A_882 : memref<1x64x129xf32, #tpu.memory_space<vmem>> -> memref<64x129xf32, #tpu.memory_space<vmem>>
        %dma_wait3A_884 = arith.constant 0 : i32
        %dma_wait3A_885 = arith.constant 0 : i32
        %dma_wait3A_886 = tpu.memref_slice %dma_wait3A_883[%dma_wait3A_884, %dma_wait3A_885] : memref<64x129xf32, #tpu.memory_space<vmem>> -> memref<8x128xf32, #tpu.memory_space<vmem>>
        tpu.wait_dma2 semaphore(%arg10 : memref<!tpu.dma_semaphore, #tpu.memory_space<semaphore_mem>>) src(%dma_wait3A_886 : memref<8x128xf32, #tpu.memory_space<vmem>>) dst(%dma_wait3A_879 : memref<8x128xf32, #tpu.memory_space<hbm>>)
        %dma_wait3A_887 = arith.constant 1 : i32
        %dma_wait3A_888 = arith.constant 0 : i32
        %dma_wait3A_889 = arith.constant 0 : i32
        %dma_wait3A_890 = tpu.memref_slice %arg7[%scan3A_38, %dma_wait3A_888, %dma_wait3A_889] : memref<2x64x129xf32, #tpu.memory_space<vmem>> -> memref<1x64x129xf32, #tpu.memory_space<vmem>>
        %dma_wait3A_891 = tpu.memref_squeeze %dma_wait3A_890 : memref<1x64x129xf32, #tpu.memory_space<vmem>> -> memref<64x129xf32, #tpu.memory_space<vmem>>
        %dma_wait3A_892 = arith.constant 8 : i32
        %dma_wait3A_893 = arith.constant 0 : i32
        %dma_wait3A_894 = tpu.memref_slice %dma_wait3A_891[%dma_wait3A_892, %dma_wait3A_893] : memref<64x129xf32, #tpu.memory_space<vmem>> -> memref<8x128xf32, #tpu.memory_space<vmem>>
        %dma_wait3A_895 = arith.constant 0 : i32
        %dma_wait3A_896 = arith.constant 0 : i32
        %dma_wait3A_897 = tpu.memref_slice %arg4[%sub3A_863, %dma_wait3A_887, %add3A, %dma_wait3A_895, %dma_wait3A_896] : memref<200x8x32x8x128xf32, #tpu.memory_space<hbm>> -> memref<1x1x1x8x128xf32, #tpu.memory_space<hbm>>
        %dma_wait3A_898 = tpu.memref_squeeze %dma_wait3A_897 : memref<1x1x1x8x128xf32, #tpu.memory_space<hbm>> -> memref<8x128xf32, #tpu.memory_space<hbm>>
        %dma_wait3A_899 = arith.constant 0 : i32
        %dma_wait3A_900 = arith.constant 0 : i32
        %dma_wait3A_901 = tpu.memref_slice %arg4[%sub3A_863, %dma_wait3A_887, %add3A, %dma_wait3A_899, %dma_wait3A_900] : memref<200x8x32x8x128xf32, #tpu.memory_space<hbm>> -> memref<1x1x1x8x128xf32, #tpu.memory_space<hbm>>
        %dma_wait3A_902 = tpu.memref_squeeze %dma_wait3A_901 : memref<1x1x1x8x128xf32, #tpu.memory_space<hbm>> -> memref<8x128xf32, #tpu.memory_space<hbm>>
        %dma_wait3A_903 = arith.constant 0 : i32
        %dma_wait3A_904 = arith.constant 0 : i32
        %dma_wait3A_905 = tpu.memref_slice %arg7[%scan3A_38, %dma_wait3A_903, %dma_wait3A_904] : memref<2x64x129xf32, #tpu.memory_space<vmem>> -> memref<1x64x129xf32, #tpu.memory_space<vmem>>
        %dma_wait3A_906 = tpu.memref_squeeze %dma_wait3A_905 : memref<1x64x129xf32, #tpu.memory_space<vmem>> -> memref<64x129xf32, #tpu.memory_space<vmem>>
        %dma_wait3A_907 = arith.constant 8 : i32
        %dma_wait3A_908 = arith.constant 0 : i32
        %dma_wait3A_909 = tpu.memref_slice %dma_wait3A_906[%dma_wait3A_907, %dma_wait3A_908] : memref<64x129xf32, #tpu.memory_space<vmem>> -> memref<8x128xf32, #tpu.memory_space<vmem>>
        tpu.wait_dma2 semaphore(%arg10 : memref<!tpu.dma_semaphore, #tpu.memory_space<semaphore_mem>>) src(%dma_wait3A_909 : memref<8x128xf32, #tpu.memory_space<vmem>>) dst(%dma_wait3A_902 : memref<8x128xf32, #tpu.memory_space<hbm>>)
        %dma_wait3A_910 = arith.constant 2 : i32
        %dma_wait3A_911 = arith.constant 0 : i32
        %dma_wait3A_912 = arith.constant 0 : i32
        %dma_wait3A_913 = tpu.memref_slice %arg7[%scan3A_38, %dma_wait3A_911, %dma_wait3A_912] : memref<2x64x129xf32, #tpu.memory_space<vmem>> -> memref<1x64x129xf32, #tpu.memory_space<vmem>>
        %dma_wait3A_914 = tpu.memref_squeeze %dma_wait3A_913 : memref<1x64x129xf32, #tpu.memory_space<vmem>> -> memref<64x129xf32, #tpu.memory_space<vmem>>
        %dma_wait3A_915 = arith.constant 16 : i32
        %dma_wait3A_916 = arith.constant 0 : i32
        %dma_wait3A_917 = tpu.memref_slice %dma_wait3A_914[%dma_wait3A_915, %dma_wait3A_916] : memref<64x129xf32, #tpu.memory_space<vmem>> -> memref<8x128xf32, #tpu.memory_space<vmem>>
        %dma_wait3A_918 = arith.constant 0 : i32
        %dma_wait3A_919 = arith.constant 0 : i32
        %dma_wait3A_920 = tpu.memref_slice %arg4[%sub3A_863, %dma_wait3A_910, %add3A, %dma_wait3A_918, %dma_wait3A_919] : memref<200x8x32x8x128xf32, #tpu.memory_space<hbm>> -> memref<1x1x1x8x128xf32, #tpu.memory_space<hbm>>
        %dma_wait3A_921 = tpu.memref_squeeze %dma_wait3A_920 : memref<1x1x1x8x128xf32, #tpu.memory_space<hbm>> -> memref<8x128xf32, #tpu.memory_space<hbm>>
        %dma_wait3A_922 = arith.constant 0 : i32
        %dma_wait3A_923 = arith.constant 0 : i32
        %dma_wait3A_924 = tpu.memref_slice %arg4[%sub3A_863, %dma_wait3A_910, %add3A, %dma_wait3A_922, %dma_wait3A_923] : memref<200x8x32x8x128xf32, #tpu.memory_space<hbm>> -> memref<1x1x1x8x128xf32, #tpu.memory_space<hbm>>
        %dma_wait3A_925 = tpu.memref_squeeze %dma_wait3A_924 : memref<1x1x1x8x128xf32, #tpu.memory_space<hbm>> -> memref<8x128xf32, #tpu.memory_space<hbm>>
        %dma_wait3A_926 = arith.constant 0 : i32
        %dma_wait3A_927 = arith.constant 0 : i32
        %dma_wait3A_928 = tpu.memref_slice %arg7[%scan3A_38, %dma_wait3A_926, %dma_wait3A_927] : memref<2x64x129xf32, #tpu.memory_space<vmem>> -> memref<1x64x129xf32, #tpu.memory_space<vmem>>
        %dma_wait3A_929 = tpu.memref_squeeze %dma_wait3A_928 : memref<1x64x129xf32, #tpu.memory_space<vmem>> -> memref<64x129xf32, #tpu.memory_space<vmem>>
        %dma_wait3A_930 = arith.constant 16 : i32
        %dma_wait3A_931 = arith.constant 0 : i32
        %dma_wait3A_932 = tpu.memref_slice %dma_wait3A_929[%dma_wait3A_930, %dma_wait3A_931] : memref<64x129xf32, #tpu.memory_space<vmem>> -> memref<8x128xf32, #tpu.memory_space<vmem>>
        tpu.wait_dma2 semaphore(%arg10 : memref<!tpu.dma_semaphore, #tpu.memory_space<semaphore_mem>>) src(%dma_wait3A_932 : memref<8x128xf32, #tpu.memory_space<vmem>>) dst(%dma_wait3A_925 : memref<8x128xf32, #tpu.memory_space<hbm>>)
        %dma_wait3A_933 = arith.constant 3 : i32
        %dma_wait3A_934 = arith.constant 0 : i32
        %dma_wait3A_935 = arith.constant 0 : i32
        %dma_wait3A_936 = tpu.memref_slice %arg7[%scan3A_38, %dma_wait3A_934, %dma_wait3A_935] : memref<2x64x129xf32, #tpu.memory_space<vmem>> -> memref<1x64x129xf32, #tpu.memory_space<vmem>>
        %dma_wait3A_937 = tpu.memref_squeeze %dma_wait3A_936 : memref<1x64x129xf32, #tpu.memory_space<vmem>> -> memref<64x129xf32, #tpu.memory_space<vmem>>
        %dma_wait3A_938 = arith.constant 24 : i32
        %dma_wait3A_939 = arith.constant 0 : i32
        %dma_wait3A_940 = tpu.memref_slice %dma_wait3A_937[%dma_wait3A_938, %dma_wait3A_939] : memref<64x129xf32, #tpu.memory_space<vmem>> -> memref<8x128xf32, #tpu.memory_space<vmem>>
        %dma_wait3A_941 = arith.constant 0 : i32
        %dma_wait3A_942 = arith.constant 0 : i32
        %dma_wait3A_943 = tpu.memref_slice %arg4[%sub3A_863, %dma_wait3A_933, %add3A, %dma_wait3A_941, %dma_wait3A_942] : memref<200x8x32x8x128xf32, #tpu.memory_space<hbm>> -> memref<1x1x1x8x128xf32, #tpu.memory_space<hbm>>
        %dma_wait3A_944 = tpu.memref_squeeze %dma_wait3A_943 : memref<1x1x1x8x128xf32, #tpu.memory_space<hbm>> -> memref<8x128xf32, #tpu.memory_space<hbm>>
        %dma_wait3A_945 = arith.constant 0 : i32
        %dma_wait3A_946 = arith.constant 0 : i32
        %dma_wait3A_947 = tpu.memref_slice %arg4[%sub3A_863, %dma_wait3A_933, %add3A, %dma_wait3A_945, %dma_wait3A_946] : memref<200x8x32x8x128xf32, #tpu.memory_space<hbm>> -> memref<1x1x1x8x128xf32, #tpu.memory_space<hbm>>
        %dma_wait3A_948 = tpu.memref_squeeze %dma_wait3A_947 : memref<1x1x1x8x128xf32, #tpu.memory_space<hbm>> -> memref<8x128xf32, #tpu.memory_space<hbm>>
        %dma_wait3A_949 = arith.constant 0 : i32
        %dma_wait3A_950 = arith.constant 0 : i32
        %dma_wait3A_951 = tpu.memref_slice %arg7[%scan3A_38, %dma_wait3A_949, %dma_wait3A_950] : memref<2x64x129xf32, #tpu.memory_space<vmem>> -> memref<1x64x129xf32, #tpu.memory_space<vmem>>
        %dma_wait3A_952 = tpu.memref_squeeze %dma_wait3A_951 : memref<1x64x129xf32, #tpu.memory_space<vmem>> -> memref<64x129xf32, #tpu.memory_space<vmem>>
        %dma_wait3A_953 = arith.constant 24 : i32
        %dma_wait3A_954 = arith.constant 0 : i32
        %dma_wait3A_955 = tpu.memref_slice %dma_wait3A_952[%dma_wait3A_953, %dma_wait3A_954] : memref<64x129xf32, #tpu.memory_space<vmem>> -> memref<8x128xf32, #tpu.memory_space<vmem>>
        tpu.wait_dma2 semaphore(%arg10 : memref<!tpu.dma_semaphore, #tpu.memory_space<semaphore_mem>>) src(%dma_wait3A_955 : memref<8x128xf32, #tpu.memory_space<vmem>>) dst(%dma_wait3A_948 : memref<8x128xf32, #tpu.memory_space<hbm>>)
        %dma_wait3A_956 = arith.constant 4 : i32
        %dma_wait3A_957 = arith.constant 0 : i32
        %dma_wait3A_958 = arith.constant 0 : i32
        %dma_wait3A_959 = tpu.memref_slice %arg7[%scan3A_38, %dma_wait3A_957, %dma_wait3A_958] : memref<2x64x129xf32, #tpu.memory_space<vmem>> -> memref<1x64x129xf32, #tpu.memory_space<vmem>>
        %dma_wait3A_960 = tpu.memref_squeeze %dma_wait3A_959 : memref<1x64x129xf32, #tpu.memory_space<vmem>> -> memref<64x129xf32, #tpu.memory_space<vmem>>
        %dma_wait3A_961 = arith.constant 32 : i32
        %dma_wait3A_962 = arith.constant 0 : i32
        %dma_wait3A_963 = tpu.memref_slice %dma_wait3A_960[%dma_wait3A_961, %dma_wait3A_962] : memref<64x129xf32, #tpu.memory_space<vmem>> -> memref<8x128xf32, #tpu.memory_space<vmem>>
        %dma_wait3A_964 = arith.constant 0 : i32
        %dma_wait3A_965 = arith.constant 0 : i32
        %dma_wait3A_966 = tpu.memref_slice %arg4[%sub3A_863, %dma_wait3A_956, %add3A, %dma_wait3A_964, %dma_wait3A_965] : memref<200x8x32x8x128xf32, #tpu.memory_space<hbm>> -> memref<1x1x1x8x128xf32, #tpu.memory_space<hbm>>
        %dma_wait3A_967 = tpu.memref_squeeze %dma_wait3A_966 : memref<1x1x1x8x128xf32, #tpu.memory_space<hbm>> -> memref<8x128xf32, #tpu.memory_space<hbm>>
        %dma_wait3A_968 = arith.constant 0 : i32
        %dma_wait3A_969 = arith.constant 0 : i32
        %dma_wait3A_970 = tpu.memref_slice %arg4[%sub3A_863, %dma_wait3A_956, %add3A, %dma_wait3A_968, %dma_wait3A_969] : memref<200x8x32x8x128xf32, #tpu.memory_space<hbm>> -> memref<1x1x1x8x128xf32, #tpu.memory_space<hbm>>
        %dma_wait3A_971 = tpu.memref_squeeze %dma_wait3A_970 : memref<1x1x1x8x128xf32, #tpu.memory_space<hbm>> -> memref<8x128xf32, #tpu.memory_space<hbm>>
        %dma_wait3A_972 = arith.constant 0 : i32
        %dma_wait3A_973 = arith.constant 0 : i32
        %dma_wait3A_974 = tpu.memref_slice %arg7[%scan3A_38, %dma_wait3A_972, %dma_wait3A_973] : memref<2x64x129xf32, #tpu.memory_space<vmem>> -> memref<1x64x129xf32, #tpu.memory_space<vmem>>
        %dma_wait3A_975 = tpu.memref_squeeze %dma_wait3A_974 : memref<1x64x129xf32, #tpu.memory_space<vmem>> -> memref<64x129xf32, #tpu.memory_space<vmem>>
        %dma_wait3A_976 = arith.constant 32 : i32
        %dma_wait3A_977 = arith.constant 0 : i32
        %dma_wait3A_978 = tpu.memref_slice %dma_wait3A_975[%dma_wait3A_976, %dma_wait3A_977] : memref<64x129xf32, #tpu.memory_space<vmem>> -> memref<8x128xf32, #tpu.memory_space<vmem>>
        tpu.wait_dma2 semaphore(%arg10 : memref<!tpu.dma_semaphore, #tpu.memory_space<semaphore_mem>>) src(%dma_wait3A_978 : memref<8x128xf32, #tpu.memory_space<vmem>>) dst(%dma_wait3A_971 : memref<8x128xf32, #tpu.memory_space<hbm>>)
        %dma_wait3A_979 = arith.constant 5 : i32
        %dma_wait3A_980 = arith.constant 0 : i32
        %dma_wait3A_981 = arith.constant 0 : i32
        %dma_wait3A_982 = tpu.memref_slice %arg7[%scan3A_38, %dma_wait3A_980, %dma_wait3A_981] : memref<2x64x129xf32, #tpu.memory_space<vmem>> -> memref<1x64x129xf32, #tpu.memory_space<vmem>>
        %dma_wait3A_983 = tpu.memref_squeeze %dma_wait3A_982 : memref<1x64x129xf32, #tpu.memory_space<vmem>> -> memref<64x129xf32, #tpu.memory_space<vmem>>
        %dma_wait3A_984 = arith.constant 40 : i32
        %dma_wait3A_985 = arith.constant 0 : i32
        %dma_wait3A_986 = tpu.memref_slice %dma_wait3A_983[%dma_wait3A_984, %dma_wait3A_985] : memref<64x129xf32, #tpu.memory_space<vmem>> -> memref<8x128xf32, #tpu.memory_space<vmem>>
        %dma_wait3A_987 = arith.constant 0 : i32
        %dma_wait3A_988 = arith.constant 0 : i32
        %dma_wait3A_989 = tpu.memref_slice %arg4[%sub3A_863, %dma_wait3A_979, %add3A, %dma_wait3A_987, %dma_wait3A_988] : memref<200x8x32x8x128xf32, #tpu.memory_space<hbm>> -> memref<1x1x1x8x128xf32, #tpu.memory_space<hbm>>
        %dma_wait3A_990 = tpu.memref_squeeze %dma_wait3A_989 : memref<1x1x1x8x128xf32, #tpu.memory_space<hbm>> -> memref<8x128xf32, #tpu.memory_space<hbm>>
        %dma_wait3A_991 = arith.constant 0 : i32
        %dma_wait3A_992 = arith.constant 0 : i32
        %dma_wait3A_993 = tpu.memref_slice %arg4[%sub3A_863, %dma_wait3A_979, %add3A, %dma_wait3A_991, %dma_wait3A_992] : memref<200x8x32x8x128xf32, #tpu.memory_space<hbm>> -> memref<1x1x1x8x128xf32, #tpu.memory_space<hbm>>
        %dma_wait3A_994 = tpu.memref_squeeze %dma_wait3A_993 : memref<1x1x1x8x128xf32, #tpu.memory_space<hbm>> -> memref<8x128xf32, #tpu.memory_space<hbm>>
        %dma_wait3A_995 = arith.constant 0 : i32
        %dma_wait3A_996 = arith.constant 0 : i32
        %dma_wait3A_997 = tpu.memref_slice %arg7[%scan3A_38, %dma_wait3A_995, %dma_wait3A_996] : memref<2x64x129xf32, #tpu.memory_space<vmem>> -> memref<1x64x129xf32, #tpu.memory_space<vmem>>
        %dma_wait3A_998 = tpu.memref_squeeze %dma_wait3A_997 : memref<1x64x129xf32, #tpu.memory_space<vmem>> -> memref<64x129xf32, #tpu.memory_space<vmem>>
        %dma_wait3A_999 = arith.constant 40 : i32
        %dma_wait3A_1000 = arith.constant 0 : i32
        %dma_wait3A_1001 = tpu.memref_slice %dma_wait3A_998[%dma_wait3A_999, %dma_wait3A_1000] : memref<64x129xf32, #tpu.memory_space<vmem>> -> memref<8x128xf32, #tpu.memory_space<vmem>>
        tpu.wait_dma2 semaphore(%arg10 : memref<!tpu.dma_semaphore, #tpu.memory_space<semaphore_mem>>) src(%dma_wait3A_1001 : memref<8x128xf32, #tpu.memory_space<vmem>>) dst(%dma_wait3A_994 : memref<8x128xf32, #tpu.memory_space<hbm>>)
        %dma_wait3A_1002 = arith.constant 6 : i32
        %dma_wait3A_1003 = arith.constant 0 : i32
        %dma_wait3A_1004 = arith.constant 0 : i32
        %dma_wait3A_1005 = tpu.memref_slice %arg7[%scan3A_38, %dma_wait3A_1003, %dma_wait3A_1004] : memref<2x64x129xf32, #tpu.memory_space<vmem>> -> memref<1x64x129xf32, #tpu.memory_space<vmem>>
        %dma_wait3A_1006 = tpu.memref_squeeze %dma_wait3A_1005 : memref<1x64x129xf32, #tpu.memory_space<vmem>> -> memref<64x129xf32, #tpu.memory_space<vmem>>
        %dma_wait3A_1007 = arith.constant 48 : i32
        %dma_wait3A_1008 = arith.constant 0 : i32
        %dma_wait3A_1009 = tpu.memref_slice %dma_wait3A_1006[%dma_wait3A_1007, %dma_wait3A_1008] : memref<64x129xf32, #tpu.memory_space<vmem>> -> memref<8x128xf32, #tpu.memory_space<vmem>>
        %dma_wait3A_1010 = arith.constant 0 : i32
        %dma_wait3A_1011 = arith.constant 0 : i32
        %dma_wait3A_1012 = tpu.memref_slice %arg4[%sub3A_863, %dma_wait3A_1002, %add3A, %dma_wait3A_1010, %dma_wait3A_1011] : memref<200x8x32x8x128xf32, #tpu.memory_space<hbm>> -> memref<1x1x1x8x128xf32, #tpu.memory_space<hbm>>
        %dma_wait3A_1013 = tpu.memref_squeeze %dma_wait3A_1012 : memref<1x1x1x8x128xf32, #tpu.memory_space<hbm>> -> memref<8x128xf32, #tpu.memory_space<hbm>>
        %dma_wait3A_1014 = arith.constant 0 : i32
        %dma_wait3A_1015 = arith.constant 0 : i32
        %dma_wait3A_1016 = tpu.memref_slice %arg4[%sub3A_863, %dma_wait3A_1002, %add3A, %dma_wait3A_1014, %dma_wait3A_1015] : memref<200x8x32x8x128xf32, #tpu.memory_space<hbm>> -> memref<1x1x1x8x128xf32, #tpu.memory_space<hbm>>
        %dma_wait3A_1017 = tpu.memref_squeeze %dma_wait3A_1016 : memref<1x1x1x8x128xf32, #tpu.memory_space<hbm>> -> memref<8x128xf32, #tpu.memory_space<hbm>>
        %dma_wait3A_1018 = arith.constant 0 : i32
        %dma_wait3A_1019 = arith.constant 0 : i32
        %dma_wait3A_1020 = tpu.memref_slice %arg7[%scan3A_38, %dma_wait3A_1018, %dma_wait3A_1019] : memref<2x64x129xf32, #tpu.memory_space<vmem>> -> memref<1x64x129xf32, #tpu.memory_space<vmem>>
        %dma_wait3A_1021 = tpu.memref_squeeze %dma_wait3A_1020 : memref<1x64x129xf32, #tpu.memory_space<vmem>> -> memref<64x129xf32, #tpu.memory_space<vmem>>
        %dma_wait3A_1022 = arith.constant 48 : i32
        %dma_wait3A_1023 = arith.constant 0 : i32
        %dma_wait3A_1024 = tpu.memref_slice %dma_wait3A_1021[%dma_wait3A_1022, %dma_wait3A_1023] : memref<64x129xf32, #tpu.memory_space<vmem>> -> memref<8x128xf32, #tpu.memory_space<vmem>>
        tpu.wait_dma2 semaphore(%arg10 : memref<!tpu.dma_semaphore, #tpu.memory_space<semaphore_mem>>) src(%dma_wait3A_1024 : memref<8x128xf32, #tpu.memory_space<vmem>>) dst(%dma_wait3A_1017 : memref<8x128xf32, #tpu.memory_space<hbm>>)
        %dma_wait3A_1025 = arith.constant 7 : i32
        %dma_wait3A_1026 = arith.constant 0 : i32
        %dma_wait3A_1027 = arith.constant 0 : i32
        %dma_wait3A_1028 = tpu.memref_slice %arg7[%scan3A_38, %dma_wait3A_1026, %dma_wait3A_1027] : memref<2x64x129xf32, #tpu.memory_space<vmem>> -> memref<1x64x129xf32, #tpu.memory_space<vmem>>
        %dma_wait3A_1029 = tpu.memref_squeeze %dma_wait3A_1028 : memref<1x64x129xf32, #tpu.memory_space<vmem>> -> memref<64x129xf32, #tpu.memory_space<vmem>>
        %dma_wait3A_1030 = arith.constant 56 : i32
        %dma_wait3A_1031 = arith.constant 0 : i32
        %dma_wait3A_1032 = tpu.memref_slice %dma_wait3A_1029[%dma_wait3A_1030, %dma_wait3A_1031] : memref<64x129xf32, #tpu.memory_space<vmem>> -> memref<8x128xf32, #tpu.memory_space<vmem>>
        %dma_wait3A_1033 = arith.constant 0 : i32
        %dma_wait3A_1034 = arith.constant 0 : i32
        %dma_wait3A_1035 = tpu.memref_slice %arg4[%sub3A_863, %dma_wait3A_1025, %add3A, %dma_wait3A_1033, %dma_wait3A_1034] : memref<200x8x32x8x128xf32, #tpu.memory_space<hbm>> -> memref<1x1x1x8x128xf32, #tpu.memory_space<hbm>>
        %dma_wait3A_1036 = tpu.memref_squeeze %dma_wait3A_1035 : memref<1x1x1x8x128xf32, #tpu.memory_space<hbm>> -> memref<8x128xf32, #tpu.memory_space<hbm>>
        %dma_wait3A_1037 = arith.constant 0 : i32
        %dma_wait3A_1038 = arith.constant 0 : i32
        %dma_wait3A_1039 = tpu.memref_slice %arg4[%sub3A_863, %dma_wait3A_1025, %add3A, %dma_wait3A_1037, %dma_wait3A_1038] : memref<200x8x32x8x128xf32, #tpu.memory_space<hbm>> -> memref<1x1x1x8x128xf32, #tpu.memory_space<hbm>>
        %dma_wait3A_1040 = tpu.memref_squeeze %dma_wait3A_1039 : memref<1x1x1x8x128xf32, #tpu.memory_space<hbm>> -> memref<8x128xf32, #tpu.memory_space<hbm>>
        %dma_wait3A_1041 = arith.constant 0 : i32
        %dma_wait3A_1042 = arith.constant 0 : i32
        %dma_wait3A_1043 = tpu.memref_slice %arg7[%scan3A_38, %dma_wait3A_1041, %dma_wait3A_1042] : memref<2x64x129xf32, #tpu.memory_space<vmem>> -> memref<1x64x129xf32, #tpu.memory_space<vmem>>
        %dma_wait3A_1044 = tpu.memref_squeeze %dma_wait3A_1043 : memref<1x64x129xf32, #tpu.memory_space<vmem>> -> memref<64x129xf32, #tpu.memory_space<vmem>>
        %dma_wait3A_1045 = arith.constant 56 : i32
        %dma_wait3A_1046 = arith.constant 0 : i32
        %dma_wait3A_1047 = tpu.memref_slice %dma_wait3A_1044[%dma_wait3A_1045, %dma_wait3A_1046] : memref<64x129xf32, #tpu.memory_space<vmem>> -> memref<8x128xf32, #tpu.memory_space<vmem>>
        tpu.wait_dma2 semaphore(%arg10 : memref<!tpu.dma_semaphore, #tpu.memory_space<semaphore_mem>>) src(%dma_wait3A_1047 : memref<8x128xf32, #tpu.memory_space<vmem>>) dst(%dma_wait3A_1040 : memref<8x128xf32, #tpu.memory_space<hbm>>)
      } else {
      }
      %parallel_loop3A = arith.constant 0 : i32
      %parallel_loop3A_464 = arith.constant 128 : i32
      %parallel_loop3A_465 = arith.constant 1 : i32
      scf.for %parallel_loop3A_863 = %parallel_loop3A to %parallel_loop3A_464 step %parallel_loop3A_465  : i32 {
        %parallel_loop3A_864 = vector.broadcast %parallel_loop3A_863 : i32 to vector<16xi32>
        %parallel_loop3A_865 = arith.constant 0 : i32
        %parallel_loop3A_866 = arith.constant 0 : i32
        %parallel_loop3A_867 = tpu.memref_slice %arg6[%scan3A, %parallel_loop3A_865, %parallel_loop3A_866] : memref<2x128x64xf32, #tpu.memory_space<vmem>> -> memref<1x128x64xf32, #tpu.memory_space<vmem>>
        %parallel_loop3A_868 = tpu.memref_squeeze %parallel_loop3A_867 : memref<1x128x64xf32, #tpu.memory_space<vmem>> -> memref<128x64xf32, #tpu.memory_space<vmem>>
        %parallel_loop3A_869 = arith.index_cast %parallel_loop3A_863 : i32 to index
        %parallel_loop3A_870 = arith.constant 0 : index
        %parallel_loop3A_871 = tpu.vector_load %parallel_loop3A_868[%parallel_loop3A_869, %parallel_loop3A_870] {strides = array<i32>} : memref<128x64xf32, #tpu.memory_space<vmem>>, vector<16xf32>,
        %parallel_loop3A_872 = arith.constant 8.000000e+00 : f32
        %parallel_loop3A_873 = vector.broadcast %parallel_loop3A_872 : f32 to vector<16xf32>
        %parallel_loop3A_874 = arith.mulf %parallel_loop3A_871, %parallel_loop3A_873 : vector<16xf32>
        %parallel_loop3A_875 = arith.constant 0 : i32
        %parallel_loop3A_876 = arith.constant 0 : i32
        %parallel_loop3A_877 = tpu.memref_slice %arg7[%scan3A_38, %parallel_loop3A_875, %parallel_loop3A_876] : memref<2x64x129xf32, #tpu.memory_space<vmem>> -> memref<1x64x129xf32, #tpu.memory_space<vmem>>
        %parallel_loop3A_878 = tpu.memref_squeeze %parallel_loop3A_877 : memref<1x64x129xf32, #tpu.memory_space<vmem>> -> memref<64x129xf32, #tpu.memory_space<vmem>>
        tpu.vector_store_idx %parallel_loop3A_878[%add3A_3, %parallel_loop3A_864], %parallel_loop3A_874 : memref<64x129xf32, #tpu.memory_space<vmem>>[vector<16xi32>, vector<16xi32>], vector<16xf32>,
        %parallel_loop3A_879 = arith.constant 0 : i32
        %parallel_loop3A_880 = arith.constant 0 : i32
        %parallel_loop3A_881 = tpu.memref_slice %arg6[%scan3A, %parallel_loop3A_879, %parallel_loop3A_880] : memref<2x128x64xf32, #tpu.memory_space<vmem>> -> memref<1x128x64xf32, #tpu.memory_space<vmem>>
        %parallel_loop3A_882 = tpu.memref_squeeze %parallel_loop3A_881 : memref<1x128x64xf32, #tpu.memory_space<vmem>> -> memref<128x64xf32, #tpu.memory_space<vmem>>
        %parallel_loop3A_883 = arith.index_cast %parallel_loop3A_863 : i32 to index
        %parallel_loop3A_884 = arith.constant 16 : index
        %parallel_loop3A_885 = tpu.vector_load %parallel_loop3A_882[%parallel_loop3A_883, %parallel_loop3A_884] {strides = array<i32>} : memref<128x64xf32, #tpu.memory_space<vmem>>, vector<16xf32>,
        %parallel_loop3A_886 = arith.constant 8.000000e+00 : f32
        %parallel_loop3A_887 = vector.broadcast %parallel_loop3A_886 : f32 to vector<16xf32>
        %parallel_loop3A_888 = arith.mulf %parallel_loop3A_885, %parallel_loop3A_887 : vector<16xf32>
        %parallel_loop3A_889 = arith.constant 0 : i32
        %parallel_loop3A_890 = arith.constant 0 : i32
        %parallel_loop3A_891 = tpu.memref_slice %arg7[%scan3A_38, %parallel_loop3A_889, %parallel_loop3A_890] : memref<2x64x129xf32, #tpu.memory_space<vmem>> -> memref<1x64x129xf32, #tpu.memory_space<vmem>>
        %parallel_loop3A_892 = tpu.memref_squeeze %parallel_loop3A_891 : memref<1x64x129xf32, #tpu.memory_space<vmem>> -> memref<64x129xf32, #tpu.memory_space<vmem>>
        tpu.vector_store_idx %parallel_loop3A_892[%add3A_6, %parallel_loop3A_864], %parallel_loop3A_888 : memref<64x129xf32, #tpu.memory_space<vmem>>[vector<16xi32>, vector<16xi32>], vector<16xf32>,
        %parallel_loop3A_893 = arith.constant 0 : i32
        %parallel_loop3A_894 = arith.constant 0 : i32
        %parallel_loop3A_895 = tpu.memref_slice %arg6[%scan3A, %parallel_loop3A_893, %parallel_loop3A_894] : memref<2x128x64xf32, #tpu.memory_space<vmem>> -> memref<1x128x64xf32, #tpu.memory_space<vmem>>
        %parallel_loop3A_896 = tpu.memref_squeeze %parallel_loop3A_895 : memref<1x128x64xf32, #tpu.memory_space<vmem>> -> memref<128x64xf32, #tpu.memory_space<vmem>>
        %parallel_loop3A_897 = arith.index_cast %parallel_loop3A_863 : i32 to index
        %parallel_loop3A_898 = arith.constant 32 : index
        %parallel_loop3A_899 = tpu.vector_load %parallel_loop3A_896[%parallel_loop3A_897, %parallel_loop3A_898] {strides = array<i32>} : memref<128x64xf32, #tpu.memory_space<vmem>>, vector<16xf32>,
        %parallel_loop3A_900 = arith.constant 8.000000e+00 : f32
        %parallel_loop3A_901 = vector.broadcast %parallel_loop3A_900 : f32 to vector<16xf32>
        %parallel_loop3A_902 = arith.mulf %parallel_loop3A_899, %parallel_loop3A_901 : vector<16xf32>
        %parallel_loop3A_903 = arith.constant 0 : i32
        %parallel_loop3A_904 = arith.constant 0 : i32
        %parallel_loop3A_905 = tpu.memref_slice %arg7[%scan3A_38, %parallel_loop3A_903, %parallel_loop3A_904] : memref<2x64x129xf32, #tpu.memory_space<vmem>> -> memref<1x64x129xf32, #tpu.memory_space<vmem>>
        %parallel_loop3A_906 = tpu.memref_squeeze %parallel_loop3A_905 : memref<1x64x129xf32, #tpu.memory_space<vmem>> -> memref<64x129xf32, #tpu.memory_space<vmem>>
        tpu.vector_store_idx %parallel_loop3A_906[%add3A_9, %parallel_loop3A_864], %parallel_loop3A_902 : memref<64x129xf32, #tpu.memory_space<vmem>>[vector<16xi32>, vector<16xi32>], vector<16xf32>,
        %parallel_loop3A_907 = arith.constant 0 : i32
        %parallel_loop3A_908 = arith.constant 0 : i32
        %parallel_loop3A_909 = tpu.memref_slice %arg6[%scan3A, %parallel_loop3A_907, %parallel_loop3A_908] : memref<2x128x64xf32, #tpu.memory_space<vmem>> -> memref<1x128x64xf32, #tpu.memory_space<vmem>>
        %parallel_loop3A_910 = tpu.memref_squeeze %parallel_loop3A_909 : memref<1x128x64xf32, #tpu.memory_space<vmem>> -> memref<128x64xf32, #tpu.memory_space<vmem>>
        %parallel_loop3A_911 = arith.index_cast %parallel_loop3A_863 : i32 to index
        %parallel_loop3A_912 = arith.constant 48 : index
        %parallel_loop3A_913 = tpu.vector_load %parallel_loop3A_910[%parallel_loop3A_911, %parallel_loop3A_912] {strides = array<i32>} : memref<128x64xf32, #tpu.memory_space<vmem>>, vector<16xf32>,
        %parallel_loop3A_914 = arith.constant 8.000000e+00 : f32
        %parallel_loop3A_915 = vector.broadcast %parallel_loop3A_914 : f32 to vector<16xf32>
        %parallel_loop3A_916 = arith.mulf %parallel_loop3A_913, %parallel_loop3A_915 : vector<16xf32>
        %parallel_loop3A_917 = arith.constant 0 : i32
        %parallel_loop3A_918 = arith.constant 0 : i32
        %parallel_loop3A_919 = tpu.memref_slice %arg7[%scan3A_38, %parallel_loop3A_917, %parallel_loop3A_918] : memref<2x64x129xf32, #tpu.memory_space<vmem>> -> memref<1x64x129xf32, #tpu.memory_space<vmem>>
        %parallel_loop3A_920 = tpu.memref_squeeze %parallel_loop3A_919 : memref<1x64x129xf32, #tpu.memory_space<vmem>> -> memref<64x129xf32, #tpu.memory_space<vmem>>
        tpu.vector_store_idx %parallel_loop3A_920[%add3A_12, %parallel_loop3A_864], %parallel_loop3A_916 : memref<64x129xf32, #tpu.memory_space<vmem>>[vector<16xi32>, vector<16xi32>], vector<16xf32>,
      } {sc.loop_unroll_factor = 4 : i64, sc.parallel_access}
      %lt3A = arith.constant 198 : i32
      %lt3A_466 = arith.cmpi slt, %add3A_451, %lt3A : i32
      %convert_element_type3A_467 = arith.extui %lt3A_466 : i1 to i32
      %cond3A_468 = arith.constant 0 : i32
      %cond3A_469 = arith.cmpi ne, %convert_element_type3A_467, %cond3A_468 : i32
      scf.if %cond3A_469 {
        %add3A_863 = arith.constant 2 : i32
        %add3A_864 = arith.addi %add3A_451, %add3A_863 : i32
        %dma_start3A_865 = arith.constant 0 : i32
        %dma_start3A_866 = arith.constant 0 : i32
        %dma_start3A_867 = tpu.memref_slice %arg6[%scan3A, %dma_start3A_865, %dma_start3A_866] : memref<2x128x64xf32, #tpu.memory_space<vmem>> -> memref<1x128x64xf32, #tpu.memory_space<vmem>>
        %dma_start3A_868 = tpu.memref_squeeze %dma_start3A_867 : memref<1x128x64xf32, #tpu.memory_space<vmem>> -> memref<128x64xf32, #tpu.memory_space<vmem>>
        %dma_start3A_869 = arith.constant 0 : i32
        %dma_start3A_870 = tpu.memref_slice %arg5[%add3A_864, %dma_start3A_869] : memref<200x128xi32, #tpu.memory_space<vmem>> -> memref<1x128xi32, #tpu.memory_space<vmem>>
        %dma_start3A_871 = tpu.memref_squeeze %dma_start3A_870 : memref<1x128xi32, #tpu.memory_space<vmem>> -> memref<128xi32, #tpu.memory_space<vmem>>
        %dma_start3A_872 = arith.constant 0 : i32
        %dma_start3A_873 = arith.constant 0 : i32
        %dma_start3A_874 = tpu.memref_slice %arg2[%dma_start3A_872, %dma_start3A_873] : memref<2000000x64xf32, #tpu.memory_space<hbm>> -> memref<2000000x64xf32, #tpu.memory_space<hbm>>
        tpu.enqueue_indirect_dma source(%dma_start3A_874 : memref<2000000x64xf32, #tpu.memory_space<hbm>>) target(%dma_start3A_868 : memref<128x64xf32, #tpu.memory_space<vmem>>) offsets(%dma_start3A_871 : memref<128xi32, #tpu.memory_space<vmem>>) semaphore(%arg8 : memref<!tpu.dma_semaphore, #tpu.memory_space<semaphore_mem>>)
      } else {
      }
      %dma_start3A_470 = arith.constant 0 : i32
      %dma_start3A_471 = arith.constant 0 : i32
      %dma_start3A_472 = arith.constant 0 : i32
      %dma_start3A_473 = tpu.memref_slice %arg7[%scan3A_38, %dma_start3A_471, %dma_start3A_472] : memref<2x64x129xf32, #tpu.memory_space<vmem>> -> memref<1x64x129xf32, #tpu.memory_space<vmem>>
      %dma_start3A_474 = tpu.memref_squeeze %dma_start3A_473 : memref<1x64x129xf32, #tpu.memory_space<vmem>> -> memref<64x129xf32, #tpu.memory_space<vmem>>
      %dma_start3A_475 = arith.constant 0 : i32
      %dma_start3A_476 = arith.constant 0 : i32
      %dma_start3A_477 = tpu.memref_slice %dma_start3A_474[%dma_start3A_475, %dma_start3A_476] : memref<64x129xf32, #tpu.memory_space<vmem>> -> memref<8x128xf32, #tpu.memory_space<vmem>>
      %dma_start3A_478 = arith.constant 0 : i32
      %dma_start3A_479 = arith.constant 0 : i32
      %dma_start3A_480 = tpu.memref_slice %arg4[%add3A_451, %dma_start3A_470, %add3A, %dma_start3A_478, %dma_start3A_479] : memref<200x8x32x8x128xf32, #tpu.memory_space<hbm>> -> memref<1x1x1x8x128xf32, #tpu.memory_space<hbm>>
      %dma_start3A_481 = tpu.memref_squeeze %dma_start3A_480 : memref<1x1x1x8x128xf32, #tpu.memory_space<hbm>> -> memref<8x128xf32, #tpu.memory_space<hbm>>
      %dma_start3A_482 = arith.constant 0 : i32
      %dma_start3A_483 = arith.constant 0 : i32
      %dma_start3A_484 = tpu.memref_slice %arg4[%add3A_451, %dma_start3A_470, %add3A, %dma_start3A_482, %dma_start3A_483] : memref<200x8x32x8x128xf32, #tpu.memory_space<hbm>> -> memref<1x1x1x8x128xf32, #tpu.memory_space<hbm>>
      %dma_start3A_485 = tpu.memref_squeeze %dma_start3A_484 : memref<1x1x1x8x128xf32, #tpu.memory_space<hbm>> -> memref<8x128xf32, #tpu.memory_space<hbm>>
      %dma_start3A_486 = arith.constant 0 : i32
      %dma_start3A_487 = arith.constant 0 : i32
      %dma_start3A_488 = tpu.memref_slice %arg7[%scan3A_38, %dma_start3A_486, %dma_start3A_487] : memref<2x64x129xf32, #tpu.memory_space<vmem>> -> memref<1x64x129xf32, #tpu.memory_space<vmem>>
      %dma_start3A_489 = tpu.memref_squeeze %dma_start3A_488 : memref<1x64x129xf32, #tpu.memory_space<vmem>> -> memref<64x129xf32, #tpu.memory_space<vmem>>
      %dma_start3A_490 = arith.constant 0 : i32
      %dma_start3A_491 = arith.constant 0 : i32
      %dma_start3A_492 = tpu.memref_slice %dma_start3A_489[%dma_start3A_490, %dma_start3A_491] : memref<64x129xf32, #tpu.memory_space<vmem>> -> memref<8x128xf32, #tpu.memory_space<vmem>>
      tpu.enqueue_dma source(%dma_start3A_492 : memref<8x128xf32, #tpu.memory_space<vmem>>) target(%dma_start3A_485 : memref<8x128xf32, #tpu.memory_space<hbm>>) target_semaphore(%arg10 : memref<!tpu.dma_semaphore, #tpu.memory_space<semaphore_mem>>)
      %dma_start3A_493 = arith.constant 1 : i32
      %dma_start3A_494 = arith.constant 0 : i32
      %dma_start3A_495 = arith.constant 0 : i32
      %dma_start3A_496 = tpu.memref_slice %arg7[%scan3A_38, %dma_start3A_494, %dma_start3A_495] : memref<2x64x129xf32, #tpu.memory_space<vmem>> -> memref<1x64x129xf32, #tpu.memory_space<vmem>>
      %dma_start3A_497 = tpu.memref_squeeze %dma_start3A_496 : memref<1x64x129xf32, #tpu.memory_space<vmem>> -> memref<64x129xf32, #tpu.memory_space<vmem>>
      %dma_start3A_498 = arith.constant 8 : i32
      %dma_start3A_499 = arith.constant 0 : i32
      %dma_start3A_500 = tpu.memref_slice %dma_start3A_497[%dma_start3A_498, %dma_start3A_499] : memref<64x129xf32, #tpu.memory_space<vmem>> -> memref<8x128xf32, #tpu.memory_space<vmem>>
      %dma_start3A_501 = arith.constant 0 : i32
      %dma_start3A_502 = arith.constant 0 : i32
      %dma_start3A_503 = tpu.memref_slice %arg4[%add3A_451, %dma_start3A_493, %add3A, %dma_start3A_501, %dma_start3A_502] : memref<200x8x32x8x128xf32, #tpu.memory_space<hbm>> -> memref<1x1x1x8x128xf32, #tpu.memory_space<hbm>>
      %dma_start3A_504 = tpu.memref_squeeze %dma_start3A_503 : memref<1x1x1x8x128xf32, #tpu.memory_space<hbm>> -> memref<8x128xf32, #tpu.memory_space<hbm>>
      %dma_start3A_505 = arith.constant 0 : i32
      %dma_start3A_506 = arith.constant 0 : i32
      %dma_start3A_507 = tpu.memref_slice %arg4[%add3A_451, %dma_start3A_493, %add3A, %dma_start3A_505, %dma_start3A_506] : memref<200x8x32x8x128xf32, #tpu.memory_space<hbm>> -> memref<1x1x1x8x128xf32, #tpu.memory_space<hbm>>
      %dma_start3A_508 = tpu.memref_squeeze %dma_start3A_507 : memref<1x1x1x8x128xf32, #tpu.memory_space<hbm>> -> memref<8x128xf32, #tpu.memory_space<hbm>>
      %dma_start3A_509 = arith.constant 0 : i32
      %dma_start3A_510 = arith.constant 0 : i32
      %dma_start3A_511 = tpu.memref_slice %arg7[%scan3A_38, %dma_start3A_509, %dma_start3A_510] : memref<2x64x129xf32, #tpu.memory_space<vmem>> -> memref<1x64x129xf32, #tpu.memory_space<vmem>>
      %dma_start3A_512 = tpu.memref_squeeze %dma_start3A_511 : memref<1x64x129xf32, #tpu.memory_space<vmem>> -> memref<64x129xf32, #tpu.memory_space<vmem>>
      %dma_start3A_513 = arith.constant 8 : i32
      %dma_start3A_514 = arith.constant 0 : i32
      %dma_start3A_515 = tpu.memref_slice %dma_start3A_512[%dma_start3A_513, %dma_start3A_514] : memref<64x129xf32, #tpu.memory_space<vmem>> -> memref<8x128xf32, #tpu.memory_space<vmem>>
      tpu.enqueue_dma source(%dma_start3A_515 : memref<8x128xf32, #tpu.memory_space<vmem>>) target(%dma_start3A_508 : memref<8x128xf32, #tpu.memory_space<hbm>>) target_semaphore(%arg10 : memref<!tpu.dma_semaphore, #tpu.memory_space<semaphore_mem>>)
      %dma_start3A_516 = arith.constant 2 : i32
      %dma_start3A_517 = arith.constant 0 : i32
      %dma_start3A_518 = arith.constant 0 : i32
      %dma_start3A_519 = tpu.memref_slice %arg7[%scan3A_38, %dma_start3A_517, %dma_start3A_518] : memref<2x64x129xf32, #tpu.memory_space<vmem>> -> memref<1x64x129xf32, #tpu.memory_space<vmem>>
      %dma_start3A_520 = tpu.memref_squeeze %dma_start3A_519 : memref<1x64x129xf32, #tpu.memory_space<vmem>> -> memref<64x129xf32, #tpu.memory_space<vmem>>
      %dma_start3A_521 = arith.constant 16 : i32
      %dma_start3A_522 = arith.constant 0 : i32
      %dma_start3A_523 = tpu.memref_slice %dma_start3A_520[%dma_start3A_521, %dma_start3A_522] : memref<64x129xf32, #tpu.memory_space<vmem>> -> memref<8x128xf32, #tpu.memory_space<vmem>>
      %dma_start3A_524 = arith.constant 0 : i32
      %dma_start3A_525 = arith.constant 0 : i32
      %dma_start3A_526 = tpu.memref_slice %arg4[%add3A_451, %dma_start3A_516, %add3A, %dma_start3A_524, %dma_start3A_525] : memref<200x8x32x8x128xf32, #tpu.memory_space<hbm>> -> memref<1x1x1x8x128xf32, #tpu.memory_space<hbm>>
      %dma_start3A_527 = tpu.memref_squeeze %dma_start3A_526 : memref<1x1x1x8x128xf32, #tpu.memory_space<hbm>> -> memref<8x128xf32, #tpu.memory_space<hbm>>
      %dma_start3A_528 = arith.constant 0 : i32
      %dma_start3A_529 = arith.constant 0 : i32
      %dma_start3A_530 = tpu.memref_slice %arg4[%add3A_451, %dma_start3A_516, %add3A, %dma_start3A_528, %dma_start3A_529] : memref<200x8x32x8x128xf32, #tpu.memory_space<hbm>> -> memref<1x1x1x8x128xf32, #tpu.memory_space<hbm>>
      %dma_start3A_531 = tpu.memref_squeeze %dma_start3A_530 : memref<1x1x1x8x128xf32, #tpu.memory_space<hbm>> -> memref<8x128xf32, #tpu.memory_space<hbm>>
      %dma_start3A_532 = arith.constant 0 : i32
      %dma_start3A_533 = arith.constant 0 : i32
      %dma_start3A_534 = tpu.memref_slice %arg7[%scan3A_38, %dma_start3A_532, %dma_start3A_533] : memref<2x64x129xf32, #tpu.memory_space<vmem>> -> memref<1x64x129xf32, #tpu.memory_space<vmem>>
      %dma_start3A_535 = tpu.memref_squeeze %dma_start3A_534 : memref<1x64x129xf32, #tpu.memory_space<vmem>> -> memref<64x129xf32, #tpu.memory_space<vmem>>
      %dma_start3A_536 = arith.constant 16 : i32
      %dma_start3A_537 = arith.constant 0 : i32
      %dma_start3A_538 = tpu.memref_slice %dma_start3A_535[%dma_start3A_536, %dma_start3A_537] : memref<64x129xf32, #tpu.memory_space<vmem>> -> memref<8x128xf32, #tpu.memory_space<vmem>>
      tpu.enqueue_dma source(%dma_start3A_538 : memref<8x128xf32, #tpu.memory_space<vmem>>) target(%dma_start3A_531 : memref<8x128xf32, #tpu.memory_space<hbm>>) target_semaphore(%arg10 : memref<!tpu.dma_semaphore, #tpu.memory_space<semaphore_mem>>)
      %dma_start3A_539 = arith.constant 3 : i32
      %dma_start3A_540 = arith.constant 0 : i32
      %dma_start3A_541 = arith.constant 0 : i32
      %dma_start3A_542 = tpu.memref_slice %arg7[%scan3A_38, %dma_start3A_540, %dma_start3A_541] : memref<2x64x129xf32, #tpu.memory_space<vmem>> -> memref<1x64x129xf32, #tpu.memory_space<vmem>>
      %dma_start3A_543 = tpu.memref_squeeze %dma_start3A_542 : memref<1x64x129xf32, #tpu.memory_space<vmem>> -> memref<64x129xf32, #tpu.memory_space<vmem>>
      %dma_start3A_544 = arith.constant 24 : i32
      %dma_start3A_545 = arith.constant 0 : i32
      %dma_start3A_546 = tpu.memref_slice %dma_start3A_543[%dma_start3A_544, %dma_start3A_545] : memref<64x129xf32, #tpu.memory_space<vmem>> -> memref<8x128xf32, #tpu.memory_space<vmem>>
      %dma_start3A_547 = arith.constant 0 : i32
      %dma_start3A_548 = arith.constant 0 : i32
      %dma_start3A_549 = tpu.memref_slice %arg4[%add3A_451, %dma_start3A_539, %add3A, %dma_start3A_547, %dma_start3A_548] : memref<200x8x32x8x128xf32, #tpu.memory_space<hbm>> -> memref<1x1x1x8x128xf32, #tpu.memory_space<hbm>>
      %dma_start3A_550 = tpu.memref_squeeze %dma_start3A_549 : memref<1x1x1x8x128xf32, #tpu.memory_space<hbm>> -> memref<8x128xf32, #tpu.memory_space<hbm>>
      %dma_start3A_551 = arith.constant 0 : i32
      %dma_start3A_552 = arith.constant 0 : i32
      %dma_start3A_553 = tpu.memref_slice %arg4[%add3A_451, %dma_start3A_539, %add3A, %dma_start3A_551, %dma_start3A_552] : memref<200x8x32x8x128xf32, #tpu.memory_space<hbm>> -> memref<1x1x1x8x128xf32, #tpu.memory_space<hbm>>
      %dma_start3A_554 = tpu.memref_squeeze %dma_start3A_553 : memref<1x1x1x8x128xf32, #tpu.memory_space<hbm>> -> memref<8x128xf32, #tpu.memory_space<hbm>>
      %dma_start3A_555 = arith.constant 0 : i32
      %dma_start3A_556 = arith.constant 0 : i32
      %dma_start3A_557 = tpu.memref_slice %arg7[%scan3A_38, %dma_start3A_555, %dma_start3A_556] : memref<2x64x129xf32, #tpu.memory_space<vmem>> -> memref<1x64x129xf32, #tpu.memory_space<vmem>>
      %dma_start3A_558 = tpu.memref_squeeze %dma_start3A_557 : memref<1x64x129xf32, #tpu.memory_space<vmem>> -> memref<64x129xf32, #tpu.memory_space<vmem>>
      %dma_start3A_559 = arith.constant 24 : i32
      %dma_start3A_560 = arith.constant 0 : i32
      %dma_start3A_561 = tpu.memref_slice %dma_start3A_558[%dma_start3A_559, %dma_start3A_560] : memref<64x129xf32, #tpu.memory_space<vmem>> -> memref<8x128xf32, #tpu.memory_space<vmem>>
      tpu.enqueue_dma source(%dma_start3A_561 : memref<8x128xf32, #tpu.memory_space<vmem>>) target(%dma_start3A_554 : memref<8x128xf32, #tpu.memory_space<hbm>>) target_semaphore(%arg10 : memref<!tpu.dma_semaphore, #tpu.memory_space<semaphore_mem>>)
      %dma_start3A_562 = arith.constant 4 : i32
      %dma_start3A_563 = arith.constant 0 : i32
      %dma_start3A_564 = arith.constant 0 : i32
      %dma_start3A_565 = tpu.memref_slice %arg7[%scan3A_38, %dma_start3A_563, %dma_start3A_564] : memref<2x64x129xf32, #tpu.memory_space<vmem>> -> memref<1x64x129xf32, #tpu.memory_space<vmem>>
      %dma_start3A_566 = tpu.memref_squeeze %dma_start3A_565 : memref<1x64x129xf32, #tpu.memory_space<vmem>> -> memref<64x129xf32, #tpu.memory_space<vmem>>
      %dma_start3A_567 = arith.constant 32 : i32
      %dma_start3A_568 = arith.constant 0 : i32
      %dma_start3A_569 = tpu.memref_slice %dma_start3A_566[%dma_start3A_567, %dma_start3A_568] : memref<64x129xf32, #tpu.memory_space<vmem>> -> memref<8x128xf32, #tpu.memory_space<vmem>>
      %dma_start3A_570 = arith.constant 0 : i32
      %dma_start3A_571 = arith.constant 0 : i32
      %dma_start3A_572 = tpu.memref_slice %arg4[%add3A_451, %dma_start3A_562, %add3A, %dma_start3A_570, %dma_start3A_571] : memref<200x8x32x8x128xf32, #tpu.memory_space<hbm>> -> memref<1x1x1x8x128xf32, #tpu.memory_space<hbm>>
      %dma_start3A_573 = tpu.memref_squeeze %dma_start3A_572 : memref<1x1x1x8x128xf32, #tpu.memory_space<hbm>> -> memref<8x128xf32, #tpu.memory_space<hbm>>
      %dma_start3A_574 = arith.constant 0 : i32
      %dma_start3A_575 = arith.constant 0 : i32
      %dma_start3A_576 = tpu.memref_slice %arg4[%add3A_451, %dma_start3A_562, %add3A, %dma_start3A_574, %dma_start3A_575] : memref<200x8x32x8x128xf32, #tpu.memory_space<hbm>> -> memref<1x1x1x8x128xf32, #tpu.memory_space<hbm>>
      %dma_start3A_577 = tpu.memref_squeeze %dma_start3A_576 : memref<1x1x1x8x128xf32, #tpu.memory_space<hbm>> -> memref<8x128xf32, #tpu.memory_space<hbm>>
      %dma_start3A_578 = arith.constant 0 : i32
      %dma_start3A_579 = arith.constant 0 : i32
      %dma_start3A_580 = tpu.memref_slice %arg7[%scan3A_38, %dma_start3A_578, %dma_start3A_579] : memref<2x64x129xf32, #tpu.memory_space<vmem>> -> memref<1x64x129xf32, #tpu.memory_space<vmem>>
      %dma_start3A_581 = tpu.memref_squeeze %dma_start3A_580 : memref<1x64x129xf32, #tpu.memory_space<vmem>> -> memref<64x129xf32, #tpu.memory_space<vmem>>
      %dma_start3A_582 = arith.constant 32 : i32
      %dma_start3A_583 = arith.constant 0 : i32
      %dma_start3A_584 = tpu.memref_slice %dma_start3A_581[%dma_start3A_582, %dma_start3A_583] : memref<64x129xf32, #tpu.memory_space<vmem>> -> memref<8x128xf32, #tpu.memory_space<vmem>>
      tpu.enqueue_dma source(%dma_start3A_584 : memref<8x128xf32, #tpu.memory_space<vmem>>) target(%dma_start3A_577 : memref<8x128xf32, #tpu.memory_space<hbm>>) target_semaphore(%arg10 : memref<!tpu.dma_semaphore, #tpu.memory_space<semaphore_mem>>)
      %dma_start3A_585 = arith.constant 5 : i32
      %dma_start3A_586 = arith.constant 0 : i32
      %dma_start3A_587 = arith.constant 0 : i32
      %dma_start3A_588 = tpu.memref_slice %arg7[%scan3A_38, %dma_start3A_586, %dma_start3A_587] : memref<2x64x129xf32, #tpu.memory_space<vmem>> -> memref<1x64x129xf32, #tpu.memory_space<vmem>>
      %dma_start3A_589 = tpu.memref_squeeze %dma_start3A_588 : memref<1x64x129xf32, #tpu.memory_space<vmem>> -> memref<64x129xf32, #tpu.memory_space<vmem>>
      %dma_start3A_590 = arith.constant 40 : i32
      %dma_start3A_591 = arith.constant 0 : i32
      %dma_start3A_592 = tpu.memref_slice %dma_start3A_589[%dma_start3A_590, %dma_start3A_591] : memref<64x129xf32, #tpu.memory_space<vmem>> -> memref<8x128xf32, #tpu.memory_space<vmem>>
      %dma_start3A_593 = arith.constant 0 : i32
      %dma_start3A_594 = arith.constant 0 : i32
      %dma_start3A_595 = tpu.memref_slice %arg4[%add3A_451, %dma_start3A_585, %add3A, %dma_start3A_593, %dma_start3A_594] : memref<200x8x32x8x128xf32, #tpu.memory_space<hbm>> -> memref<1x1x1x8x128xf32, #tpu.memory_space<hbm>>
      %dma_start3A_596 = tpu.memref_squeeze %dma_start3A_595 : memref<1x1x1x8x128xf32, #tpu.memory_space<hbm>> -> memref<8x128xf32, #tpu.memory_space<hbm>>
      %dma_start3A_597 = arith.constant 0 : i32
      %dma_start3A_598 = arith.constant 0 : i32
      %dma_start3A_599 = tpu.memref_slice %arg4[%add3A_451, %dma_start3A_585, %add3A, %dma_start3A_597, %dma_start3A_598] : memref<200x8x32x8x128xf32, #tpu.memory_space<hbm>> -> memref<1x1x1x8x128xf32, #tpu.memory_space<hbm>>
      %dma_start3A_600 = tpu.memref_squeeze %dma_start3A_599 : memref<1x1x1x8x128xf32, #tpu.memory_space<hbm>> -> memref<8x128xf32, #tpu.memory_space<hbm>>
      %dma_start3A_601 = arith.constant 0 : i32
      %dma_start3A_602 = arith.constant 0 : i32
      %dma_start3A_603 = tpu.memref_slice %arg7[%scan3A_38, %dma_start3A_601, %dma_start3A_602] : memref<2x64x129xf32, #tpu.memory_space<vmem>> -> memref<1x64x129xf32, #tpu.memory_space<vmem>>
      %dma_start3A_604 = tpu.memref_squeeze %dma_start3A_603 : memref<1x64x129xf32, #tpu.memory_space<vmem>> -> memref<64x129xf32, #tpu.memory_space<vmem>>
      %dma_start3A_605 = arith.constant 40 : i32
      %dma_start3A_606 = arith.constant 0 : i32
      %dma_start3A_607 = tpu.memref_slice %dma_start3A_604[%dma_start3A_605, %dma_start3A_606] : memref<64x129xf32, #tpu.memory_space<vmem>> -> memref<8x128xf32, #tpu.memory_space<vmem>>
      tpu.enqueue_dma source(%dma_start3A_607 : memref<8x128xf32, #tpu.memory_space<vmem>>) target(%dma_start3A_600 : memref<8x128xf32, #tpu.memory_space<hbm>>) target_semaphore(%arg10 : memref<!tpu.dma_semaphore, #tpu.memory_space<semaphore_mem>>)
      %dma_start3A_608 = arith.constant 6 : i32
      %dma_start3A_609 = arith.constant 0 : i32
      %dma_start3A_610 = arith.constant 0 : i32
      %dma_start3A_611 = tpu.memref_slice %arg7[%scan3A_38, %dma_start3A_609, %dma_start3A_610] : memref<2x64x129xf32, #tpu.memory_space<vmem>> -> memref<1x64x129xf32, #tpu.memory_space<vmem>>
      %dma_start3A_612 = tpu.memref_squeeze %dma_start3A_611 : memref<1x64x129xf32, #tpu.memory_space<vmem>> -> memref<64x129xf32, #tpu.memory_space<vmem>>
      %dma_start3A_613 = arith.constant 48 : i32
      %dma_start3A_614 = arith.constant 0 : i32
      %dma_start3A_615 = tpu.memref_slice %dma_start3A_612[%dma_start3A_613, %dma_start3A_614] : memref<64x129xf32, #tpu.memory_space<vmem>> -> memref<8x128xf32, #tpu.memory_space<vmem>>
      %dma_start3A_616 = arith.constant 0 : i32
      %dma_start3A_617 = arith.constant 0 : i32
      %dma_start3A_618 = tpu.memref_slice %arg4[%add3A_451, %dma_start3A_608, %add3A, %dma_start3A_616, %dma_start3A_617] : memref<200x8x32x8x128xf32, #tpu.memory_space<hbm>> -> memref<1x1x1x8x128xf32, #tpu.memory_space<hbm>>
      %dma_start3A_619 = tpu.memref_squeeze %dma_start3A_618 : memref<1x1x1x8x128xf32, #tpu.memory_space<hbm>> -> memref<8x128xf32, #tpu.memory_space<hbm>>
      %dma_start3A_620 = arith.constant 0 : i32
      %dma_start3A_621 = arith.constant 0 : i32
      %dma_start3A_622 = tpu.memref_slice %arg4[%add3A_451, %dma_start3A_608, %add3A, %dma_start3A_620, %dma_start3A_621] : memref<200x8x32x8x128xf32, #tpu.memory_space<hbm>> -> memref<1x1x1x8x128xf32, #tpu.memory_space<hbm>>
      %dma_start3A_623 = tpu.memref_squeeze %dma_start3A_622 : memref<1x1x1x8x128xf32, #tpu.memory_space<hbm>> -> memref<8x128xf32, #tpu.memory_space<hbm>>
      %dma_start3A_624 = arith.constant 0 : i32
      %dma_start3A_625 = arith.constant 0 : i32
      %dma_start3A_626 = tpu.memref_slice %arg7[%scan3A_38, %dma_start3A_624, %dma_start3A_625] : memref<2x64x129xf32, #tpu.memory_space<vmem>> -> memref<1x64x129xf32, #tpu.memory_space<vmem>>
      %dma_start3A_627 = tpu.memref_squeeze %dma_start3A_626 : memref<1x64x129xf32, #tpu.memory_space<vmem>> -> memref<64x129xf32, #tpu.memory_space<vmem>>
      %dma_start3A_628 = arith.constant 48 : i32
      %dma_start3A_629 = arith.constant 0 : i32
      %dma_start3A_630 = tpu.memref_slice %dma_start3A_627[%dma_start3A_628, %dma_start3A_629] : memref<64x129xf32, #tpu.memory_space<vmem>> -> memref<8x128xf32, #tpu.memory_space<vmem>>
      tpu.enqueue_dma source(%dma_start3A_630 : memref<8x128xf32, #tpu.memory_space<vmem>>) target(%dma_start3A_623 : memref<8x128xf32, #tpu.memory_space<hbm>>) target_semaphore(%arg10 : memref<!tpu.dma_semaphore, #tpu.memory_space<semaphore_mem>>)
      %dma_start3A_631 = arith.constant 7 : i32
      %dma_start3A_632 = arith.constant 0 : i32
      %dma_start3A_633 = arith.constant 0 : i32
      %dma_start3A_634 = tpu.memref_slice %arg7[%scan3A_38, %dma_start3A_632, %dma_start3A_633] : memref<2x64x129xf32, #tpu.memory_space<vmem>> -> memref<1x64x129xf32, #tpu.memory_space<vmem>>
      %dma_start3A_635 = tpu.memref_squeeze %dma_start3A_634 : memref<1x64x129xf32, #tpu.memory_space<vmem>> -> memref<64x129xf32, #tpu.memory_space<vmem>>
      %dma_start3A_636 = arith.constant 56 : i32
      %dma_start3A_637 = arith.constant 0 : i32
      %dma_start3A_638 = tpu.memref_slice %dma_start3A_635[%dma_start3A_636, %dma_start3A_637] : memref<64x129xf32, #tpu.memory_space<vmem>> -> memref<8x128xf32, #tpu.memory_space<vmem>>
      %dma_start3A_639 = arith.constant 0 : i32
      %dma_start3A_640 = arith.constant 0 : i32
      %dma_start3A_641 = tpu.memref_slice %arg4[%add3A_451, %dma_start3A_631, %add3A, %dma_start3A_639, %dma_start3A_640] : memref<200x8x32x8x128xf32, #tpu.memory_space<hbm>> -> memref<1x1x1x8x128xf32, #tpu.memory_space<hbm>>
      %dma_start3A_642 = tpu.memref_squeeze %dma_start3A_641 : memref<1x1x1x8x128xf32, #tpu.memory_space<hbm>> -> memref<8x128xf32, #tpu.memory_space<hbm>>
      %dma_start3A_643 = arith.constant 0 : i32
      %dma_start3A_644 = arith.constant 0 : i32
      %dma_start3A_645 = tpu.memref_slice %arg4[%add3A_451, %dma_start3A_631, %add3A, %dma_start3A_643, %dma_start3A_644] : memref<200x8x32x8x128xf32, #tpu.memory_space<hbm>> -> memref<1x1x1x8x128xf32, #tpu.memory_space<hbm>>
      %dma_start3A_646 = tpu.memref_squeeze %dma_start3A_645 : memref<1x1x1x8x128xf32, #tpu.memory_space<hbm>> -> memref<8x128xf32, #tpu.memory_space<hbm>>
      %dma_start3A_647 = arith.constant 0 : i32
      %dma_start3A_648 = arith.constant 0 : i32
      %dma_start3A_649 = tpu.memref_slice %arg7[%scan3A_38, %dma_start3A_647, %dma_start3A_648] : memref<2x64x129xf32, #tpu.memory_space<vmem>> -> memref<1x64x129xf32, #tpu.memory_space<vmem>>
      %dma_start3A_650 = tpu.memref_squeeze %dma_start3A_649 : memref<1x64x129xf32, #tpu.memory_space<vmem>> -> memref<64x129xf32, #tpu.memory_space<vmem>>
      %dma_start3A_651 = arith.constant 56 : i32
      %dma_start3A_652 = arith.constant 0 : i32
      %dma_start3A_653 = tpu.memref_slice %dma_start3A_650[%dma_start3A_651, %dma_start3A_652] : memref<64x129xf32, #tpu.memory_space<vmem>> -> memref<8x128xf32, #tpu.memory_space<vmem>>
      tpu.enqueue_dma source(%dma_start3A_653 : memref<8x128xf32, #tpu.memory_space<vmem>>) target(%dma_start3A_646 : memref<8x128xf32, #tpu.memory_space<hbm>>) target_semaphore(%arg10 : memref<!tpu.dma_semaphore, #tpu.memory_space<semaphore_mem>>)
      %add3A_654 = arith.constant 1 : i32
      %add3A_655 = arith.addi %add3A_449, %add3A_654 : i32
      %dma_wait3A_656 = arith.constant 0 : i32
      %dma_wait3A_657 = arith.constant 0 : i32
      %dma_wait3A_658 = tpu.memref_slice %arg6[%scan3A_39, %dma_wait3A_656, %dma_wait3A_657] : memref<2x128x64xf32, #tpu.memory_space<vmem>> -> memref<1x128x64xf32, #tpu.memory_space<vmem>>
      %dma_wait3A_659 = tpu.memref_squeeze %dma_wait3A_658 : memref<1x128x64xf32, #tpu.memory_space<vmem>> -> memref<128x64xf32, #tpu.memory_space<vmem>>
      %dma_wait3A_660 = arith.constant 0 : i32
      %dma_wait3A_661 = tpu.memref_slice %arg5[%add3A_655, %dma_wait3A_660] : memref<200x128xi32, #tpu.memory_space<vmem>> -> memref<1x128xi32, #tpu.memory_space<vmem>>
      %dma_wait3A_662 = tpu.memref_squeeze %dma_wait3A_661 : memref<1x128xi32, #tpu.memory_space<vmem>> -> memref<128xi32, #tpu.memory_space<vmem>>
      %dma_wait3A_663 = arith.constant 0 : i32
      %dma_wait3A_664 = arith.constant 0 : i32
      %dma_wait3A_665 = tpu.memref_slice %arg2[%dma_wait3A_663, %dma_wait3A_664] : memref<2000000x64xf32, #tpu.memory_space<hbm>> -> memref<2000000x64xf32, #tpu.memory_space<hbm>>
      tpu.wait_indirect_dma semaphore(%arg9 : memref<!tpu.dma_semaphore, #tpu.memory_space<semaphore_mem>>) src(%dma_wait3A_665 : memref<2000000x64xf32, #tpu.memory_space<hbm>>) dst(%dma_wait3A_659 : memref<128x64xf32, #tpu.memory_space<vmem>>)
      %ge3A_666 = arith.constant 2 : i32
      %ge3A_667 = arith.cmpi sge, %add3A_655, %ge3A_666 : i32
      %convert_element_type3A_668 = arith.extui %ge3A_667 : i1 to i32
      %cond3A_669 = arith.constant 0 : i32
      %cond3A_670 = arith.cmpi ne, %convert_element_type3A_668, %cond3A_669 : i32
      scf.if %cond3A_670 {
        %sub3A = arith.constant 2 : i32
        %sub3A_863 = arith.subi %add3A_655, %sub3A : i32
        %dma_wait3A_864 = arith.constant 0 : i32
        %dma_wait3A_865 = arith.constant 0 : i32
        %dma_wait3A_866 = arith.constant 0 : i32
        %dma_wait3A_867 = tpu.memref_slice %arg7[%scan3A_40, %dma_wait3A_865, %dma_wait3A_866] : memref<2x64x129xf32, #tpu.memory_space<vmem>> -> memref<1x64x129xf32, #tpu.memory_space<vmem>>
        %dma_wait3A_868 = tpu.memref_squeeze %dma_wait3A_867 : memref<1x64x129xf32, #tpu.memory_space<vmem>> -> memref<64x129xf32, #tpu.memory_space<vmem>>
        %dma_wait3A_869 = arith.constant 0 : i32
        %dma_wait3A_870 = arith.constant 0 : i32
        %dma_wait3A_871 = tpu.memref_slice %dma_wait3A_868[%dma_wait3A_869, %dma_wait3A_870] : memref<64x129xf32, #tpu.memory_space<vmem>> -> memref<8x128xf32, #tpu.memory_space<vmem>>
        %dma_wait3A_872 = arith.constant 0 : i32
        %dma_wait3A_873 = arith.constant 0 : i32
        %dma_wait3A_874 = tpu.memref_slice %arg4[%sub3A_863, %dma_wait3A_864, %add3A, %dma_wait3A_872, %dma_wait3A_873] : memref<200x8x32x8x128xf32, #tpu.memory_space<hbm>> -> memref<1x1x1x8x128xf32, #tpu.memory_space<hbm>>
        %dma_wait3A_875 = tpu.memref_squeeze %dma_wait3A_874 : memref<1x1x1x8x128xf32, #tpu.memory_space<hbm>> -> memref<8x128xf32, #tpu.memory_space<hbm>>
        %dma_wait3A_876 = arith.constant 0 : i32
        %dma_wait3A_877 = arith.constant 0 : i32
        %dma_wait3A_878 = tpu.memref_slice %arg4[%sub3A_863, %dma_wait3A_864, %add3A, %dma_wait3A_876, %dma_wait3A_877] : memref<200x8x32x8x128xf32, #tpu.memory_space<hbm>> -> memref<1x1x1x8x128xf32, #tpu.memory_space<hbm>>
        %dma_wait3A_879 = tpu.memref_squeeze %dma_wait3A_878 : memref<1x1x1x8x128xf32, #tpu.memory_space<hbm>> -> memref<8x128xf32, #tpu.memory_space<hbm>>
        %dma_wait3A_880 = arith.constant 0 : i32
        %dma_wait3A_881 = arith.constant 0 : i32
        %dma_wait3A_882 = tpu.memref_slice %arg7[%scan3A_40, %dma_wait3A_880, %dma_wait3A_881] : memref<2x64x129xf32, #tpu.memory_space<vmem>> -> memref<1x64x129xf32, #tpu.memory_space<vmem>>
        %dma_wait3A_883 = tpu.memref_squeeze %dma_wait3A_882 : memref<1x64x129xf32, #tpu.memory_space<vmem>> -> memref<64x129xf32, #tpu.memory_space<vmem>>
        %dma_wait3A_884 = arith.constant 0 : i32
        %dma_wait3A_885 = arith.constant 0 : i32
        %dma_wait3A_886 = tpu.memref_slice %dma_wait3A_883[%dma_wait3A_884, %dma_wait3A_885] : memref<64x129xf32, #tpu.memory_space<vmem>> -> memref<8x128xf32, #tpu.memory_space<vmem>>
        tpu.wait_dma2 semaphore(%arg11 : memref<!tpu.dma_semaphore, #tpu.memory_space<semaphore_mem>>) src(%dma_wait3A_886 : memref<8x128xf32, #tpu.memory_space<vmem>>) dst(%dma_wait3A_879 : memref<8x128xf32, #tpu.memory_space<hbm>>)
        %dma_wait3A_887 = arith.constant 1 : i32
        %dma_wait3A_888 = arith.constant 0 : i32
        %dma_wait3A_889 = arith.constant 0 : i32
        %dma_wait3A_890 = tpu.memref_slice %arg7[%scan3A_40, %dma_wait3A_888, %dma_wait3A_889] : memref<2x64x129xf32, #tpu.memory_space<vmem>> -> memref<1x64x129xf32, #tpu.memory_space<vmem>>
        %dma_wait3A_891 = tpu.memref_squeeze %dma_wait3A_890 : memref<1x64x129xf32, #tpu.memory_space<vmem>> -> memref<64x129xf32, #tpu.memory_space<vmem>>
        %dma_wait3A_892 = arith.constant 8 : i32
        %dma_wait3A_893 = arith.constant 0 : i32
        %dma_wait3A_894 = tpu.memref_slice %dma_wait3A_891[%dma_wait3A_892, %dma_wait3A_893] : memref<64x129xf32, #tpu.memory_space<vmem>> -> memref<8x128xf32, #tpu.memory_space<vmem>>
        %dma_wait3A_895 = arith.constant 0 : i32
        %dma_wait3A_896 = arith.constant 0 : i32
        %dma_wait3A_897 = tpu.memref_slice %arg4[%sub3A_863, %dma_wait3A_887, %add3A, %dma_wait3A_895, %dma_wait3A_896] : memref<200x8x32x8x128xf32, #tpu.memory_space<hbm>> -> memref<1x1x1x8x128xf32, #tpu.memory_space<hbm>>
        %dma_wait3A_898 = tpu.memref_squeeze %dma_wait3A_897 : memref<1x1x1x8x128xf32, #tpu.memory_space<hbm>> -> memref<8x128xf32, #tpu.memory_space<hbm>>
        %dma_wait3A_899 = arith.constant 0 : i32
        %dma_wait3A_900 = arith.constant 0 : i32
        %dma_wait3A_901 = tpu.memref_slice %arg4[%sub3A_863, %dma_wait3A_887, %add3A, %dma_wait3A_899, %dma_wait3A_900] : memref<200x8x32x8x128xf32, #tpu.memory_space<hbm>> -> memref<1x1x1x8x128xf32, #tpu.memory_space<hbm>>
        %dma_wait3A_902 = tpu.memref_squeeze %dma_wait3A_901 : memref<1x1x1x8x128xf32, #tpu.memory_space<hbm>> -> memref<8x128xf32, #tpu.memory_space<hbm>>
        %dma_wait3A_903 = arith.constant 0 : i32
        %dma_wait3A_904 = arith.constant 0 : i32
        %dma_wait3A_905 = tpu.memref_slice %arg7[%scan3A_40, %dma_wait3A_903, %dma_wait3A_904] : memref<2x64x129xf32, #tpu.memory_space<vmem>> -> memref<1x64x129xf32, #tpu.memory_space<vmem>>
        %dma_wait3A_906 = tpu.memref_squeeze %dma_wait3A_905 : memref<1x64x129xf32, #tpu.memory_space<vmem>> -> memref<64x129xf32, #tpu.memory_space<vmem>>
        %dma_wait3A_907 = arith.constant 8 : i32
        %dma_wait3A_908 = arith.constant 0 : i32
        %dma_wait3A_909 = tpu.memref_slice %dma_wait3A_906[%dma_wait3A_907, %dma_wait3A_908] : memref<64x129xf32, #tpu.memory_space<vmem>> -> memref<8x128xf32, #tpu.memory_space<vmem>>
        tpu.wait_dma2 semaphore(%arg11 : memref<!tpu.dma_semaphore, #tpu.memory_space<semaphore_mem>>) src(%dma_wait3A_909 : memref<8x128xf32, #tpu.memory_space<vmem>>) dst(%dma_wait3A_902 : memref<8x128xf32, #tpu.memory_space<hbm>>)
        %dma_wait3A_910 = arith.constant 2 : i32
        %dma_wait3A_911 = arith.constant 0 : i32
        %dma_wait3A_912 = arith.constant 0 : i32
        %dma_wait3A_913 = tpu.memref_slice %arg7[%scan3A_40, %dma_wait3A_911, %dma_wait3A_912] : memref<2x64x129xf32, #tpu.memory_space<vmem>> -> memref<1x64x129xf32, #tpu.memory_space<vmem>>
        %dma_wait3A_914 = tpu.memref_squeeze %dma_wait3A_913 : memref<1x64x129xf32, #tpu.memory_space<vmem>> -> memref<64x129xf32, #tpu.memory_space<vmem>>
        %dma_wait3A_915 = arith.constant 16 : i32
        %dma_wait3A_916 = arith.constant 0 : i32
        %dma_wait3A_917 = tpu.memref_slice %dma_wait3A_914[%dma_wait3A_915, %dma_wait3A_916] : memref<64x129xf32, #tpu.memory_space<vmem>> -> memref<8x128xf32, #tpu.memory_space<vmem>>
        %dma_wait3A_918 = arith.constant 0 : i32
        %dma_wait3A_919 = arith.constant 0 : i32
        %dma_wait3A_920 = tpu.memref_slice %arg4[%sub3A_863, %dma_wait3A_910, %add3A, %dma_wait3A_918, %dma_wait3A_919] : memref<200x8x32x8x128xf32, #tpu.memory_space<hbm>> -> memref<1x1x1x8x128xf32, #tpu.memory_space<hbm>>
        %dma_wait3A_921 = tpu.memref_squeeze %dma_wait3A_920 : memref<1x1x1x8x128xf32, #tpu.memory_space<hbm>> -> memref<8x128xf32, #tpu.memory_space<hbm>>
        %dma_wait3A_922 = arith.constant 0 : i32
        %dma_wait3A_923 = arith.constant 0 : i32
        %dma_wait3A_924 = tpu.memref_slice %arg4[%sub3A_863, %dma_wait3A_910, %add3A, %dma_wait3A_922, %dma_wait3A_923] : memref<200x8x32x8x128xf32, #tpu.memory_space<hbm>> -> memref<1x1x1x8x128xf32, #tpu.memory_space<hbm>>
        %dma_wait3A_925 = tpu.memref_squeeze %dma_wait3A_924 : memref<1x1x1x8x128xf32, #tpu.memory_space<hbm>> -> memref<8x128xf32, #tpu.memory_space<hbm>>
        %dma_wait3A_926 = arith.constant 0 : i32
        %dma_wait3A_927 = arith.constant 0 : i32
        %dma_wait3A_928 = tpu.memref_slice %arg7[%scan3A_40, %dma_wait3A_926, %dma_wait3A_927] : memref<2x64x129xf32, #tpu.memory_space<vmem>> -> memref<1x64x129xf32, #tpu.memory_space<vmem>>
        %dma_wait3A_929 = tpu.memref_squeeze %dma_wait3A_928 : memref<1x64x129xf32, #tpu.memory_space<vmem>> -> memref<64x129xf32, #tpu.memory_space<vmem>>
        %dma_wait3A_930 = arith.constant 16 : i32
        %dma_wait3A_931 = arith.constant 0 : i32
        %dma_wait3A_932 = tpu.memref_slice %dma_wait3A_929[%dma_wait3A_930, %dma_wait3A_931] : memref<64x129xf32, #tpu.memory_space<vmem>> -> memref<8x128xf32, #tpu.memory_space<vmem>>
        tpu.wait_dma2 semaphore(%arg11 : memref<!tpu.dma_semaphore, #tpu.memory_space<semaphore_mem>>) src(%dma_wait3A_932 : memref<8x128xf32, #tpu.memory_space<vmem>>) dst(%dma_wait3A_925 : memref<8x128xf32, #tpu.memory_space<hbm>>)
        %dma_wait3A_933 = arith.constant 3 : i32
        %dma_wait3A_934 = arith.constant 0 : i32
        %dma_wait3A_935 = arith.constant 0 : i32
        %dma_wait3A_936 = tpu.memref_slice %arg7[%scan3A_40, %dma_wait3A_934, %dma_wait3A_935] : memref<2x64x129xf32, #tpu.memory_space<vmem>> -> memref<1x64x129xf32, #tpu.memory_space<vmem>>
        %dma_wait3A_937 = tpu.memref_squeeze %dma_wait3A_936 : memref<1x64x129xf32, #tpu.memory_space<vmem>> -> memref<64x129xf32, #tpu.memory_space<vmem>>
        %dma_wait3A_938 = arith.constant 24 : i32
        %dma_wait3A_939 = arith.constant 0 : i32
        %dma_wait3A_940 = tpu.memref_slice %dma_wait3A_937[%dma_wait3A_938, %dma_wait3A_939] : memref<64x129xf32, #tpu.memory_space<vmem>> -> memref<8x128xf32, #tpu.memory_space<vmem>>
        %dma_wait3A_941 = arith.constant 0 : i32
        %dma_wait3A_942 = arith.constant 0 : i32
        %dma_wait3A_943 = tpu.memref_slice %arg4[%sub3A_863, %dma_wait3A_933, %add3A, %dma_wait3A_941, %dma_wait3A_942] : memref<200x8x32x8x128xf32, #tpu.memory_space<hbm>> -> memref<1x1x1x8x128xf32, #tpu.memory_space<hbm>>
        %dma_wait3A_944 = tpu.memref_squeeze %dma_wait3A_943 : memref<1x1x1x8x128xf32, #tpu.memory_space<hbm>> -> memref<8x128xf32, #tpu.memory_space<hbm>>
        %dma_wait3A_945 = arith.constant 0 : i32
        %dma_wait3A_946 = arith.constant 0 : i32
        %dma_wait3A_947 = tpu.memref_slice %arg4[%sub3A_863, %dma_wait3A_933, %add3A, %dma_wait3A_945, %dma_wait3A_946] : memref<200x8x32x8x128xf32, #tpu.memory_space<hbm>> -> memref<1x1x1x8x128xf32, #tpu.memory_space<hbm>>
        %dma_wait3A_948 = tpu.memref_squeeze %dma_wait3A_947 : memref<1x1x1x8x128xf32, #tpu.memory_space<hbm>> -> memref<8x128xf32, #tpu.memory_space<hbm>>
        %dma_wait3A_949 = arith.constant 0 : i32
        %dma_wait3A_950 = arith.constant 0 : i32
        %dma_wait3A_951 = tpu.memref_slice %arg7[%scan3A_40, %dma_wait3A_949, %dma_wait3A_950] : memref<2x64x129xf32, #tpu.memory_space<vmem>> -> memref<1x64x129xf32, #tpu.memory_space<vmem>>
        %dma_wait3A_952 = tpu.memref_squeeze %dma_wait3A_951 : memref<1x64x129xf32, #tpu.memory_space<vmem>> -> memref<64x129xf32, #tpu.memory_space<vmem>>
        %dma_wait3A_953 = arith.constant 24 : i32
        %dma_wait3A_954 = arith.constant 0 : i32
        %dma_wait3A_955 = tpu.memref_slice %dma_wait3A_952[%dma_wait3A_953, %dma_wait3A_954] : memref<64x129xf32, #tpu.memory_space<vmem>> -> memref<8x128xf32, #tpu.memory_space<vmem>>
        tpu.wait_dma2 semaphore(%arg11 : memref<!tpu.dma_semaphore, #tpu.memory_space<semaphore_mem>>) src(%dma_wait3A_955 : memref<8x128xf32, #tpu.memory_space<vmem>>) dst(%dma_wait3A_948 : memref<8x128xf32, #tpu.memory_space<hbm>>)
        %dma_wait3A_956 = arith.constant 4 : i32
        %dma_wait3A_957 = arith.constant 0 : i32
        %dma_wait3A_958 = arith.constant 0 : i32
        %dma_wait3A_959 = tpu.memref_slice %arg7[%scan3A_40, %dma_wait3A_957, %dma_wait3A_958] : memref<2x64x129xf32, #tpu.memory_space<vmem>> -> memref<1x64x129xf32, #tpu.memory_space<vmem>>
        %dma_wait3A_960 = tpu.memref_squeeze %dma_wait3A_959 : memref<1x64x129xf32, #tpu.memory_space<vmem>> -> memref<64x129xf32, #tpu.memory_space<vmem>>
        %dma_wait3A_961 = arith.constant 32 : i32
        %dma_wait3A_962 = arith.constant 0 : i32
        %dma_wait3A_963 = tpu.memref_slice %dma_wait3A_960[%dma_wait3A_961, %dma_wait3A_962] : memref<64x129xf32, #tpu.memory_space<vmem>> -> memref<8x128xf32, #tpu.memory_space<vmem>>
        %dma_wait3A_964 = arith.constant 0 : i32
        %dma_wait3A_965 = arith.constant 0 : i32
        %dma_wait3A_966 = tpu.memref_slice %arg4[%sub3A_863, %dma_wait3A_956, %add3A, %dma_wait3A_964, %dma_wait3A_965] : memref<200x8x32x8x128xf32, #tpu.memory_space<hbm>> -> memref<1x1x1x8x128xf32, #tpu.memory_space<hbm>>
        %dma_wait3A_967 = tpu.memref_squeeze %dma_wait3A_966 : memref<1x1x1x8x128xf32, #tpu.memory_space<hbm>> -> memref<8x128xf32, #tpu.memory_space<hbm>>
        %dma_wait3A_968 = arith.constant 0 : i32
        %dma_wait3A_969 = arith.constant 0 : i32
        %dma_wait3A_970 = tpu.memref_slice %arg4[%sub3A_863, %dma_wait3A_956, %add3A, %dma_wait3A_968, %dma_wait3A_969] : memref<200x8x32x8x128xf32, #tpu.memory_space<hbm>> -> memref<1x1x1x8x128xf32, #tpu.memory_space<hbm>>
        %dma_wait3A_971 = tpu.memref_squeeze %dma_wait3A_970 : memref<1x1x1x8x128xf32, #tpu.memory_space<hbm>> -> memref<8x128xf32, #tpu.memory_space<hbm>>
        %dma_wait3A_972 = arith.constant 0 : i32
        %dma_wait3A_973 = arith.constant 0 : i32
        %dma_wait3A_974 = tpu.memref_slice %arg7[%scan3A_40, %dma_wait3A_972, %dma_wait3A_973] : memref<2x64x129xf32, #tpu.memory_space<vmem>> -> memref<1x64x129xf32, #tpu.memory_space<vmem>>
        %dma_wait3A_975 = tpu.memref_squeeze %dma_wait3A_974 : memref<1x64x129xf32, #tpu.memory_space<vmem>> -> memref<64x129xf32, #tpu.memory_space<vmem>>
        %dma_wait3A_976 = arith.constant 32 : i32
        %dma_wait3A_977 = arith.constant 0 : i32
        %dma_wait3A_978 = tpu.memref_slice %dma_wait3A_975[%dma_wait3A_976, %dma_wait3A_977] : memref<64x129xf32, #tpu.memory_space<vmem>> -> memref<8x128xf32, #tpu.memory_space<vmem>>
        tpu.wait_dma2 semaphore(%arg11 : memref<!tpu.dma_semaphore, #tpu.memory_space<semaphore_mem>>) src(%dma_wait3A_978 : memref<8x128xf32, #tpu.memory_space<vmem>>) dst(%dma_wait3A_971 : memref<8x128xf32, #tpu.memory_space<hbm>>)
        %dma_wait3A_979 = arith.constant 5 : i32
        %dma_wait3A_980 = arith.constant 0 : i32
        %dma_wait3A_981 = arith.constant 0 : i32
        %dma_wait3A_982 = tpu.memref_slice %arg7[%scan3A_40, %dma_wait3A_980, %dma_wait3A_981] : memref<2x64x129xf32, #tpu.memory_space<vmem>> -> memref<1x64x129xf32, #tpu.memory_space<vmem>>
        %dma_wait3A_983 = tpu.memref_squeeze %dma_wait3A_982 : memref<1x64x129xf32, #tpu.memory_space<vmem>> -> memref<64x129xf32, #tpu.memory_space<vmem>>
        %dma_wait3A_984 = arith.constant 40 : i32
        %dma_wait3A_985 = arith.constant 0 : i32
        %dma_wait3A_986 = tpu.memref_slice %dma_wait3A_983[%dma_wait3A_984, %dma_wait3A_985] : memref<64x129xf32, #tpu.memory_space<vmem>> -> memref<8x128xf32, #tpu.memory_space<vmem>>
        %dma_wait3A_987 = arith.constant 0 : i32
        %dma_wait3A_988 = arith.constant 0 : i32
        %dma_wait3A_989 = tpu.memref_slice %arg4[%sub3A_863, %dma_wait3A_979, %add3A, %dma_wait3A_987, %dma_wait3A_988] : memref<200x8x32x8x128xf32, #tpu.memory_space<hbm>> -> memref<1x1x1x8x128xf32, #tpu.memory_space<hbm>>
        %dma_wait3A_990 = tpu.memref_squeeze %dma_wait3A_989 : memref<1x1x1x8x128xf32, #tpu.memory_space<hbm>> -> memref<8x128xf32, #tpu.memory_space<hbm>>
        %dma_wait3A_991 = arith.constant 0 : i32
        %dma_wait3A_992 = arith.constant 0 : i32
        %dma_wait3A_993 = tpu.memref_slice %arg4[%sub3A_863, %dma_wait3A_979, %add3A, %dma_wait3A_991, %dma_wait3A_992] : memref<200x8x32x8x128xf32, #tpu.memory_space<hbm>> -> memref<1x1x1x8x128xf32, #tpu.memory_space<hbm>>
        %dma_wait3A_994 = tpu.memref_squeeze %dma_wait3A_993 : memref<1x1x1x8x128xf32, #tpu.memory_space<hbm>> -> memref<8x128xf32, #tpu.memory_space<hbm>>
        %dma_wait3A_995 = arith.constant 0 : i32
        %dma_wait3A_996 = arith.constant 0 : i32
        %dma_wait3A_997 = tpu.memref_slice %arg7[%scan3A_40, %dma_wait3A_995, %dma_wait3A_996] : memref<2x64x129xf32, #tpu.memory_space<vmem>> -> memref<1x64x129xf32, #tpu.memory_space<vmem>>
        %dma_wait3A_998 = tpu.memref_squeeze %dma_wait3A_997 : memref<1x64x129xf32, #tpu.memory_space<vmem>> -> memref<64x129xf32, #tpu.memory_space<vmem>>
        %dma_wait3A_999 = arith.constant 40 : i32
        %dma_wait3A_1000 = arith.constant 0 : i32
        %dma_wait3A_1001 = tpu.memref_slice %dma_wait3A_998[%dma_wait3A_999, %dma_wait3A_1000] : memref<64x129xf32, #tpu.memory_space<vmem>> -> memref<8x128xf32, #tpu.memory_space<vmem>>
        tpu.wait_dma2 semaphore(%arg11 : memref<!tpu.dma_semaphore, #tpu.memory_space<semaphore_mem>>) src(%dma_wait3A_1001 : memref<8x128xf32, #tpu.memory_space<vmem>>) dst(%dma_wait3A_994 : memref<8x128xf32, #tpu.memory_space<hbm>>)
        %dma_wait3A_1002 = arith.constant 6 : i32
        %dma_wait3A_1003 = arith.constant 0 : i32
        %dma_wait3A_1004 = arith.constant 0 : i32
        %dma_wait3A_1005 = tpu.memref_slice %arg7[%scan3A_40, %dma_wait3A_1003, %dma_wait3A_1004] : memref<2x64x129xf32, #tpu.memory_space<vmem>> -> memref<1x64x129xf32, #tpu.memory_space<vmem>>
        %dma_wait3A_1006 = tpu.memref_squeeze %dma_wait3A_1005 : memref<1x64x129xf32, #tpu.memory_space<vmem>> -> memref<64x129xf32, #tpu.memory_space<vmem>>
        %dma_wait3A_1007 = arith.constant 48 : i32
        %dma_wait3A_1008 = arith.constant 0 : i32
        %dma_wait3A_1009 = tpu.memref_slice %dma_wait3A_1006[%dma_wait3A_1007, %dma_wait3A_1008] : memref<64x129xf32, #tpu.memory_space<vmem>> -> memref<8x128xf32, #tpu.memory_space<vmem>>
        %dma_wait3A_1010 = arith.constant 0 : i32
        %dma_wait3A_1011 = arith.constant 0 : i32
        %dma_wait3A_1012 = tpu.memref_slice %arg4[%sub3A_863, %dma_wait3A_1002, %add3A, %dma_wait3A_1010, %dma_wait3A_1011] : memref<200x8x32x8x128xf32, #tpu.memory_space<hbm>> -> memref<1x1x1x8x128xf32, #tpu.memory_space<hbm>>
        %dma_wait3A_1013 = tpu.memref_squeeze %dma_wait3A_1012 : memref<1x1x1x8x128xf32, #tpu.memory_space<hbm>> -> memref<8x128xf32, #tpu.memory_space<hbm>>
        %dma_wait3A_1014 = arith.constant 0 : i32
        %dma_wait3A_1015 = arith.constant 0 : i32
        %dma_wait3A_1016 = tpu.memref_slice %arg4[%sub3A_863, %dma_wait3A_1002, %add3A, %dma_wait3A_1014, %dma_wait3A_1015] : memref<200x8x32x8x128xf32, #tpu.memory_space<hbm>> -> memref<1x1x1x8x128xf32, #tpu.memory_space<hbm>>
        %dma_wait3A_1017 = tpu.memref_squeeze %dma_wait3A_1016 : memref<1x1x1x8x128xf32, #tpu.memory_space<hbm>> -> memref<8x128xf32, #tpu.memory_space<hbm>>
        %dma_wait3A_1018 = arith.constant 0 : i32
        %dma_wait3A_1019 = arith.constant 0 : i32
        %dma_wait3A_1020 = tpu.memref_slice %arg7[%scan3A_40, %dma_wait3A_1018, %dma_wait3A_1019] : memref<2x64x129xf32, #tpu.memory_space<vmem>> -> memref<1x64x129xf32, #tpu.memory_space<vmem>>
        %dma_wait3A_1021 = tpu.memref_squeeze %dma_wait3A_1020 : memref<1x64x129xf32, #tpu.memory_space<vmem>> -> memref<64x129xf32, #tpu.memory_space<vmem>>
        %dma_wait3A_1022 = arith.constant 48 : i32
        %dma_wait3A_1023 = arith.constant 0 : i32
        %dma_wait3A_1024 = tpu.memref_slice %dma_wait3A_1021[%dma_wait3A_1022, %dma_wait3A_1023] : memref<64x129xf32, #tpu.memory_space<vmem>> -> memref<8x128xf32, #tpu.memory_space<vmem>>
        tpu.wait_dma2 semaphore(%arg11 : memref<!tpu.dma_semaphore, #tpu.memory_space<semaphore_mem>>) src(%dma_wait3A_1024 : memref<8x128xf32, #tpu.memory_space<vmem>>) dst(%dma_wait3A_1017 : memref<8x128xf32, #tpu.memory_space<hbm>>)
        %dma_wait3A_1025 = arith.constant 7 : i32
        %dma_wait3A_1026 = arith.constant 0 : i32
        %dma_wait3A_1027 = arith.constant 0 : i32
        %dma_wait3A_1028 = tpu.memref_slice %arg7[%scan3A_40, %dma_wait3A_1026, %dma_wait3A_1027] : memref<2x64x129xf32, #tpu.memory_space<vmem>> -> memref<1x64x129xf32, #tpu.memory_space<vmem>>
        %dma_wait3A_1029 = tpu.memref_squeeze %dma_wait3A_1028 : memref<1x64x129xf32, #tpu.memory_space<vmem>> -> memref<64x129xf32, #tpu.memory_space<vmem>>
        %dma_wait3A_1030 = arith.constant 56 : i32
        %dma_wait3A_1031 = arith.constant 0 : i32
        %dma_wait3A_1032 = tpu.memref_slice %dma_wait3A_1029[%dma_wait3A_1030, %dma_wait3A_1031] : memref<64x129xf32, #tpu.memory_space<vmem>> -> memref<8x128xf32, #tpu.memory_space<vmem>>
        %dma_wait3A_1033 = arith.constant 0 : i32
        %dma_wait3A_1034 = arith.constant 0 : i32
        %dma_wait3A_1035 = tpu.memref_slice %arg4[%sub3A_863, %dma_wait3A_1025, %add3A, %dma_wait3A_1033, %dma_wait3A_1034] : memref<200x8x32x8x128xf32, #tpu.memory_space<hbm>> -> memref<1x1x1x8x128xf32, #tpu.memory_space<hbm>>
        %dma_wait3A_1036 = tpu.memref_squeeze %dma_wait3A_1035 : memref<1x1x1x8x128xf32, #tpu.memory_space<hbm>> -> memref<8x128xf32, #tpu.memory_space<hbm>>
        %dma_wait3A_1037 = arith.constant 0 : i32
        %dma_wait3A_1038 = arith.constant 0 : i32
        %dma_wait3A_1039 = tpu.memref_slice %arg4[%sub3A_863, %dma_wait3A_1025, %add3A, %dma_wait3A_1037, %dma_wait3A_1038] : memref<200x8x32x8x128xf32, #tpu.memory_space<hbm>> -> memref<1x1x1x8x128xf32, #tpu.memory_space<hbm>>
        %dma_wait3A_1040 = tpu.memref_squeeze %dma_wait3A_1039 : memref<1x1x1x8x128xf32, #tpu.memory_space<hbm>> -> memref<8x128xf32, #tpu.memory_space<hbm>>
        %dma_wait3A_1041 = arith.constant 0 : i32
        %dma_wait3A_1042 = arith.constant 0 : i32
        %dma_wait3A_1043 = tpu.memref_slice %arg7[%scan3A_40, %dma_wait3A_1041, %dma_wait3A_1042] : memref<2x64x129xf32, #tpu.memory_space<vmem>> -> memref<1x64x129xf32, #tpu.memory_space<vmem>>
        %dma_wait3A_1044 = tpu.memref_squeeze %dma_wait3A_1043 : memref<1x64x129xf32, #tpu.memory_space<vmem>> -> memref<64x129xf32, #tpu.memory_space<vmem>>
        %dma_wait3A_1045 = arith.constant 56 : i32
        %dma_wait3A_1046 = arith.constant 0 : i32
        %dma_wait3A_1047 = tpu.memref_slice %dma_wait3A_1044[%dma_wait3A_1045, %dma_wait3A_1046] : memref<64x129xf32, #tpu.memory_space<vmem>> -> memref<8x128xf32, #tpu.memory_space<vmem>>
        tpu.wait_dma2 semaphore(%arg11 : memref<!tpu.dma_semaphore, #tpu.memory_space<semaphore_mem>>) src(%dma_wait3A_1047 : memref<8x128xf32, #tpu.memory_space<vmem>>) dst(%dma_wait3A_1040 : memref<8x128xf32, #tpu.memory_space<hbm>>)
      } else {
      }
      %parallel_loop3A_671 = arith.constant 0 : i32
      %parallel_loop3A_672 = arith.constant 128 : i32
      %parallel_loop3A_673 = arith.constant 1 : i32
      scf.for %parallel_loop3A_863 = %parallel_loop3A_671 to %parallel_loop3A_672 step %parallel_loop3A_673  : i32 {
        %parallel_loop3A_864 = vector.broadcast %parallel_loop3A_863 : i32 to vector<16xi32>
        %parallel_loop3A_865 = arith.constant 0 : i32
        %parallel_loop3A_866 = arith.constant 0 : i32
        %parallel_loop3A_867 = tpu.memref_slice %arg6[%scan3A_39, %parallel_loop3A_865, %parallel_loop3A_866] : memref<2x128x64xf32, #tpu.memory_space<vmem>> -> memref<1x128x64xf32, #tpu.memory_space<vmem>>
        %parallel_loop3A_868 = tpu.memref_squeeze %parallel_loop3A_867 : memref<1x128x64xf32, #tpu.memory_space<vmem>> -> memref<128x64xf32, #tpu.memory_space<vmem>>
        %parallel_loop3A_869 = arith.index_cast %parallel_loop3A_863 : i32 to index
        %parallel_loop3A_870 = arith.constant 0 : index
        %parallel_loop3A_871 = tpu.vector_load %parallel_loop3A_868[%parallel_loop3A_869, %parallel_loop3A_870] {strides = array<i32>} : memref<128x64xf32, #tpu.memory_space<vmem>>, vector<16xf32>,
        %parallel_loop3A_872 = arith.constant 8.000000e+00 : f32
        %parallel_loop3A_873 = vector.broadcast %parallel_loop3A_872 : f32 to vector<16xf32>
        %parallel_loop3A_874 = arith.mulf %parallel_loop3A_871, %parallel_loop3A_873 : vector<16xf32>
        %parallel_loop3A_875 = arith.constant 0 : i32
        %parallel_loop3A_876 = arith.constant 0 : i32
        %parallel_loop3A_877 = tpu.memref_slice %arg7[%scan3A_40, %parallel_loop3A_875, %parallel_loop3A_876] : memref<2x64x129xf32, #tpu.memory_space<vmem>> -> memref<1x64x129xf32, #tpu.memory_space<vmem>>
        %parallel_loop3A_878 = tpu.memref_squeeze %parallel_loop3A_877 : memref<1x64x129xf32, #tpu.memory_space<vmem>> -> memref<64x129xf32, #tpu.memory_space<vmem>>
        tpu.vector_store_idx %parallel_loop3A_878[%add3A_3, %parallel_loop3A_864], %parallel_loop3A_874 : memref<64x129xf32, #tpu.memory_space<vmem>>[vector<16xi32>, vector<16xi32>], vector<16xf32>,
        %parallel_loop3A_879 = arith.constant 0 : i32
        %parallel_loop3A_880 = arith.constant 0 : i32
        %parallel_loop3A_881 = tpu.memref_slice %arg6[%scan3A_39, %parallel_loop3A_879, %parallel_loop3A_880] : memref<2x128x64xf32, #tpu.memory_space<vmem>> -> memref<1x128x64xf32, #tpu.memory_space<vmem>>
        %parallel_loop3A_882 = tpu.memref_squeeze %parallel_loop3A_881 : memref<1x128x64xf32, #tpu.memory_space<vmem>> -> memref<128x64xf32, #tpu.memory_space<vmem>>
        %parallel_loop3A_883 = arith.index_cast %parallel_loop3A_863 : i32 to index
        %parallel_loop3A_884 = arith.constant 16 : index
        %parallel_loop3A_885 = tpu.vector_load %parallel_loop3A_882[%parallel_loop3A_883, %parallel_loop3A_884] {strides = array<i32>} : memref<128x64xf32, #tpu.memory_space<vmem>>, vector<16xf32>,
        %parallel_loop3A_886 = arith.constant 8.000000e+00 : f32
        %parallel_loop3A_887 = vector.broadcast %parallel_loop3A_886 : f32 to vector<16xf32>
        %parallel_loop3A_888 = arith.mulf %parallel_loop3A_885, %parallel_loop3A_887 : vector<16xf32>
        %parallel_loop3A_889 = arith.constant 0 : i32
        %parallel_loop3A_890 = arith.constant 0 : i32
        %parallel_loop3A_891 = tpu.memref_slice %arg7[%scan3A_40, %parallel_loop3A_889, %parallel_loop3A_890] : memref<2x64x129xf32, #tpu.memory_space<vmem>> -> memref<1x64x129xf32, #tpu.memory_space<vmem>>
        %parallel_loop3A_892 = tpu.memref_squeeze %parallel_loop3A_891 : memref<1x64x129xf32, #tpu.memory_space<vmem>> -> memref<64x129xf32, #tpu.memory_space<vmem>>
        tpu.vector_store_idx %parallel_loop3A_892[%add3A_6, %parallel_loop3A_864], %parallel_loop3A_888 : memref<64x129xf32, #tpu.memory_space<vmem>>[vector<16xi32>, vector<16xi32>], vector<16xf32>,
        %parallel_loop3A_893 = arith.constant 0 : i32
        %parallel_loop3A_894 = arith.constant 0 : i32
        %parallel_loop3A_895 = tpu.memref_slice %arg6[%scan3A_39, %parallel_loop3A_893, %parallel_loop3A_894] : memref<2x128x64xf32, #tpu.memory_space<vmem>> -> memref<1x128x64xf32, #tpu.memory_space<vmem>>
        %parallel_loop3A_896 = tpu.memref_squeeze %parallel_loop3A_895 : memref<1x128x64xf32, #tpu.memory_space<vmem>> -> memref<128x64xf32, #tpu.memory_space<vmem>>
        %parallel_loop3A_897 = arith.index_cast %parallel_loop3A_863 : i32 to index
        %parallel_loop3A_898 = arith.constant 32 : index
        %parallel_loop3A_899 = tpu.vector_load %parallel_loop3A_896[%parallel_loop3A_897, %parallel_loop3A_898] {strides = array<i32>} : memref<128x64xf32, #tpu.memory_space<vmem>>, vector<16xf32>,
        %parallel_loop3A_900 = arith.constant 8.000000e+00 : f32
        %parallel_loop3A_901 = vector.broadcast %parallel_loop3A_900 : f32 to vector<16xf32>
        %parallel_loop3A_902 = arith.mulf %parallel_loop3A_899, %parallel_loop3A_901 : vector<16xf32>
        %parallel_loop3A_903 = arith.constant 0 : i32
        %parallel_loop3A_904 = arith.constant 0 : i32
        %parallel_loop3A_905 = tpu.memref_slice %arg7[%scan3A_40, %parallel_loop3A_903, %parallel_loop3A_904] : memref<2x64x129xf32, #tpu.memory_space<vmem>> -> memref<1x64x129xf32, #tpu.memory_space<vmem>>
        %parallel_loop3A_906 = tpu.memref_squeeze %parallel_loop3A_905 : memref<1x64x129xf32, #tpu.memory_space<vmem>> -> memref<64x129xf32, #tpu.memory_space<vmem>>
        tpu.vector_store_idx %parallel_loop3A_906[%add3A_9, %parallel_loop3A_864], %parallel_loop3A_902 : memref<64x129xf32, #tpu.memory_space<vmem>>[vector<16xi32>, vector<16xi32>], vector<16xf32>,
        %parallel_loop3A_907 = arith.constant 0 : i32
        %parallel_loop3A_908 = arith.constant 0 : i32
        %parallel_loop3A_909 = tpu.memref_slice %arg6[%scan3A_39, %parallel_loop3A_907, %parallel_loop3A_908] : memref<2x128x64xf32, #tpu.memory_space<vmem>> -> memref<1x128x64xf32, #tpu.memory_space<vmem>>
        %parallel_loop3A_910 = tpu.memref_squeeze %parallel_loop3A_909 : memref<1x128x64xf32, #tpu.memory_space<vmem>> -> memref<128x64xf32, #tpu.memory_space<vmem>>
        %parallel_loop3A_911 = arith.index_cast %parallel_loop3A_863 : i32 to index
        %parallel_loop3A_912 = arith.constant 48 : index
        %parallel_loop3A_913 = tpu.vector_load %parallel_loop3A_910[%parallel_loop3A_911, %parallel_loop3A_912] {strides = array<i32>} : memref<128x64xf32, #tpu.memory_space<vmem>>, vector<16xf32>,
        %parallel_loop3A_914 = arith.constant 8.000000e+00 : f32
        %parallel_loop3A_915 = vector.broadcast %parallel_loop3A_914 : f32 to vector<16xf32>
        %parallel_loop3A_916 = arith.mulf %parallel_loop3A_913, %parallel_loop3A_915 : vector<16xf32>
        %parallel_loop3A_917 = arith.constant 0 : i32
        %parallel_loop3A_918 = arith.constant 0 : i32
        %parallel_loop3A_919 = tpu.memref_slice %arg7[%scan3A_40, %parallel_loop3A_917, %parallel_loop3A_918] : memref<2x64x129xf32, #tpu.memory_space<vmem>> -> memref<1x64x129xf32, #tpu.memory_space<vmem>>
        %parallel_loop3A_920 = tpu.memref_squeeze %parallel_loop3A_919 : memref<1x64x129xf32, #tpu.memory_space<vmem>> -> memref<64x129xf32, #tpu.memory_space<vmem>>
        tpu.vector_store_idx %parallel_loop3A_920[%add3A_12, %parallel_loop3A_864], %parallel_loop3A_916 : memref<64x129xf32, #tpu.memory_space<vmem>>[vector<16xi32>, vector<16xi32>], vector<16xf32>,
      } {sc.loop_unroll_factor = 4 : i64, sc.parallel_access}
      %lt3A_674 = arith.constant 198 : i32
      %lt3A_675 = arith.cmpi slt, %add3A_655, %lt3A_674 : i32
      %convert_element_type3A_676 = arith.extui %lt3A_675 : i1 to i32
      %cond3A_677 = arith.constant 0 : i32
      %cond3A_678 = arith.cmpi ne, %convert_element_type3A_676, %cond3A_677 : i32
      scf.if %cond3A_678 {
        %add3A_863 = arith.constant 2 : i32
        %add3A_864 = arith.addi %add3A_655, %add3A_863 : i32
        %dma_start3A_865 = arith.constant 0 : i32
        %dma_start3A_866 = arith.constant 0 : i32
        %dma_start3A_867 = tpu.memref_slice %arg6[%scan3A_39, %dma_start3A_865, %dma_start3A_866] : memref<2x128x64xf32, #tpu.memory_space<vmem>> -> memref<1x128x64xf32, #tpu.memory_space<vmem>>
        %dma_start3A_868 = tpu.memref_squeeze %dma_start3A_867 : memref<1x128x64xf32, #tpu.memory_space<vmem>> -> memref<128x64xf32, #tpu.memory_space<vmem>>
        %dma_start3A_869 = arith.constant 0 : i32
        %dma_start3A_870 = tpu.memref_slice %arg5[%add3A_864, %dma_start3A_869] : memref<200x128xi32, #tpu.memory_space<vmem>> -> memref<1x128xi32, #tpu.memory_space<vmem>>
        %dma_start3A_871 = tpu.memref_squeeze %dma_start3A_870 : memref<1x128xi32, #tpu.memory_space<vmem>> -> memref<128xi32, #tpu.memory_space<vmem>>
        %dma_start3A_872 = arith.constant 0 : i32
        %dma_start3A_873 = arith.constant 0 : i32
        %dma_start3A_874 = tpu.memref_slice %arg2[%dma_start3A_872, %dma_start3A_873] : memref<2000000x64xf32, #tpu.memory_space<hbm>> -> memref<2000000x64xf32, #tpu.memory_space<hbm>>
        tpu.enqueue_indirect_dma source(%dma_start3A_874 : memref<2000000x64xf32, #tpu.memory_space<hbm>>) target(%dma_start3A_868 : memref<128x64xf32, #tpu.memory_space<vmem>>) offsets(%dma_start3A_871 : memref<128xi32, #tpu.memory_space<vmem>>) semaphore(%arg9 : memref<!tpu.dma_semaphore, #tpu.memory_space<semaphore_mem>>)
      } else {
      }
      %dma_start3A_679 = arith.constant 0 : i32
      %dma_start3A_680 = arith.constant 0 : i32
      %dma_start3A_681 = arith.constant 0 : i32
      %dma_start3A_682 = tpu.memref_slice %arg7[%scan3A_40, %dma_start3A_680, %dma_start3A_681] : memref<2x64x129xf32, #tpu.memory_space<vmem>> -> memref<1x64x129xf32, #tpu.memory_space<vmem>>
      %dma_start3A_683 = tpu.memref_squeeze %dma_start3A_682 : memref<1x64x129xf32, #tpu.memory_space<vmem>> -> memref<64x129xf32, #tpu.memory_space<vmem>>
      %dma_start3A_684 = arith.constant 0 : i32
      %dma_start3A_685 = arith.constant 0 : i32
      %dma_start3A_686 = tpu.memref_slice %dma_start3A_683[%dma_start3A_684, %dma_start3A_685] : memref<64x129xf32, #tpu.memory_space<vmem>> -> memref<8x128xf32, #tpu.memory_space<vmem>>
      %dma_start3A_687 = arith.constant 0 : i32
      %dma_start3A_688 = arith.constant 0 : i32
      %dma_start3A_689 = tpu.memref_slice %arg4[%add3A_655, %dma_start3A_679, %add3A, %dma_start3A_687, %dma_start3A_688] : memref<200x8x32x8x128xf32, #tpu.memory_space<hbm>> -> memref<1x1x1x8x128xf32, #tpu.memory_space<hbm>>
      %dma_start3A_690 = tpu.memref_squeeze %dma_start3A_689 : memref<1x1x1x8x128xf32, #tpu.memory_space<hbm>> -> memref<8x128xf32, #tpu.memory_space<hbm>>
      %dma_start3A_691 = arith.constant 0 : i32
      %dma_start3A_692 = arith.constant 0 : i32
      %dma_start3A_693 = tpu.memref_slice %arg4[%add3A_655, %dma_start3A_679, %add3A, %dma_start3A_691, %dma_start3A_692] : memref<200x8x32x8x128xf32, #tpu.memory_space<hbm>> -> memref<1x1x1x8x128xf32, #tpu.memory_space<hbm>>
      %dma_start3A_694 = tpu.memref_squeeze %dma_start3A_693 : memref<1x1x1x8x128xf32, #tpu.memory_space<hbm>> -> memref<8x128xf32, #tpu.memory_space<hbm>>
      %dma_start3A_695 = arith.constant 0 : i32
      %dma_start3A_696 = arith.constant 0 : i32
      %dma_start3A_697 = tpu.memref_slice %arg7[%scan3A_40, %dma_start3A_695, %dma_start3A_696] : memref<2x64x129xf32, #tpu.memory_space<vmem>> -> memref<1x64x129xf32, #tpu.memory_space<vmem>>
      %dma_start3A_698 = tpu.memref_squeeze %dma_start3A_697 : memref<1x64x129xf32, #tpu.memory_space<vmem>> -> memref<64x129xf32, #tpu.memory_space<vmem>>
      %dma_start3A_699 = arith.constant 0 : i32
      %dma_start3A_700 = arith.constant 0 : i32
      %dma_start3A_701 = tpu.memref_slice %dma_start3A_698[%dma_start3A_699, %dma_start3A_700] : memref<64x129xf32, #tpu.memory_space<vmem>> -> memref<8x128xf32, #tpu.memory_space<vmem>>
      tpu.enqueue_dma source(%dma_start3A_701 : memref<8x128xf32, #tpu.memory_space<vmem>>) target(%dma_start3A_694 : memref<8x128xf32, #tpu.memory_space<hbm>>) target_semaphore(%arg11 : memref<!tpu.dma_semaphore, #tpu.memory_space<semaphore_mem>>)
      %dma_start3A_702 = arith.constant 1 : i32
      %dma_start3A_703 = arith.constant 0 : i32
      %dma_start3A_704 = arith.constant 0 : i32
      %dma_start3A_705 = tpu.memref_slice %arg7[%scan3A_40, %dma_start3A_703, %dma_start3A_704] : memref<2x64x129xf32, #tpu.memory_space<vmem>> -> memref<1x64x129xf32, #tpu.memory_space<vmem>>
      %dma_start3A_706 = tpu.memref_squeeze %dma_start3A_705 : memref<1x64x129xf32, #tpu.memory_space<vmem>> -> memref<64x129xf32, #tpu.memory_space<vmem>>
      %dma_start3A_707 = arith.constant 8 : i32
      %dma_start3A_708 = arith.constant 0 : i32
      %dma_start3A_709 = tpu.memref_slice %dma_start3A_706[%dma_start3A_707, %dma_start3A_708] : memref<64x129xf32, #tpu.memory_space<vmem>> -> memref<8x128xf32, #tpu.memory_space<vmem>>
      %dma_start3A_710 = arith.constant 0 : i32
      %dma_start3A_711 = arith.constant 0 : i32
      %dma_start3A_712 = tpu.memref_slice %arg4[%add3A_655, %dma_start3A_702, %add3A, %dma_start3A_710, %dma_start3A_711] : memref<200x8x32x8x128xf32, #tpu.memory_space<hbm>> -> memref<1x1x1x8x128xf32, #tpu.memory_space<hbm>>
      %dma_start3A_713 = tpu.memref_squeeze %dma_start3A_712 : memref<1x1x1x8x128xf32, #tpu.memory_space<hbm>> -> memref<8x128xf32, #tpu.memory_space<hbm>>
      %dma_start3A_714 = arith.constant 0 : i32
      %dma_start3A_715 = arith.constant 0 : i32
      %dma_start3A_716 = tpu.memref_slice %arg4[%add3A_655, %dma_start3A_702, %add3A, %dma_start3A_714, %dma_start3A_715] : memref<200x8x32x8x128xf32, #tpu.memory_space<hbm>> -> memref<1x1x1x8x128xf32, #tpu.memory_space<hbm>>
      %dma_start3A_717 = tpu.memref_squeeze %dma_start3A_716 : memref<1x1x1x8x128xf32, #tpu.memory_space<hbm>> -> memref<8x128xf32, #tpu.memory_space<hbm>>
      %dma_start3A_718 = arith.constant 0 : i32
      %dma_start3A_719 = arith.constant 0 : i32
      %dma_start3A_720 = tpu.memref_slice %arg7[%scan3A_40, %dma_start3A_718, %dma_start3A_719] : memref<2x64x129xf32, #tpu.memory_space<vmem>> -> memref<1x64x129xf32, #tpu.memory_space<vmem>>
      %dma_start3A_721 = tpu.memref_squeeze %dma_start3A_720 : memref<1x64x129xf32, #tpu.memory_space<vmem>> -> memref<64x129xf32, #tpu.memory_space<vmem>>
      %dma_start3A_722 = arith.constant 8 : i32
      %dma_start3A_723 = arith.constant 0 : i32
      %dma_start3A_724 = tpu.memref_slice %dma_start3A_721[%dma_start3A_722, %dma_start3A_723] : memref<64x129xf32, #tpu.memory_space<vmem>> -> memref<8x128xf32, #tpu.memory_space<vmem>>
      tpu.enqueue_dma source(%dma_start3A_724 : memref<8x128xf32, #tpu.memory_space<vmem>>) target(%dma_start3A_717 : memref<8x128xf32, #tpu.memory_space<hbm>>) target_semaphore(%arg11 : memref<!tpu.dma_semaphore, #tpu.memory_space<semaphore_mem>>)
      %dma_start3A_725 = arith.constant 2 : i32
      %dma_start3A_726 = arith.constant 0 : i32
      %dma_start3A_727 = arith.constant 0 : i32
      %dma_start3A_728 = tpu.memref_slice %arg7[%scan3A_40, %dma_start3A_726, %dma_start3A_727] : memref<2x64x129xf32, #tpu.memory_space<vmem>> -> memref<1x64x129xf32, #tpu.memory_space<vmem>>
      %dma_start3A_729 = tpu.memref_squeeze %dma_start3A_728 : memref<1x64x129xf32, #tpu.memory_space<vmem>> -> memref<64x129xf32, #tpu.memory_space<vmem>>
      %dma_start3A_730 = arith.constant 16 : i32
      %dma_start3A_731 = arith.constant 0 : i32
      %dma_start3A_732 = tpu.memref_slice %dma_start3A_729[%dma_start3A_730, %dma_start3A_731] : memref<64x129xf32, #tpu.memory_space<vmem>> -> memref<8x128xf32, #tpu.memory_space<vmem>>
      %dma_start3A_733 = arith.constant 0 : i32
      %dma_start3A_734 = arith.constant 0 : i32
      %dma_start3A_735 = tpu.memref_slice %arg4[%add3A_655, %dma_start3A_725, %add3A, %dma_start3A_733, %dma_start3A_734] : memref<200x8x32x8x128xf32, #tpu.memory_space<hbm>> -> memref<1x1x1x8x128xf32, #tpu.memory_space<hbm>>
      %dma_start3A_736 = tpu.memref_squeeze %dma_start3A_735 : memref<1x1x1x8x128xf32, #tpu.memory_space<hbm>> -> memref<8x128xf32, #tpu.memory_space<hbm>>
      %dma_start3A_737 = arith.constant 0 : i32
      %dma_start3A_738 = arith.constant 0 : i32
      %dma_start3A_739 = tpu.memref_slice %arg4[%add3A_655, %dma_start3A_725, %add3A, %dma_start3A_737, %dma_start3A_738] : memref<200x8x32x8x128xf32, #tpu.memory_space<hbm>> -> memref<1x1x1x8x128xf32, #tpu.memory_space<hbm>>
      %dma_start3A_740 = tpu.memref_squeeze %dma_start3A_739 : memref<1x1x1x8x128xf32, #tpu.memory_space<hbm>> -> memref<8x128xf32, #tpu.memory_space<hbm>>
      %dma_start3A_741 = arith.constant 0 : i32
      %dma_start3A_742 = arith.constant 0 : i32
      %dma_start3A_743 = tpu.memref_slice %arg7[%scan3A_40, %dma_start3A_741, %dma_start3A_742] : memref<2x64x129xf32, #tpu.memory_space<vmem>> -> memref<1x64x129xf32, #tpu.memory_space<vmem>>
      %dma_start3A_744 = tpu.memref_squeeze %dma_start3A_743 : memref<1x64x129xf32, #tpu.memory_space<vmem>> -> memref<64x129xf32, #tpu.memory_space<vmem>>
      %dma_start3A_745 = arith.constant 16 : i32
      %dma_start3A_746 = arith.constant 0 : i32
      %dma_start3A_747 = tpu.memref_slice %dma_start3A_744[%dma_start3A_745, %dma_start3A_746] : memref<64x129xf32, #tpu.memory_space<vmem>> -> memref<8x128xf32, #tpu.memory_space<vmem>>
      tpu.enqueue_dma source(%dma_start3A_747 : memref<8x128xf32, #tpu.memory_space<vmem>>) target(%dma_start3A_740 : memref<8x128xf32, #tpu.memory_space<hbm>>) target_semaphore(%arg11 : memref<!tpu.dma_semaphore, #tpu.memory_space<semaphore_mem>>)
      %dma_start3A_748 = arith.constant 3 : i32
      %dma_start3A_749 = arith.constant 0 : i32
      %dma_start3A_750 = arith.constant 0 : i32
      %dma_start3A_751 = tpu.memref_slice %arg7[%scan3A_40, %dma_start3A_749, %dma_start3A_750] : memref<2x64x129xf32, #tpu.memory_space<vmem>> -> memref<1x64x129xf32, #tpu.memory_space<vmem>>
      %dma_start3A_752 = tpu.memref_squeeze %dma_start3A_751 : memref<1x64x129xf32, #tpu.memory_space<vmem>> -> memref<64x129xf32, #tpu.memory_space<vmem>>
      %dma_start3A_753 = arith.constant 24 : i32
      %dma_start3A_754 = arith.constant 0 : i32
      %dma_start3A_755 = tpu.memref_slice %dma_start3A_752[%dma_start3A_753, %dma_start3A_754] : memref<64x129xf32, #tpu.memory_space<vmem>> -> memref<8x128xf32, #tpu.memory_space<vmem>>
      %dma_start3A_756 = arith.constant 0 : i32
      %dma_start3A_757 = arith.constant 0 : i32
      %dma_start3A_758 = tpu.memref_slice %arg4[%add3A_655, %dma_start3A_748, %add3A, %dma_start3A_756, %dma_start3A_757] : memref<200x8x32x8x128xf32, #tpu.memory_space<hbm>> -> memref<1x1x1x8x128xf32, #tpu.memory_space<hbm>>
      %dma_start3A_759 = tpu.memref_squeeze %dma_start3A_758 : memref<1x1x1x8x128xf32, #tpu.memory_space<hbm>> -> memref<8x128xf32, #tpu.memory_space<hbm>>
      %dma_start3A_760 = arith.constant 0 : i32
      %dma_start3A_761 = arith.constant 0 : i32
      %dma_start3A_762 = tpu.memref_slice %arg4[%add3A_655, %dma_start3A_748, %add3A, %dma_start3A_760, %dma_start3A_761] : memref<200x8x32x8x128xf32, #tpu.memory_space<hbm>> -> memref<1x1x1x8x128xf32, #tpu.memory_space<hbm>>
      %dma_start3A_763 = tpu.memref_squeeze %dma_start3A_762 : memref<1x1x1x8x128xf32, #tpu.memory_space<hbm>> -> memref<8x128xf32, #tpu.memory_space<hbm>>
      %dma_start3A_764 = arith.constant 0 : i32
      %dma_start3A_765 = arith.constant 0 : i32
      %dma_start3A_766 = tpu.memref_slice %arg7[%scan3A_40, %dma_start3A_764, %dma_start3A_765] : memref<2x64x129xf32, #tpu.memory_space<vmem>> -> memref<1x64x129xf32, #tpu.memory_space<vmem>>
      %dma_start3A_767 = tpu.memref_squeeze %dma_start3A_766 : memref<1x64x129xf32, #tpu.memory_space<vmem>> -> memref<64x129xf32, #tpu.memory_space<vmem>>
      %dma_start3A_768 = arith.constant 24 : i32
      %dma_start3A_769 = arith.constant 0 : i32
      %dma_start3A_770 = tpu.memref_slice %dma_start3A_767[%dma_start3A_768, %dma_start3A_769] : memref<64x129xf32, #tpu.memory_space<vmem>> -> memref<8x128xf32, #tpu.memory_space<vmem>>
      tpu.enqueue_dma source(%dma_start3A_770 : memref<8x128xf32, #tpu.memory_space<vmem>>) target(%dma_start3A_763 : memref<8x128xf32, #tpu.memory_space<hbm>>) target_semaphore(%arg11 : memref<!tpu.dma_semaphore, #tpu.memory_space<semaphore_mem>>)
      %dma_start3A_771 = arith.constant 4 : i32
      %dma_start3A_772 = arith.constant 0 : i32
      %dma_start3A_773 = arith.constant 0 : i32
      %dma_start3A_774 = tpu.memref_slice %arg7[%scan3A_40, %dma_start3A_772, %dma_start3A_773] : memref<2x64x129xf32, #tpu.memory_space<vmem>> -> memref<1x64x129xf32, #tpu.memory_space<vmem>>
      %dma_start3A_775 = tpu.memref_squeeze %dma_start3A_774 : memref<1x64x129xf32, #tpu.memory_space<vmem>> -> memref<64x129xf32, #tpu.memory_space<vmem>>
      %dma_start3A_776 = arith.constant 32 : i32
      %dma_start3A_777 = arith.constant 0 : i32
      %dma_start3A_778 = tpu.memref_slice %dma_start3A_775[%dma_start3A_776, %dma_start3A_777] : memref<64x129xf32, #tpu.memory_space<vmem>> -> memref<8x128xf32, #tpu.memory_space<vmem>>
      %dma_start3A_779 = arith.constant 0 : i32
      %dma_start3A_780 = arith.constant 0 : i32
      %dma_start3A_781 = tpu.memref_slice %arg4[%add3A_655, %dma_start3A_771, %add3A, %dma_start3A_779, %dma_start3A_780] : memref<200x8x32x8x128xf32, #tpu.memory_space<hbm>> -> memref<1x1x1x8x128xf32, #tpu.memory_space<hbm>>
      %dma_start3A_782 = tpu.memref_squeeze %dma_start3A_781 : memref<1x1x1x8x128xf32, #tpu.memory_space<hbm>> -> memref<8x128xf32, #tpu.memory_space<hbm>>
      %dma_start3A_783 = arith.constant 0 : i32
      %dma_start3A_784 = arith.constant 0 : i32
      %dma_start3A_785 = tpu.memref_slice %arg4[%add3A_655, %dma_start3A_771, %add3A, %dma_start3A_783, %dma_start3A_784] : memref<200x8x32x8x128xf32, #tpu.memory_space<hbm>> -> memref<1x1x1x8x128xf32, #tpu.memory_space<hbm>>
      %dma_start3A_786 = tpu.memref_squeeze %dma_start3A_785 : memref<1x1x1x8x128xf32, #tpu.memory_space<hbm>> -> memref<8x128xf32, #tpu.memory_space<hbm>>
      %dma_start3A_787 = arith.constant 0 : i32
      %dma_start3A_788 = arith.constant 0 : i32
      %dma_start3A_789 = tpu.memref_slice %arg7[%scan3A_40, %dma_start3A_787, %dma_start3A_788] : memref<2x64x129xf32, #tpu.memory_space<vmem>> -> memref<1x64x129xf32, #tpu.memory_space<vmem>>
      %dma_start3A_790 = tpu.memref_squeeze %dma_start3A_789 : memref<1x64x129xf32, #tpu.memory_space<vmem>> -> memref<64x129xf32, #tpu.memory_space<vmem>>
      %dma_start3A_791 = arith.constant 32 : i32
      %dma_start3A_792 = arith.constant 0 : i32
      %dma_start3A_793 = tpu.memref_slice %dma_start3A_790[%dma_start3A_791, %dma_start3A_792] : memref<64x129xf32, #tpu.memory_space<vmem>> -> memref<8x128xf32, #tpu.memory_space<vmem>>
      tpu.enqueue_dma source(%dma_start3A_793 : memref<8x128xf32, #tpu.memory_space<vmem>>) target(%dma_start3A_786 : memref<8x128xf32, #tpu.memory_space<hbm>>) target_semaphore(%arg11 : memref<!tpu.dma_semaphore, #tpu.memory_space<semaphore_mem>>)
      %dma_start3A_794 = arith.constant 5 : i32
      %dma_start3A_795 = arith.constant 0 : i32
      %dma_start3A_796 = arith.constant 0 : i32
      %dma_start3A_797 = tpu.memref_slice %arg7[%scan3A_40, %dma_start3A_795, %dma_start3A_796] : memref<2x64x129xf32, #tpu.memory_space<vmem>> -> memref<1x64x129xf32, #tpu.memory_space<vmem>>
      %dma_start3A_798 = tpu.memref_squeeze %dma_start3A_797 : memref<1x64x129xf32, #tpu.memory_space<vmem>> -> memref<64x129xf32, #tpu.memory_space<vmem>>
      %dma_start3A_799 = arith.constant 40 : i32
      %dma_start3A_800 = arith.constant 0 : i32
      %dma_start3A_801 = tpu.memref_slice %dma_start3A_798[%dma_start3A_799, %dma_start3A_800] : memref<64x129xf32, #tpu.memory_space<vmem>> -> memref<8x128xf32, #tpu.memory_space<vmem>>
      %dma_start3A_802 = arith.constant 0 : i32
      %dma_start3A_803 = arith.constant 0 : i32
      %dma_start3A_804 = tpu.memref_slice %arg4[%add3A_655, %dma_start3A_794, %add3A, %dma_start3A_802, %dma_start3A_803] : memref<200x8x32x8x128xf32, #tpu.memory_space<hbm>> -> memref<1x1x1x8x128xf32, #tpu.memory_space<hbm>>
      %dma_start3A_805 = tpu.memref_squeeze %dma_start3A_804 : memref<1x1x1x8x128xf32, #tpu.memory_space<hbm>> -> memref<8x128xf32, #tpu.memory_space<hbm>>
      %dma_start3A_806 = arith.constant 0 : i32
      %dma_start3A_807 = arith.constant 0 : i32
      %dma_start3A_808 = tpu.memref_slice %arg4[%add3A_655, %dma_start3A_794, %add3A, %dma_start3A_806, %dma_start3A_807] : memref<200x8x32x8x128xf32, #tpu.memory_space<hbm>> -> memref<1x1x1x8x128xf32, #tpu.memory_space<hbm>>
      %dma_start3A_809 = tpu.memref_squeeze %dma_start3A_808 : memref<1x1x1x8x128xf32, #tpu.memory_space<hbm>> -> memref<8x128xf32, #tpu.memory_space<hbm>>
      %dma_start3A_810 = arith.constant 0 : i32
      %dma_start3A_811 = arith.constant 0 : i32
      %dma_start3A_812 = tpu.memref_slice %arg7[%scan3A_40, %dma_start3A_810, %dma_start3A_811] : memref<2x64x129xf32, #tpu.memory_space<vmem>> -> memref<1x64x129xf32, #tpu.memory_space<vmem>>
      %dma_start3A_813 = tpu.memref_squeeze %dma_start3A_812 : memref<1x64x129xf32, #tpu.memory_space<vmem>> -> memref<64x129xf32, #tpu.memory_space<vmem>>
      %dma_start3A_814 = arith.constant 40 : i32
      %dma_start3A_815 = arith.constant 0 : i32
      %dma_start3A_816 = tpu.memref_slice %dma_start3A_813[%dma_start3A_814, %dma_start3A_815] : memref<64x129xf32, #tpu.memory_space<vmem>> -> memref<8x128xf32, #tpu.memory_space<vmem>>
      tpu.enqueue_dma source(%dma_start3A_816 : memref<8x128xf32, #tpu.memory_space<vmem>>) target(%dma_start3A_809 : memref<8x128xf32, #tpu.memory_space<hbm>>) target_semaphore(%arg11 : memref<!tpu.dma_semaphore, #tpu.memory_space<semaphore_mem>>)
      %dma_start3A_817 = arith.constant 6 : i32
      %dma_start3A_818 = arith.constant 0 : i32
      %dma_start3A_819 = arith.constant 0 : i32
      %dma_start3A_820 = tpu.memref_slice %arg7[%scan3A_40, %dma_start3A_818, %dma_start3A_819] : memref<2x64x129xf32, #tpu.memory_space<vmem>> -> memref<1x64x129xf32, #tpu.memory_space<vmem>>
      %dma_start3A_821 = tpu.memref_squeeze %dma_start3A_820 : memref<1x64x129xf32, #tpu.memory_space<vmem>> -> memref<64x129xf32, #tpu.memory_space<vmem>>
      %dma_start3A_822 = arith.constant 48 : i32
      %dma_start3A_823 = arith.constant 0 : i32
      %dma_start3A_824 = tpu.memref_slice %dma_start3A_821[%dma_start3A_822, %dma_start3A_823] : memref<64x129xf32, #tpu.memory_space<vmem>> -> memref<8x128xf32, #tpu.memory_space<vmem>>
      %dma_start3A_825 = arith.constant 0 : i32
      %dma_start3A_826 = arith.constant 0 : i32
      %dma_start3A_827 = tpu.memref_slice %arg4[%add3A_655, %dma_start3A_817, %add3A, %dma_start3A_825, %dma_start3A_826] : memref<200x8x32x8x128xf32, #tpu.memory_space<hbm>> -> memref<1x1x1x8x128xf32, #tpu.memory_space<hbm>>
      %dma_start3A_828 = tpu.memref_squeeze %dma_start3A_827 : memref<1x1x1x8x128xf32, #tpu.memory_space<hbm>> -> memref<8x128xf32, #tpu.memory_space<hbm>>
      %dma_start3A_829 = arith.constant 0 : i32
      %dma_start3A_830 = arith.constant 0 : i32
      %dma_start3A_831 = tpu.memref_slice %arg4[%add3A_655, %dma_start3A_817, %add3A, %dma_start3A_829, %dma_start3A_830] : memref<200x8x32x8x128xf32, #tpu.memory_space<hbm>> -> memref<1x1x1x8x128xf32, #tpu.memory_space<hbm>>
      %dma_start3A_832 = tpu.memref_squeeze %dma_start3A_831 : memref<1x1x1x8x128xf32, #tpu.memory_space<hbm>> -> memref<8x128xf32, #tpu.memory_space<hbm>>
      %dma_start3A_833 = arith.constant 0 : i32
      %dma_start3A_834 = arith.constant 0 : i32
      %dma_start3A_835 = tpu.memref_slice %arg7[%scan3A_40, %dma_start3A_833, %dma_start3A_834] : memref<2x64x129xf32, #tpu.memory_space<vmem>> -> memref<1x64x129xf32, #tpu.memory_space<vmem>>
      %dma_start3A_836 = tpu.memref_squeeze %dma_start3A_835 : memref<1x64x129xf32, #tpu.memory_space<vmem>> -> memref<64x129xf32, #tpu.memory_space<vmem>>
      %dma_start3A_837 = arith.constant 48 : i32
      %dma_start3A_838 = arith.constant 0 : i32
      %dma_start3A_839 = tpu.memref_slice %dma_start3A_836[%dma_start3A_837, %dma_start3A_838] : memref<64x129xf32, #tpu.memory_space<vmem>> -> memref<8x128xf32, #tpu.memory_space<vmem>>
      tpu.enqueue_dma source(%dma_start3A_839 : memref<8x128xf32, #tpu.memory_space<vmem>>) target(%dma_start3A_832 : memref<8x128xf32, #tpu.memory_space<hbm>>) target_semaphore(%arg11 : memref<!tpu.dma_semaphore, #tpu.memory_space<semaphore_mem>>)
      %dma_start3A_840 = arith.constant 7 : i32
      %dma_start3A_841 = arith.constant 0 : i32
      %dma_start3A_842 = arith.constant 0 : i32
      %dma_start3A_843 = tpu.memref_slice %arg7[%scan3A_40, %dma_start3A_841, %dma_start3A_842] : memref<2x64x129xf32, #tpu.memory_space<vmem>> -> memref<1x64x129xf32, #tpu.memory_space<vmem>>
      %dma_start3A_844 = tpu.memref_squeeze %dma_start3A_843 : memref<1x64x129xf32, #tpu.memory_space<vmem>> -> memref<64x129xf32, #tpu.memory_space<vmem>>
      %dma_start3A_845 = arith.constant 56 : i32
      %dma_start3A_846 = arith.constant 0 : i32
      %dma_start3A_847 = tpu.memref_slice %dma_start3A_844[%dma_start3A_845, %dma_start3A_846] : memref<64x129xf32, #tpu.memory_space<vmem>> -> memref<8x128xf32, #tpu.memory_space<vmem>>
      %dma_start3A_848 = arith.constant 0 : i32
      %dma_start3A_849 = arith.constant 0 : i32
      %dma_start3A_850 = tpu.memref_slice %arg4[%add3A_655, %dma_start3A_840, %add3A, %dma_start3A_848, %dma_start3A_849] : memref<200x8x32x8x128xf32, #tpu.memory_space<hbm>> -> memref<1x1x1x8x128xf32, #tpu.memory_space<hbm>>
      %dma_start3A_851 = tpu.memref_squeeze %dma_start3A_850 : memref<1x1x1x8x128xf32, #tpu.memory_space<hbm>> -> memref<8x128xf32, #tpu.memory_space<hbm>>
      %dma_start3A_852 = arith.constant 0 : i32
      %dma_start3A_853 = arith.constant 0 : i32
      %dma_start3A_854 = tpu.memref_slice %arg4[%add3A_655, %dma_start3A_840, %add3A, %dma_start3A_852, %dma_start3A_853] : memref<200x8x32x8x128xf32, #tpu.memory_space<hbm>> -> memref<1x1x1x8x128xf32, #tpu.memory_space<hbm>>
      %dma_start3A_855 = tpu.memref_squeeze %dma_start3A_854 : memref<1x1x1x8x128xf32, #tpu.memory_space<hbm>> -> memref<8x128xf32, #tpu.memory_space<hbm>>
      %dma_start3A_856 = arith.constant 0 : i32
      %dma_start3A_857 = arith.constant 0 : i32
      %dma_start3A_858 = tpu.memref_slice %arg7[%scan3A_40, %dma_start3A_856, %dma_start3A_857] : memref<2x64x129xf32, #tpu.memory_space<vmem>> -> memref<1x64x129xf32, #tpu.memory_space<vmem>>
      %dma_start3A_859 = tpu.memref_squeeze %dma_start3A_858 : memref<1x64x129xf32, #tpu.memory_space<vmem>> -> memref<64x129xf32, #tpu.memory_space<vmem>>
      %dma_start3A_860 = arith.constant 56 : i32
      %dma_start3A_861 = arith.constant 0 : i32
      %dma_start3A_862 = tpu.memref_slice %dma_start3A_859[%dma_start3A_860, %dma_start3A_861] : memref<64x129xf32, #tpu.memory_space<vmem>> -> memref<8x128xf32, #tpu.memory_space<vmem>>
      tpu.enqueue_dma source(%dma_start3A_862 : memref<8x128xf32, #tpu.memory_space<vmem>>) target(%dma_start3A_855 : memref<8x128xf32, #tpu.memory_space<hbm>>) target_semaphore(%arg11 : memref<!tpu.dma_semaphore, #tpu.memory_space<semaphore_mem>>)
    }
    %scan3A_45 = arith.constant 100 : i32
    %dma_wait3A = arith.constant 0 : i32
    %dma_wait3A_46 = arith.constant 198 : i32
    %dma_wait3A_47 = arith.constant 0 : i32
    %dma_wait3A_48 = arith.constant 0 : i32
    %dma_wait3A_49 = arith.constant 0 : i32
    %dma_wait3A_50 = tpu.memref_slice %arg7[%dma_wait3A, %dma_wait3A_48, %dma_wait3A_49] : memref<2x64x129xf32, #tpu.memory_space<vmem>> -> memref<1x64x129xf32, #tpu.memory_space<vmem>>
    %dma_wait3A_51 = tpu.memref_squeeze %dma_wait3A_50 : memref<1x64x129xf32, #tpu.memory_space<vmem>> -> memref<64x129xf32, #tpu.memory_space<vmem>>
    %dma_wait3A_52 = arith.constant 0 : i32
    %dma_wait3A_53 = arith.constant 0 : i32
    %dma_wait3A_54 = tpu.memref_slice %dma_wait3A_51[%dma_wait3A_52, %dma_wait3A_53] : memref<64x129xf32, #tpu.memory_space<vmem>> -> memref<8x128xf32, #tpu.memory_space<vmem>>
    %dma_wait3A_55 = arith.constant 0 : i32
    %dma_wait3A_56 = arith.constant 0 : i32
    %dma_wait3A_57 = tpu.memref_slice %arg4[%dma_wait3A_46, %dma_wait3A_47, %add3A, %dma_wait3A_55, %dma_wait3A_56] : memref<200x8x32x8x128xf32, #tpu.memory_space<hbm>> -> memref<1x1x1x8x128xf32, #tpu.memory_space<hbm>>
    %dma_wait3A_58 = tpu.memref_squeeze %dma_wait3A_57 : memref<1x1x1x8x128xf32, #tpu.memory_space<hbm>> -> memref<8x128xf32, #tpu.memory_space<hbm>>
    %dma_wait3A_59 = arith.constant 0 : i32
    %dma_wait3A_60 = arith.constant 0 : i32
    %dma_wait3A_61 = tpu.memref_slice %arg4[%dma_wait3A_46, %dma_wait3A_47, %add3A, %dma_wait3A_59, %dma_wait3A_60] : memref<200x8x32x8x128xf32, #tpu.memory_space<hbm>> -> memref<1x1x1x8x128xf32, #tpu.memory_space<hbm>>
    %dma_wait3A_62 = tpu.memref_squeeze %dma_wait3A_61 : memref<1x1x1x8x128xf32, #tpu.memory_space<hbm>> -> memref<8x128xf32, #tpu.memory_space<hbm>>
    %dma_wait3A_63 = arith.constant 0 : i32
    %dma_wait3A_64 = arith.constant 0 : i32
    %dma_wait3A_65 = tpu.memref_slice %arg7[%dma_wait3A, %dma_wait3A_63, %dma_wait3A_64] : memref<2x64x129xf32, #tpu.memory_space<vmem>> -> memref<1x64x129xf32, #tpu.memory_space<vmem>>
    %dma_wait3A_66 = tpu.memref_squeeze %dma_wait3A_65 : memref<1x64x129xf32, #tpu.memory_space<vmem>> -> memref<64x129xf32, #tpu.memory_space<vmem>>
    %dma_wait3A_67 = arith.constant 0 : i32
    %dma_wait3A_68 = arith.constant 0 : i32
    %dma_wait3A_69 = tpu.memref_slice %dma_wait3A_66[%dma_wait3A_67, %dma_wait3A_68] : memref<64x129xf32, #tpu.memory_space<vmem>> -> memref<8x128xf32, #tpu.memory_space<vmem>>
    tpu.wait_dma2 semaphore(%arg10 : memref<!tpu.dma_semaphore, #tpu.memory_space<semaphore_mem>>) src(%dma_wait3A_69 : memref<8x128xf32, #tpu.memory_space<vmem>>) dst(%dma_wait3A_62 : memref<8x128xf32, #tpu.memory_space<hbm>>)
    %dma_wait3A_70 = arith.constant 0 : i32
    %dma_wait3A_71 = arith.constant 198 : i32
    %dma_wait3A_72 = arith.constant 1 : i32
    %dma_wait3A_73 = arith.constant 0 : i32
    %dma_wait3A_74 = arith.constant 0 : i32
    %dma_wait3A_75 = tpu.memref_slice %arg7[%dma_wait3A_70, %dma_wait3A_73, %dma_wait3A_74] : memref<2x64x129xf32, #tpu.memory_space<vmem>> -> memref<1x64x129xf32, #tpu.memory_space<vmem>>
    %dma_wait3A_76 = tpu.memref_squeeze %dma_wait3A_75 : memref<1x64x129xf32, #tpu.memory_space<vmem>> -> memref<64x129xf32, #tpu.memory_space<vmem>>
    %dma_wait3A_77 = arith.constant 8 : i32
    %dma_wait3A_78 = arith.constant 0 : i32
    %dma_wait3A_79 = tpu.memref_slice %dma_wait3A_76[%dma_wait3A_77, %dma_wait3A_78] : memref<64x129xf32, #tpu.memory_space<vmem>> -> memref<8x128xf32, #tpu.memory_space<vmem>>
    %dma_wait3A_80 = arith.constant 0 : i32
    %dma_wait3A_81 = arith.constant 0 : i32
    %dma_wait3A_82 = tpu.memref_slice %arg4[%dma_wait3A_71, %dma_wait3A_72, %add3A, %dma_wait3A_80, %dma_wait3A_81] : memref<200x8x32x8x128xf32, #tpu.memory_space<hbm>> -> memref<1x1x1x8x128xf32, #tpu.memory_space<hbm>>
    %dma_wait3A_83 = tpu.memref_squeeze %dma_wait3A_82 : memref<1x1x1x8x128xf32, #tpu.memory_space<hbm>> -> memref<8x128xf32, #tpu.memory_space<hbm>>
    %dma_wait3A_84 = arith.constant 0 : i32
    %dma_wait3A_85 = arith.constant 0 : i32
    %dma_wait3A_86 = tpu.memref_slice %arg4[%dma_wait3A_71, %dma_wait3A_72, %add3A, %dma_wait3A_84, %dma_wait3A_85] : memref<200x8x32x8x128xf32, #tpu.memory_space<hbm>> -> memref<1x1x1x8x128xf32, #tpu.memory_space<hbm>>
    %dma_wait3A_87 = tpu.memref_squeeze %dma_wait3A_86 : memref<1x1x1x8x128xf32, #tpu.memory_space<hbm>> -> memref<8x128xf32, #tpu.memory_space<hbm>>
    %dma_wait3A_88 = arith.constant 0 : i32
    %dma_wait3A_89 = arith.constant 0 : i32
    %dma_wait3A_90 = tpu.memref_slice %arg7[%dma_wait3A_70, %dma_wait3A_88, %dma_wait3A_89] : memref<2x64x129xf32, #tpu.memory_space<vmem>> -> memref<1x64x129xf32, #tpu.memory_space<vmem>>
    %dma_wait3A_91 = tpu.memref_squeeze %dma_wait3A_90 : memref<1x64x129xf32, #tpu.memory_space<vmem>> -> memref<64x129xf32, #tpu.memory_space<vmem>>
    %dma_wait3A_92 = arith.constant 8 : i32
    %dma_wait3A_93 = arith.constant 0 : i32
    %dma_wait3A_94 = tpu.memref_slice %dma_wait3A_91[%dma_wait3A_92, %dma_wait3A_93] : memref<64x129xf32, #tpu.memory_space<vmem>> -> memref<8x128xf32, #tpu.memory_space<vmem>>
    tpu.wait_dma2 semaphore(%arg10 : memref<!tpu.dma_semaphore, #tpu.memory_space<semaphore_mem>>) src(%dma_wait3A_94 : memref<8x128xf32, #tpu.memory_space<vmem>>) dst(%dma_wait3A_87 : memref<8x128xf32, #tpu.memory_space<hbm>>)
    %dma_wait3A_95 = arith.constant 0 : i32
    %dma_wait3A_96 = arith.constant 198 : i32
    %dma_wait3A_97 = arith.constant 2 : i32
    %dma_wait3A_98 = arith.constant 0 : i32
    %dma_wait3A_99 = arith.constant 0 : i32
    %dma_wait3A_100 = tpu.memref_slice %arg7[%dma_wait3A_95, %dma_wait3A_98, %dma_wait3A_99] : memref<2x64x129xf32, #tpu.memory_space<vmem>> -> memref<1x64x129xf32, #tpu.memory_space<vmem>>
    %dma_wait3A_101 = tpu.memref_squeeze %dma_wait3A_100 : memref<1x64x129xf32, #tpu.memory_space<vmem>> -> memref<64x129xf32, #tpu.memory_space<vmem>>
    %dma_wait3A_102 = arith.constant 16 : i32
    %dma_wait3A_103 = arith.constant 0 : i32
    %dma_wait3A_104 = tpu.memref_slice %dma_wait3A_101[%dma_wait3A_102, %dma_wait3A_103] : memref<64x129xf32, #tpu.memory_space<vmem>> -> memref<8x128xf32, #tpu.memory_space<vmem>>
    %dma_wait3A_105 = arith.constant 0 : i32
    %dma_wait3A_106 = arith.constant 0 : i32
    %dma_wait3A_107 = tpu.memref_slice %arg4[%dma_wait3A_96, %dma_wait3A_97, %add3A, %dma_wait3A_105, %dma_wait3A_106] : memref<200x8x32x8x128xf32, #tpu.memory_space<hbm>> -> memref<1x1x1x8x128xf32, #tpu.memory_space<hbm>>
    %dma_wait3A_108 = tpu.memref_squeeze %dma_wait3A_107 : memref<1x1x1x8x128xf32, #tpu.memory_space<hbm>> -> memref<8x128xf32, #tpu.memory_space<hbm>>
    %dma_wait3A_109 = arith.constant 0 : i32
    %dma_wait3A_110 = arith.constant 0 : i32
    %dma_wait3A_111 = tpu.memref_slice %arg4[%dma_wait3A_96, %dma_wait3A_97, %add3A, %dma_wait3A_109, %dma_wait3A_110] : memref<200x8x32x8x128xf32, #tpu.memory_space<hbm>> -> memref<1x1x1x8x128xf32, #tpu.memory_space<hbm>>
    %dma_wait3A_112 = tpu.memref_squeeze %dma_wait3A_111 : memref<1x1x1x8x128xf32, #tpu.memory_space<hbm>> -> memref<8x128xf32, #tpu.memory_space<hbm>>
    %dma_wait3A_113 = arith.constant 0 : i32
    %dma_wait3A_114 = arith.constant 0 : i32
    %dma_wait3A_115 = tpu.memref_slice %arg7[%dma_wait3A_95, %dma_wait3A_113, %dma_wait3A_114] : memref<2x64x129xf32, #tpu.memory_space<vmem>> -> memref<1x64x129xf32, #tpu.memory_space<vmem>>
    %dma_wait3A_116 = tpu.memref_squeeze %dma_wait3A_115 : memref<1x64x129xf32, #tpu.memory_space<vmem>> -> memref<64x129xf32, #tpu.memory_space<vmem>>
    %dma_wait3A_117 = arith.constant 16 : i32
    %dma_wait3A_118 = arith.constant 0 : i32
    %dma_wait3A_119 = tpu.memref_slice %dma_wait3A_116[%dma_wait3A_117, %dma_wait3A_118] : memref<64x129xf32, #tpu.memory_space<vmem>> -> memref<8x128xf32, #tpu.memory_space<vmem>>
    tpu.wait_dma2 semaphore(%arg10 : memref<!tpu.dma_semaphore, #tpu.memory_space<semaphore_mem>>) src(%dma_wait3A_119 : memref<8x128xf32, #tpu.memory_space<vmem>>) dst(%dma_wait3A_112 : memref<8x128xf32, #tpu.memory_space<hbm>>)
    %dma_wait3A_120 = arith.constant 0 : i32
    %dma_wait3A_121 = arith.constant 198 : i32
    %dma_wait3A_122 = arith.constant 3 : i32
    %dma_wait3A_123 = arith.constant 0 : i32
    %dma_wait3A_124 = arith.constant 0 : i32
    %dma_wait3A_125 = tpu.memref_slice %arg7[%dma_wait3A_120, %dma_wait3A_123, %dma_wait3A_124] : memref<2x64x129xf32, #tpu.memory_space<vmem>> -> memref<1x64x129xf32, #tpu.memory_space<vmem>>
    %dma_wait3A_126 = tpu.memref_squeeze %dma_wait3A_125 : memref<1x64x129xf32, #tpu.memory_space<vmem>> -> memref<64x129xf32, #tpu.memory_space<vmem>>
    %dma_wait3A_127 = arith.constant 24 : i32
    %dma_wait3A_128 = arith.constant 0 : i32
    %dma_wait3A_129 = tpu.memref_slice %dma_wait3A_126[%dma_wait3A_127, %dma_wait3A_128] : memref<64x129xf32, #tpu.memory_space<vmem>> -> memref<8x128xf32, #tpu.memory_space<vmem>>
    %dma_wait3A_130 = arith.constant 0 : i32
    %dma_wait3A_131 = arith.constant 0 : i32
    %dma_wait3A_132 = tpu.memref_slice %arg4[%dma_wait3A_121, %dma_wait3A_122, %add3A, %dma_wait3A_130, %dma_wait3A_131] : memref<200x8x32x8x128xf32, #tpu.memory_space<hbm>> -> memref<1x1x1x8x128xf32, #tpu.memory_space<hbm>>
    %dma_wait3A_133 = tpu.memref_squeeze %dma_wait3A_132 : memref<1x1x1x8x128xf32, #tpu.memory_space<hbm>> -> memref<8x128xf32, #tpu.memory_space<hbm>>
    %dma_wait3A_134 = arith.constant 0 : i32
    %dma_wait3A_135 = arith.constant 0 : i32
    %dma_wait3A_136 = tpu.memref_slice %arg4[%dma_wait3A_121, %dma_wait3A_122, %add3A, %dma_wait3A_134, %dma_wait3A_135] : memref<200x8x32x8x128xf32, #tpu.memory_space<hbm>> -> memref<1x1x1x8x128xf32, #tpu.memory_space<hbm>>
    %dma_wait3A_137 = tpu.memref_squeeze %dma_wait3A_136 : memref<1x1x1x8x128xf32, #tpu.memory_space<hbm>> -> memref<8x128xf32, #tpu.memory_space<hbm>>
    %dma_wait3A_138 = arith.constant 0 : i32
    %dma_wait3A_139 = arith.constant 0 : i32
    %dma_wait3A_140 = tpu.memref_slice %arg7[%dma_wait3A_120, %dma_wait3A_138, %dma_wait3A_139] : memref<2x64x129xf32, #tpu.memory_space<vmem>> -> memref<1x64x129xf32, #tpu.memory_space<vmem>>
    %dma_wait3A_141 = tpu.memref_squeeze %dma_wait3A_140 : memref<1x64x129xf32, #tpu.memory_space<vmem>> -> memref<64x129xf32, #tpu.memory_space<vmem>>
    %dma_wait3A_142 = arith.constant 24 : i32
    %dma_wait3A_143 = arith.constant 0 : i32
    %dma_wait3A_144 = tpu.memref_slice %dma_wait3A_141[%dma_wait3A_142, %dma_wait3A_143] : memref<64x129xf32, #tpu.memory_space<vmem>> -> memref<8x128xf32, #tpu.memory_space<vmem>>
    tpu.wait_dma2 semaphore(%arg10 : memref<!tpu.dma_semaphore, #tpu.memory_space<semaphore_mem>>) src(%dma_wait3A_144 : memref<8x128xf32, #tpu.memory_space<vmem>>) dst(%dma_wait3A_137 : memref<8x128xf32, #tpu.memory_space<hbm>>)
    %dma_wait3A_145 = arith.constant 0 : i32
    %dma_wait3A_146 = arith.constant 198 : i32
    %dma_wait3A_147 = arith.constant 4 : i32
    %dma_wait3A_148 = arith.constant 0 : i32
    %dma_wait3A_149 = arith.constant 0 : i32
    %dma_wait3A_150 = tpu.memref_slice %arg7[%dma_wait3A_145, %dma_wait3A_148, %dma_wait3A_149] : memref<2x64x129xf32, #tpu.memory_space<vmem>> -> memref<1x64x129xf32, #tpu.memory_space<vmem>>
    %dma_wait3A_151 = tpu.memref_squeeze %dma_wait3A_150 : memref<1x64x129xf32, #tpu.memory_space<vmem>> -> memref<64x129xf32, #tpu.memory_space<vmem>>
    %dma_wait3A_152 = arith.constant 32 : i32
    %dma_wait3A_153 = arith.constant 0 : i32
    %dma_wait3A_154 = tpu.memref_slice %dma_wait3A_151[%dma_wait3A_152, %dma_wait3A_153] : memref<64x129xf32, #tpu.memory_space<vmem>> -> memref<8x128xf32, #tpu.memory_space<vmem>>
    %dma_wait3A_155 = arith.constant 0 : i32
    %dma_wait3A_156 = arith.constant 0 : i32
    %dma_wait3A_157 = tpu.memref_slice %arg4[%dma_wait3A_146, %dma_wait3A_147, %add3A, %dma_wait3A_155, %dma_wait3A_156] : memref<200x8x32x8x128xf32, #tpu.memory_space<hbm>> -> memref<1x1x1x8x128xf32, #tpu.memory_space<hbm>>
    %dma_wait3A_158 = tpu.memref_squeeze %dma_wait3A_157 : memref<1x1x1x8x128xf32, #tpu.memory_space<hbm>> -> memref<8x128xf32, #tpu.memory_space<hbm>>
    %dma_wait3A_159 = arith.constant 0 : i32
    %dma_wait3A_160 = arith.constant 0 : i32
    %dma_wait3A_161 = tpu.memref_slice %arg4[%dma_wait3A_146, %dma_wait3A_147, %add3A, %dma_wait3A_159, %dma_wait3A_160] : memref<200x8x32x8x128xf32, #tpu.memory_space<hbm>> -> memref<1x1x1x8x128xf32, #tpu.memory_space<hbm>>
    %dma_wait3A_162 = tpu.memref_squeeze %dma_wait3A_161 : memref<1x1x1x8x128xf32, #tpu.memory_space<hbm>> -> memref<8x128xf32, #tpu.memory_space<hbm>>
    %dma_wait3A_163 = arith.constant 0 : i32
    %dma_wait3A_164 = arith.constant 0 : i32
    %dma_wait3A_165 = tpu.memref_slice %arg7[%dma_wait3A_145, %dma_wait3A_163, %dma_wait3A_164] : memref<2x64x129xf32, #tpu.memory_space<vmem>> -> memref<1x64x129xf32, #tpu.memory_space<vmem>>
    %dma_wait3A_166 = tpu.memref_squeeze %dma_wait3A_165 : memref<1x64x129xf32, #tpu.memory_space<vmem>> -> memref<64x129xf32, #tpu.memory_space<vmem>>
    %dma_wait3A_167 = arith.constant 32 : i32
    %dma_wait3A_168 = arith.constant 0 : i32
    %dma_wait3A_169 = tpu.memref_slice %dma_wait3A_166[%dma_wait3A_167, %dma_wait3A_168] : memref<64x129xf32, #tpu.memory_space<vmem>> -> memref<8x128xf32, #tpu.memory_space<vmem>>
    tpu.wait_dma2 semaphore(%arg10 : memref<!tpu.dma_semaphore, #tpu.memory_space<semaphore_mem>>) src(%dma_wait3A_169 : memref<8x128xf32, #tpu.memory_space<vmem>>) dst(%dma_wait3A_162 : memref<8x128xf32, #tpu.memory_space<hbm>>)
    %dma_wait3A_170 = arith.constant 0 : i32
    %dma_wait3A_171 = arith.constant 198 : i32
    %dma_wait3A_172 = arith.constant 5 : i32
    %dma_wait3A_173 = arith.constant 0 : i32
    %dma_wait3A_174 = arith.constant 0 : i32
    %dma_wait3A_175 = tpu.memref_slice %arg7[%dma_wait3A_170, %dma_wait3A_173, %dma_wait3A_174] : memref<2x64x129xf32, #tpu.memory_space<vmem>> -> memref<1x64x129xf32, #tpu.memory_space<vmem>>
    %dma_wait3A_176 = tpu.memref_squeeze %dma_wait3A_175 : memref<1x64x129xf32, #tpu.memory_space<vmem>> -> memref<64x129xf32, #tpu.memory_space<vmem>>
    %dma_wait3A_177 = arith.constant 40 : i32
    %dma_wait3A_178 = arith.constant 0 : i32
    %dma_wait3A_179 = tpu.memref_slice %dma_wait3A_176[%dma_wait3A_177, %dma_wait3A_178] : memref<64x129xf32, #tpu.memory_space<vmem>> -> memref<8x128xf32, #tpu.memory_space<vmem>>
    %dma_wait3A_180 = arith.constant 0 : i32
    %dma_wait3A_181 = arith.constant 0 : i32
    %dma_wait3A_182 = tpu.memref_slice %arg4[%dma_wait3A_171, %dma_wait3A_172, %add3A, %dma_wait3A_180, %dma_wait3A_181] : memref<200x8x32x8x128xf32, #tpu.memory_space<hbm>> -> memref<1x1x1x8x128xf32, #tpu.memory_space<hbm>>
    %dma_wait3A_183 = tpu.memref_squeeze %dma_wait3A_182 : memref<1x1x1x8x128xf32, #tpu.memory_space<hbm>> -> memref<8x128xf32, #tpu.memory_space<hbm>>
    %dma_wait3A_184 = arith.constant 0 : i32
    %dma_wait3A_185 = arith.constant 0 : i32
    %dma_wait3A_186 = tpu.memref_slice %arg4[%dma_wait3A_171, %dma_wait3A_172, %add3A, %dma_wait3A_184, %dma_wait3A_185] : memref<200x8x32x8x128xf32, #tpu.memory_space<hbm>> -> memref<1x1x1x8x128xf32, #tpu.memory_space<hbm>>
    %dma_wait3A_187 = tpu.memref_squeeze %dma_wait3A_186 : memref<1x1x1x8x128xf32, #tpu.memory_space<hbm>> -> memref<8x128xf32, #tpu.memory_space<hbm>>
    %dma_wait3A_188 = arith.constant 0 : i32
    %dma_wait3A_189 = arith.constant 0 : i32
    %dma_wait3A_190 = tpu.memref_slice %arg7[%dma_wait3A_170, %dma_wait3A_188, %dma_wait3A_189] : memref<2x64x129xf32, #tpu.memory_space<vmem>> -> memref<1x64x129xf32, #tpu.memory_space<vmem>>
    %dma_wait3A_191 = tpu.memref_squeeze %dma_wait3A_190 : memref<1x64x129xf32, #tpu.memory_space<vmem>> -> memref<64x129xf32, #tpu.memory_space<vmem>>
    %dma_wait3A_192 = arith.constant 40 : i32
    %dma_wait3A_193 = arith.constant 0 : i32
    %dma_wait3A_194 = tpu.memref_slice %dma_wait3A_191[%dma_wait3A_192, %dma_wait3A_193] : memref<64x129xf32, #tpu.memory_space<vmem>> -> memref<8x128xf32, #tpu.memory_space<vmem>>
    tpu.wait_dma2 semaphore(%arg10 : memref<!tpu.dma_semaphore, #tpu.memory_space<semaphore_mem>>) src(%dma_wait3A_194 : memref<8x128xf32, #tpu.memory_space<vmem>>) dst(%dma_wait3A_187 : memref<8x128xf32, #tpu.memory_space<hbm>>)
    %dma_wait3A_195 = arith.constant 0 : i32
    %dma_wait3A_196 = arith.constant 198 : i32
    %dma_wait3A_197 = arith.constant 6 : i32
    %dma_wait3A_198 = arith.constant 0 : i32
    %dma_wait3A_199 = arith.constant 0 : i32
    %dma_wait3A_200 = tpu.memref_slice %arg7[%dma_wait3A_195, %dma_wait3A_198, %dma_wait3A_199] : memref<2x64x129xf32, #tpu.memory_space<vmem>> -> memref<1x64x129xf32, #tpu.memory_space<vmem>>
    %dma_wait3A_201 = tpu.memref_squeeze %dma_wait3A_200 : memref<1x64x129xf32, #tpu.memory_space<vmem>> -> memref<64x129xf32, #tpu.memory_space<vmem>>
    %dma_wait3A_202 = arith.constant 48 : i32
    %dma_wait3A_203 = arith.constant 0 : i32
    %dma_wait3A_204 = tpu.memref_slice %dma_wait3A_201[%dma_wait3A_202, %dma_wait3A_203] : memref<64x129xf32, #tpu.memory_space<vmem>> -> memref<8x128xf32, #tpu.memory_space<vmem>>
    %dma_wait3A_205 = arith.constant 0 : i32
    %dma_wait3A_206 = arith.constant 0 : i32
    %dma_wait3A_207 = tpu.memref_slice %arg4[%dma_wait3A_196, %dma_wait3A_197, %add3A, %dma_wait3A_205, %dma_wait3A_206] : memref<200x8x32x8x128xf32, #tpu.memory_space<hbm>> -> memref<1x1x1x8x128xf32, #tpu.memory_space<hbm>>
    %dma_wait3A_208 = tpu.memref_squeeze %dma_wait3A_207 : memref<1x1x1x8x128xf32, #tpu.memory_space<hbm>> -> memref<8x128xf32, #tpu.memory_space<hbm>>
    %dma_wait3A_209 = arith.constant 0 : i32
    %dma_wait3A_210 = arith.constant 0 : i32
    %dma_wait3A_211 = tpu.memref_slice %arg4[%dma_wait3A_196, %dma_wait3A_197, %add3A, %dma_wait3A_209, %dma_wait3A_210] : memref<200x8x32x8x128xf32, #tpu.memory_space<hbm>> -> memref<1x1x1x8x128xf32, #tpu.memory_space<hbm>>
    %dma_wait3A_212 = tpu.memref_squeeze %dma_wait3A_211 : memref<1x1x1x8x128xf32, #tpu.memory_space<hbm>> -> memref<8x128xf32, #tpu.memory_space<hbm>>
    %dma_wait3A_213 = arith.constant 0 : i32
    %dma_wait3A_214 = arith.constant 0 : i32
    %dma_wait3A_215 = tpu.memref_slice %arg7[%dma_wait3A_195, %dma_wait3A_213, %dma_wait3A_214] : memref<2x64x129xf32, #tpu.memory_space<vmem>> -> memref<1x64x129xf32, #tpu.memory_space<vmem>>
    %dma_wait3A_216 = tpu.memref_squeeze %dma_wait3A_215 : memref<1x64x129xf32, #tpu.memory_space<vmem>> -> memref<64x129xf32, #tpu.memory_space<vmem>>
    %dma_wait3A_217 = arith.constant 48 : i32
    %dma_wait3A_218 = arith.constant 0 : i32
    %dma_wait3A_219 = tpu.memref_slice %dma_wait3A_216[%dma_wait3A_217, %dma_wait3A_218] : memref<64x129xf32, #tpu.memory_space<vmem>> -> memref<8x128xf32, #tpu.memory_space<vmem>>
    tpu.wait_dma2 semaphore(%arg10 : memref<!tpu.dma_semaphore, #tpu.memory_space<semaphore_mem>>) src(%dma_wait3A_219 : memref<8x128xf32, #tpu.memory_space<vmem>>) dst(%dma_wait3A_212 : memref<8x128xf32, #tpu.memory_space<hbm>>)
    %dma_wait3A_220 = arith.constant 0 : i32
    %dma_wait3A_221 = arith.constant 198 : i32
    %dma_wait3A_222 = arith.constant 7 : i32
    %dma_wait3A_223 = arith.constant 0 : i32
    %dma_wait3A_224 = arith.constant 0 : i32
    %dma_wait3A_225 = tpu.memref_slice %arg7[%dma_wait3A_220, %dma_wait3A_223, %dma_wait3A_224] : memref<2x64x129xf32, #tpu.memory_space<vmem>> -> memref<1x64x129xf32, #tpu.memory_space<vmem>>
    %dma_wait3A_226 = tpu.memref_squeeze %dma_wait3A_225 : memref<1x64x129xf32, #tpu.memory_space<vmem>> -> memref<64x129xf32, #tpu.memory_space<vmem>>
    %dma_wait3A_227 = arith.constant 56 : i32
    %dma_wait3A_228 = arith.constant 0 : i32
    %dma_wait3A_229 = tpu.memref_slice %dma_wait3A_226[%dma_wait3A_227, %dma_wait3A_228] : memref<64x129xf32, #tpu.memory_space<vmem>> -> memref<8x128xf32, #tpu.memory_space<vmem>>
    %dma_wait3A_230 = arith.constant 0 : i32
    %dma_wait3A_231 = arith.constant 0 : i32
    %dma_wait3A_232 = tpu.memref_slice %arg4[%dma_wait3A_221, %dma_wait3A_222, %add3A, %dma_wait3A_230, %dma_wait3A_231] : memref<200x8x32x8x128xf32, #tpu.memory_space<hbm>> -> memref<1x1x1x8x128xf32, #tpu.memory_space<hbm>>
    %dma_wait3A_233 = tpu.memref_squeeze %dma_wait3A_232 : memref<1x1x1x8x128xf32, #tpu.memory_space<hbm>> -> memref<8x128xf32, #tpu.memory_space<hbm>>
    %dma_wait3A_234 = arith.constant 0 : i32
    %dma_wait3A_235 = arith.constant 0 : i32
    %dma_wait3A_236 = tpu.memref_slice %arg4[%dma_wait3A_221, %dma_wait3A_222, %add3A, %dma_wait3A_234, %dma_wait3A_235] : memref<200x8x32x8x128xf32, #tpu.memory_space<hbm>> -> memref<1x1x1x8x128xf32, #tpu.memory_space<hbm>>
    %dma_wait3A_237 = tpu.memref_squeeze %dma_wait3A_236 : memref<1x1x1x8x128xf32, #tpu.memory_space<hbm>> -> memref<8x128xf32, #tpu.memory_space<hbm>>
    %dma_wait3A_238 = arith.constant 0 : i32
    %dma_wait3A_239 = arith.constant 0 : i32
    %dma_wait3A_240 = tpu.memref_slice %arg7[%dma_wait3A_220, %dma_wait3A_238, %dma_wait3A_239] : memref<2x64x129xf32, #tpu.memory_space<vmem>> -> memref<1x64x129xf32, #tpu.memory_space<vmem>>
    %dma_wait3A_241 = tpu.memref_squeeze %dma_wait3A_240 : memref<1x64x129xf32, #tpu.memory_space<vmem>> -> memref<64x129xf32, #tpu.memory_space<vmem>>
    %dma_wait3A_242 = arith.constant 56 : i32
    %dma_wait3A_243 = arith.constant 0 : i32
    %dma_wait3A_244 = tpu.memref_slice %dma_wait3A_241[%dma_wait3A_242, %dma_wait3A_243] : memref<64x129xf32, #tpu.memory_space<vmem>> -> memref<8x128xf32, #tpu.memory_space<vmem>>
    tpu.wait_dma2 semaphore(%arg10 : memref<!tpu.dma_semaphore, #tpu.memory_space<semaphore_mem>>) src(%dma_wait3A_244 : memref<8x128xf32, #tpu.memory_space<vmem>>) dst(%dma_wait3A_237 : memref<8x128xf32, #tpu.memory_space<hbm>>)
    %dma_wait3A_245 = arith.constant 1 : i32
    %dma_wait3A_246 = arith.constant 199 : i32
    %dma_wait3A_247 = arith.constant 0 : i32
    %dma_wait3A_248 = arith.constant 0 : i32
    %dma_wait3A_249 = arith.constant 0 : i32
    %dma_wait3A_250 = tpu.memref_slice %arg7[%dma_wait3A_245, %dma_wait3A_248, %dma_wait3A_249] : memref<2x64x129xf32, #tpu.memory_space<vmem>> -> memref<1x64x129xf32, #tpu.memory_space<vmem>>
    %dma_wait3A_251 = tpu.memref_squeeze %dma_wait3A_250 : memref<1x64x129xf32, #tpu.memory_space<vmem>> -> memref<64x129xf32, #tpu.memory_space<vmem>>
    %dma_wait3A_252 = arith.constant 0 : i32
    %dma_wait3A_253 = arith.constant 0 : i32
    %dma_wait3A_254 = tpu.memref_slice %dma_wait3A_251[%dma_wait3A_252, %dma_wait3A_253] : memref<64x129xf32, #tpu.memory_space<vmem>> -> memref<8x128xf32, #tpu.memory_space<vmem>>
    %dma_wait3A_255 = arith.constant 0 : i32
    %dma_wait3A_256 = arith.constant 0 : i32
    %dma_wait3A_257 = tpu.memref_slice %arg4[%dma_wait3A_246, %dma_wait3A_247, %add3A, %dma_wait3A_255, %dma_wait3A_256] : memref<200x8x32x8x128xf32, #tpu.memory_space<hbm>> -> memref<1x1x1x8x128xf32, #tpu.memory_space<hbm>>
    %dma_wait3A_258 = tpu.memref_squeeze %dma_wait3A_257 : memref<1x1x1x8x128xf32, #tpu.memory_space<hbm>> -> memref<8x128xf32, #tpu.memory_space<hbm>>
    %dma_wait3A_259 = arith.constant 0 : i32
    %dma_wait3A_260 = arith.constant 0 : i32
    %dma_wait3A_261 = tpu.memref_slice %arg4[%dma_wait3A_246, %dma_wait3A_247, %add3A, %dma_wait3A_259, %dma_wait3A_260] : memref<200x8x32x8x128xf32, #tpu.memory_space<hbm>> -> memref<1x1x1x8x128xf32, #tpu.memory_space<hbm>>
    %dma_wait3A_262 = tpu.memref_squeeze %dma_wait3A_261 : memref<1x1x1x8x128xf32, #tpu.memory_space<hbm>> -> memref<8x128xf32, #tpu.memory_space<hbm>>
    %dma_wait3A_263 = arith.constant 0 : i32
    %dma_wait3A_264 = arith.constant 0 : i32
    %dma_wait3A_265 = tpu.memref_slice %arg7[%dma_wait3A_245, %dma_wait3A_263, %dma_wait3A_264] : memref<2x64x129xf32, #tpu.memory_space<vmem>> -> memref<1x64x129xf32, #tpu.memory_space<vmem>>
    %dma_wait3A_266 = tpu.memref_squeeze %dma_wait3A_265 : memref<1x64x129xf32, #tpu.memory_space<vmem>> -> memref<64x129xf32, #tpu.memory_space<vmem>>
    %dma_wait3A_267 = arith.constant 0 : i32
    %dma_wait3A_268 = arith.constant 0 : i32
    %dma_wait3A_269 = tpu.memref_slice %dma_wait3A_266[%dma_wait3A_267, %dma_wait3A_268] : memref<64x129xf32, #tpu.memory_space<vmem>> -> memref<8x128xf32, #tpu.memory_space<vmem>>
    tpu.wait_dma2 semaphore(%arg11 : memref<!tpu.dma_semaphore, #tpu.memory_space<semaphore_mem>>) src(%dma_wait3A_269 : memref<8x128xf32, #tpu.memory_space<vmem>>) dst(%dma_wait3A_262 : memref<8x128xf32, #tpu.memory_space<hbm>>)
    %dma_wait3A_270 = arith.constant 1 : i32
    %dma_wait3A_271 = arith.constant 199 : i32
    %dma_wait3A_272 = arith.constant 1 : i32
    %dma_wait3A_273 = arith.constant 0 : i32
    %dma_wait3A_274 = arith.constant 0 : i32
    %dma_wait3A_275 = tpu.memref_slice %arg7[%dma_wait3A_270, %dma_wait3A_273, %dma_wait3A_274] : memref<2x64x129xf32, #tpu.memory_space<vmem>> -> memref<1x64x129xf32, #tpu.memory_space<vmem>>
    %dma_wait3A_276 = tpu.memref_squeeze %dma_wait3A_275 : memref<1x64x129xf32, #tpu.memory_space<vmem>> -> memref<64x129xf32, #tpu.memory_space<vmem>>
    %dma_wait3A_277 = arith.constant 8 : i32
    %dma_wait3A_278 = arith.constant 0 : i32
    %dma_wait3A_279 = tpu.memref_slice %dma_wait3A_276[%dma_wait3A_277, %dma_wait3A_278] : memref<64x129xf32, #tpu.memory_space<vmem>> -> memref<8x128xf32, #tpu.memory_space<vmem>>
    %dma_wait3A_280 = arith.constant 0 : i32
    %dma_wait3A_281 = arith.constant 0 : i32
    %dma_wait3A_282 = tpu.memref_slice %arg4[%dma_wait3A_271, %dma_wait3A_272, %add3A, %dma_wait3A_280, %dma_wait3A_281] : memref<200x8x32x8x128xf32, #tpu.memory_space<hbm>> -> memref<1x1x1x8x128xf32, #tpu.memory_space<hbm>>
    %dma_wait3A_283 = tpu.memref_squeeze %dma_wait3A_282 : memref<1x1x1x8x128xf32, #tpu.memory_space<hbm>> -> memref<8x128xf32, #tpu.memory_space<hbm>>
    %dma_wait3A_284 = arith.constant 0 : i32
    %dma_wait3A_285 = arith.constant 0 : i32
    %dma_wait3A_286 = tpu.memref_slice %arg4[%dma_wait3A_271, %dma_wait3A_272, %add3A, %dma_wait3A_284, %dma_wait3A_285] : memref<200x8x32x8x128xf32, #tpu.memory_space<hbm>> -> memref<1x1x1x8x128xf32, #tpu.memory_space<hbm>>
    %dma_wait3A_287 = tpu.memref_squeeze %dma_wait3A_286 : memref<1x1x1x8x128xf32, #tpu.memory_space<hbm>> -> memref<8x128xf32, #tpu.memory_space<hbm>>
    %dma_wait3A_288 = arith.constant 0 : i32
    %dma_wait3A_289 = arith.constant 0 : i32
    %dma_wait3A_290 = tpu.memref_slice %arg7[%dma_wait3A_270, %dma_wait3A_288, %dma_wait3A_289] : memref<2x64x129xf32, #tpu.memory_space<vmem>> -> memref<1x64x129xf32, #tpu.memory_space<vmem>>
    %dma_wait3A_291 = tpu.memref_squeeze %dma_wait3A_290 : memref<1x64x129xf32, #tpu.memory_space<vmem>> -> memref<64x129xf32, #tpu.memory_space<vmem>>
    %dma_wait3A_292 = arith.constant 8 : i32
    %dma_wait3A_293 = arith.constant 0 : i32
    %dma_wait3A_294 = tpu.memref_slice %dma_wait3A_291[%dma_wait3A_292, %dma_wait3A_293] : memref<64x129xf32, #tpu.memory_space<vmem>> -> memref<8x128xf32, #tpu.memory_space<vmem>>
    tpu.wait_dma2 semaphore(%arg11 : memref<!tpu.dma_semaphore, #tpu.memory_space<semaphore_mem>>) src(%dma_wait3A_294 : memref<8x128xf32, #tpu.memory_space<vmem>>) dst(%dma_wait3A_287 : memref<8x128xf32, #tpu.memory_space<hbm>>)
    %dma_wait3A_295 = arith.constant 1 : i32
    %dma_wait3A_296 = arith.constant 199 : i32
    %dma_wait3A_297 = arith.constant 2 : i32
    %dma_wait3A_298 = arith.constant 0 : i32
    %dma_wait3A_299 = arith.constant 0 : i32
    %dma_wait3A_300 = tpu.memref_slice %arg7[%dma_wait3A_295, %dma_wait3A_298, %dma_wait3A_299] : memref<2x64x129xf32, #tpu.memory_space<vmem>> -> memref<1x64x129xf32, #tpu.memory_space<vmem>>
    %dma_wait3A_301 = tpu.memref_squeeze %dma_wait3A_300 : memref<1x64x129xf32, #tpu.memory_space<vmem>> -> memref<64x129xf32, #tpu.memory_space<vmem>>
    %dma_wait3A_302 = arith.constant 16 : i32
    %dma_wait3A_303 = arith.constant 0 : i32
    %dma_wait3A_304 = tpu.memref_slice %dma_wait3A_301[%dma_wait3A_302, %dma_wait3A_303] : memref<64x129xf32, #tpu.memory_space<vmem>> -> memref<8x128xf32, #tpu.memory_space<vmem>>
    %dma_wait3A_305 = arith.constant 0 : i32
    %dma_wait3A_306 = arith.constant 0 : i32
    %dma_wait3A_307 = tpu.memref_slice %arg4[%dma_wait3A_296, %dma_wait3A_297, %add3A, %dma_wait3A_305, %dma_wait3A_306] : memref<200x8x32x8x128xf32, #tpu.memory_space<hbm>> -> memref<1x1x1x8x128xf32, #tpu.memory_space<hbm>>
    %dma_wait3A_308 = tpu.memref_squeeze %dma_wait3A_307 : memref<1x1x1x8x128xf32, #tpu.memory_space<hbm>> -> memref<8x128xf32, #tpu.memory_space<hbm>>
    %dma_wait3A_309 = arith.constant 0 : i32
    %dma_wait3A_310 = arith.constant 0 : i32
    %dma_wait3A_311 = tpu.memref_slice %arg4[%dma_wait3A_296, %dma_wait3A_297, %add3A, %dma_wait3A_309, %dma_wait3A_310] : memref<200x8x32x8x128xf32, #tpu.memory_space<hbm>> -> memref<1x1x1x8x128xf32, #tpu.memory_space<hbm>>
    %dma_wait3A_312 = tpu.memref_squeeze %dma_wait3A_311 : memref<1x1x1x8x128xf32, #tpu.memory_space<hbm>> -> memref<8x128xf32, #tpu.memory_space<hbm>>
    %dma_wait3A_313 = arith.constant 0 : i32
    %dma_wait3A_314 = arith.constant 0 : i32
    %dma_wait3A_315 = tpu.memref_slice %arg7[%dma_wait3A_295, %dma_wait3A_313, %dma_wait3A_314] : memref<2x64x129xf32, #tpu.memory_space<vmem>> -> memref<1x64x129xf32, #tpu.memory_space<vmem>>
    %dma_wait3A_316 = tpu.memref_squeeze %dma_wait3A_315 : memref<1x64x129xf32, #tpu.memory_space<vmem>> -> memref<64x129xf32, #tpu.memory_space<vmem>>
    %dma_wait3A_317 = arith.constant 16 : i32
    %dma_wait3A_318 = arith.constant 0 : i32
    %dma_wait3A_319 = tpu.memref_slice %dma_wait3A_316[%dma_wait3A_317, %dma_wait3A_318] : memref<64x129xf32, #tpu.memory_space<vmem>> -> memref<8x128xf32, #tpu.memory_space<vmem>>
    tpu.wait_dma2 semaphore(%arg11 : memref<!tpu.dma_semaphore, #tpu.memory_space<semaphore_mem>>) src(%dma_wait3A_319 : memref<8x128xf32, #tpu.memory_space<vmem>>) dst(%dma_wait3A_312 : memref<8x128xf32, #tpu.memory_space<hbm>>)
    %dma_wait3A_320 = arith.constant 1 : i32
    %dma_wait3A_321 = arith.constant 199 : i32
    %dma_wait3A_322 = arith.constant 3 : i32
    %dma_wait3A_323 = arith.constant 0 : i32
    %dma_wait3A_324 = arith.constant 0 : i32
    %dma_wait3A_325 = tpu.memref_slice %arg7[%dma_wait3A_320, %dma_wait3A_323, %dma_wait3A_324] : memref<2x64x129xf32, #tpu.memory_space<vmem>> -> memref<1x64x129xf32, #tpu.memory_space<vmem>>
    %dma_wait3A_326 = tpu.memref_squeeze %dma_wait3A_325 : memref<1x64x129xf32, #tpu.memory_space<vmem>> -> memref<64x129xf32, #tpu.memory_space<vmem>>
    %dma_wait3A_327 = arith.constant 24 : i32
    %dma_wait3A_328 = arith.constant 0 : i32
    %dma_wait3A_329 = tpu.memref_slice %dma_wait3A_326[%dma_wait3A_327, %dma_wait3A_328] : memref<64x129xf32, #tpu.memory_space<vmem>> -> memref<8x128xf32, #tpu.memory_space<vmem>>
    %dma_wait3A_330 = arith.constant 0 : i32
    %dma_wait3A_331 = arith.constant 0 : i32
    %dma_wait3A_332 = tpu.memref_slice %arg4[%dma_wait3A_321, %dma_wait3A_322, %add3A, %dma_wait3A_330, %dma_wait3A_331] : memref<200x8x32x8x128xf32, #tpu.memory_space<hbm>> -> memref<1x1x1x8x128xf32, #tpu.memory_space<hbm>>
    %dma_wait3A_333 = tpu.memref_squeeze %dma_wait3A_332 : memref<1x1x1x8x128xf32, #tpu.memory_space<hbm>> -> memref<8x128xf32, #tpu.memory_space<hbm>>
    %dma_wait3A_334 = arith.constant 0 : i32
    %dma_wait3A_335 = arith.constant 0 : i32
    %dma_wait3A_336 = tpu.memref_slice %arg4[%dma_wait3A_321, %dma_wait3A_322, %add3A, %dma_wait3A_334, %dma_wait3A_335] : memref<200x8x32x8x128xf32, #tpu.memory_space<hbm>> -> memref<1x1x1x8x128xf32, #tpu.memory_space<hbm>>
    %dma_wait3A_337 = tpu.memref_squeeze %dma_wait3A_336 : memref<1x1x1x8x128xf32, #tpu.memory_space<hbm>> -> memref<8x128xf32, #tpu.memory_space<hbm>>
    %dma_wait3A_338 = arith.constant 0 : i32
    %dma_wait3A_339 = arith.constant 0 : i32
    %dma_wait3A_340 = tpu.memref_slice %arg7[%dma_wait3A_320, %dma_wait3A_338, %dma_wait3A_339] : memref<2x64x129xf32, #tpu.memory_space<vmem>> -> memref<1x64x129xf32, #tpu.memory_space<vmem>>
    %dma_wait3A_341 = tpu.memref_squeeze %dma_wait3A_340 : memref<1x64x129xf32, #tpu.memory_space<vmem>> -> memref<64x129xf32, #tpu.memory_space<vmem>>
    %dma_wait3A_342 = arith.constant 24 : i32
    %dma_wait3A_343 = arith.constant 0 : i32
    %dma_wait3A_344 = tpu.memref_slice %dma_wait3A_341[%dma_wait3A_342, %dma_wait3A_343] : memref<64x129xf32, #tpu.memory_space<vmem>> -> memref<8x128xf32, #tpu.memory_space<vmem>>
    tpu.wait_dma2 semaphore(%arg11 : memref<!tpu.dma_semaphore, #tpu.memory_space<semaphore_mem>>) src(%dma_wait3A_344 : memref<8x128xf32, #tpu.memory_space<vmem>>) dst(%dma_wait3A_337 : memref<8x128xf32, #tpu.memory_space<hbm>>)
    %dma_wait3A_345 = arith.constant 1 : i32
    %dma_wait3A_346 = arith.constant 199 : i32
    %dma_wait3A_347 = arith.constant 4 : i32
    %dma_wait3A_348 = arith.constant 0 : i32
    %dma_wait3A_349 = arith.constant 0 : i32
    %dma_wait3A_350 = tpu.memref_slice %arg7[%dma_wait3A_345, %dma_wait3A_348, %dma_wait3A_349] : memref<2x64x129xf32, #tpu.memory_space<vmem>> -> memref<1x64x129xf32, #tpu.memory_space<vmem>>
    %dma_wait3A_351 = tpu.memref_squeeze %dma_wait3A_350 : memref<1x64x129xf32, #tpu.memory_space<vmem>> -> memref<64x129xf32, #tpu.memory_space<vmem>>
    %dma_wait3A_352 = arith.constant 32 : i32
    %dma_wait3A_353 = arith.constant 0 : i32
    %dma_wait3A_354 = tpu.memref_slice %dma_wait3A_351[%dma_wait3A_352, %dma_wait3A_353] : memref<64x129xf32, #tpu.memory_space<vmem>> -> memref<8x128xf32, #tpu.memory_space<vmem>>
    %dma_wait3A_355 = arith.constant 0 : i32
    %dma_wait3A_356 = arith.constant 0 : i32
    %dma_wait3A_357 = tpu.memref_slice %arg4[%dma_wait3A_346, %dma_wait3A_347, %add3A, %dma_wait3A_355, %dma_wait3A_356] : memref<200x8x32x8x128xf32, #tpu.memory_space<hbm>> -> memref<1x1x1x8x128xf32, #tpu.memory_space<hbm>>
    %dma_wait3A_358 = tpu.memref_squeeze %dma_wait3A_357 : memref<1x1x1x8x128xf32, #tpu.memory_space<hbm>> -> memref<8x128xf32, #tpu.memory_space<hbm>>
    %dma_wait3A_359 = arith.constant 0 : i32
    %dma_wait3A_360 = arith.constant 0 : i32
    %dma_wait3A_361 = tpu.memref_slice %arg4[%dma_wait3A_346, %dma_wait3A_347, %add3A, %dma_wait3A_359, %dma_wait3A_360] : memref<200x8x32x8x128xf32, #tpu.memory_space<hbm>> -> memref<1x1x1x8x128xf32, #tpu.memory_space<hbm>>
    %dma_wait3A_362 = tpu.memref_squeeze %dma_wait3A_361 : memref<1x1x1x8x128xf32, #tpu.memory_space<hbm>> -> memref<8x128xf32, #tpu.memory_space<hbm>>
    %dma_wait3A_363 = arith.constant 0 : i32
    %dma_wait3A_364 = arith.constant 0 : i32
    %dma_wait3A_365 = tpu.memref_slice %arg7[%dma_wait3A_345, %dma_wait3A_363, %dma_wait3A_364] : memref<2x64x129xf32, #tpu.memory_space<vmem>> -> memref<1x64x129xf32, #tpu.memory_space<vmem>>
    %dma_wait3A_366 = tpu.memref_squeeze %dma_wait3A_365 : memref<1x64x129xf32, #tpu.memory_space<vmem>> -> memref<64x129xf32, #tpu.memory_space<vmem>>
    %dma_wait3A_367 = arith.constant 32 : i32
    %dma_wait3A_368 = arith.constant 0 : i32
    %dma_wait3A_369 = tpu.memref_slice %dma_wait3A_366[%dma_wait3A_367, %dma_wait3A_368] : memref<64x129xf32, #tpu.memory_space<vmem>> -> memref<8x128xf32, #tpu.memory_space<vmem>>
    tpu.wait_dma2 semaphore(%arg11 : memref<!tpu.dma_semaphore, #tpu.memory_space<semaphore_mem>>) src(%dma_wait3A_369 : memref<8x128xf32, #tpu.memory_space<vmem>>) dst(%dma_wait3A_362 : memref<8x128xf32, #tpu.memory_space<hbm>>)
    %dma_wait3A_370 = arith.constant 1 : i32
    %dma_wait3A_371 = arith.constant 199 : i32
    %dma_wait3A_372 = arith.constant 5 : i32
    %dma_wait3A_373 = arith.constant 0 : i32
    %dma_wait3A_374 = arith.constant 0 : i32
    %dma_wait3A_375 = tpu.memref_slice %arg7[%dma_wait3A_370, %dma_wait3A_373, %dma_wait3A_374] : memref<2x64x129xf32, #tpu.memory_space<vmem>> -> memref<1x64x129xf32, #tpu.memory_space<vmem>>
    %dma_wait3A_376 = tpu.memref_squeeze %dma_wait3A_375 : memref<1x64x129xf32, #tpu.memory_space<vmem>> -> memref<64x129xf32, #tpu.memory_space<vmem>>
    %dma_wait3A_377 = arith.constant 40 : i32
    %dma_wait3A_378 = arith.constant 0 : i32
    %dma_wait3A_379 = tpu.memref_slice %dma_wait3A_376[%dma_wait3A_377, %dma_wait3A_378] : memref<64x129xf32, #tpu.memory_space<vmem>> -> memref<8x128xf32, #tpu.memory_space<vmem>>
    %dma_wait3A_380 = arith.constant 0 : i32
    %dma_wait3A_381 = arith.constant 0 : i32
    %dma_wait3A_382 = tpu.memref_slice %arg4[%dma_wait3A_371, %dma_wait3A_372, %add3A, %dma_wait3A_380, %dma_wait3A_381] : memref<200x8x32x8x128xf32, #tpu.memory_space<hbm>> -> memref<1x1x1x8x128xf32, #tpu.memory_space<hbm>>
    %dma_wait3A_383 = tpu.memref_squeeze %dma_wait3A_382 : memref<1x1x1x8x128xf32, #tpu.memory_space<hbm>> -> memref<8x128xf32, #tpu.memory_space<hbm>>
    %dma_wait3A_384 = arith.constant 0 : i32
    %dma_wait3A_385 = arith.constant 0 : i32
    %dma_wait3A_386 = tpu.memref_slice %arg4[%dma_wait3A_371, %dma_wait3A_372, %add3A, %dma_wait3A_384, %dma_wait3A_385] : memref<200x8x32x8x128xf32, #tpu.memory_space<hbm>> -> memref<1x1x1x8x128xf32, #tpu.memory_space<hbm>>
    %dma_wait3A_387 = tpu.memref_squeeze %dma_wait3A_386 : memref<1x1x1x8x128xf32, #tpu.memory_space<hbm>> -> memref<8x128xf32, #tpu.memory_space<hbm>>
    %dma_wait3A_388 = arith.constant 0 : i32
    %dma_wait3A_389 = arith.constant 0 : i32
    %dma_wait3A_390 = tpu.memref_slice %arg7[%dma_wait3A_370, %dma_wait3A_388, %dma_wait3A_389] : memref<2x64x129xf32, #tpu.memory_space<vmem>> -> memref<1x64x129xf32, #tpu.memory_space<vmem>>
    %dma_wait3A_391 = tpu.memref_squeeze %dma_wait3A_390 : memref<1x64x129xf32, #tpu.memory_space<vmem>> -> memref<64x129xf32, #tpu.memory_space<vmem>>
    %dma_wait3A_392 = arith.constant 40 : i32
    %dma_wait3A_393 = arith.constant 0 : i32
    %dma_wait3A_394 = tpu.memref_slice %dma_wait3A_391[%dma_wait3A_392, %dma_wait3A_393] : memref<64x129xf32, #tpu.memory_space<vmem>> -> memref<8x128xf32, #tpu.memory_space<vmem>>
    tpu.wait_dma2 semaphore(%arg11 : memref<!tpu.dma_semaphore, #tpu.memory_space<semaphore_mem>>) src(%dma_wait3A_394 : memref<8x128xf32, #tpu.memory_space<vmem>>) dst(%dma_wait3A_387 : memref<8x128xf32, #tpu.memory_space<hbm>>)
    %dma_wait3A_395 = arith.constant 1 : i32
    %dma_wait3A_396 = arith.constant 199 : i32
    %dma_wait3A_397 = arith.constant 6 : i32
    %dma_wait3A_398 = arith.constant 0 : i32
    %dma_wait3A_399 = arith.constant 0 : i32
    %dma_wait3A_400 = tpu.memref_slice %arg7[%dma_wait3A_395, %dma_wait3A_398, %dma_wait3A_399] : memref<2x64x129xf32, #tpu.memory_space<vmem>> -> memref<1x64x129xf32, #tpu.memory_space<vmem>>
    %dma_wait3A_401 = tpu.memref_squeeze %dma_wait3A_400 : memref<1x64x129xf32, #tpu.memory_space<vmem>> -> memref<64x129xf32, #tpu.memory_space<vmem>>
    %dma_wait3A_402 = arith.constant 48 : i32
    %dma_wait3A_403 = arith.constant 0 : i32
    %dma_wait3A_404 = tpu.memref_slice %dma_wait3A_401[%dma_wait3A_402, %dma_wait3A_403] : memref<64x129xf32, #tpu.memory_space<vmem>> -> memref<8x128xf32, #tpu.memory_space<vmem>>
    %dma_wait3A_405 = arith.constant 0 : i32
    %dma_wait3A_406 = arith.constant 0 : i32
    %dma_wait3A_407 = tpu.memref_slice %arg4[%dma_wait3A_396, %dma_wait3A_397, %add3A, %dma_wait3A_405, %dma_wait3A_406] : memref<200x8x32x8x128xf32, #tpu.memory_space<hbm>> -> memref<1x1x1x8x128xf32, #tpu.memory_space<hbm>>
    %dma_wait3A_408 = tpu.memref_squeeze %dma_wait3A_407 : memref<1x1x1x8x128xf32, #tpu.memory_space<hbm>> -> memref<8x128xf32, #tpu.memory_space<hbm>>
    %dma_wait3A_409 = arith.constant 0 : i32
    %dma_wait3A_410 = arith.constant 0 : i32
    %dma_wait3A_411 = tpu.memref_slice %arg4[%dma_wait3A_396, %dma_wait3A_397, %add3A, %dma_wait3A_409, %dma_wait3A_410] : memref<200x8x32x8x128xf32, #tpu.memory_space<hbm>> -> memref<1x1x1x8x128xf32, #tpu.memory_space<hbm>>
    %dma_wait3A_412 = tpu.memref_squeeze %dma_wait3A_411 : memref<1x1x1x8x128xf32, #tpu.memory_space<hbm>> -> memref<8x128xf32, #tpu.memory_space<hbm>>
    %dma_wait3A_413 = arith.constant 0 : i32
    %dma_wait3A_414 = arith.constant 0 : i32
    %dma_wait3A_415 = tpu.memref_slice %arg7[%dma_wait3A_395, %dma_wait3A_413, %dma_wait3A_414] : memref<2x64x129xf32, #tpu.memory_space<vmem>> -> memref<1x64x129xf32, #tpu.memory_space<vmem>>
    %dma_wait3A_416 = tpu.memref_squeeze %dma_wait3A_415 : memref<1x64x129xf32, #tpu.memory_space<vmem>> -> memref<64x129xf32, #tpu.memory_space<vmem>>
    %dma_wait3A_417 = arith.constant 48 : i32
    %dma_wait3A_418 = arith.constant 0 : i32
    %dma_wait3A_419 = tpu.memref_slice %dma_wait3A_416[%dma_wait3A_417, %dma_wait3A_418] : memref<64x129xf32, #tpu.memory_space<vmem>> -> memref<8x128xf32, #tpu.memory_space<vmem>>
    tpu.wait_dma2 semaphore(%arg11 : memref<!tpu.dma_semaphore, #tpu.memory_space<semaphore_mem>>) src(%dma_wait3A_419 : memref<8x128xf32, #tpu.memory_space<vmem>>) dst(%dma_wait3A_412 : memref<8x128xf32, #tpu.memory_space<hbm>>)
    %dma_wait3A_420 = arith.constant 1 : i32
    %dma_wait3A_421 = arith.constant 199 : i32
    %dma_wait3A_422 = arith.constant 7 : i32
    %dma_wait3A_423 = arith.constant 0 : i32
    %dma_wait3A_424 = arith.constant 0 : i32
    %dma_wait3A_425 = tpu.memref_slice %arg7[%dma_wait3A_420, %dma_wait3A_423, %dma_wait3A_424] : memref<2x64x129xf32, #tpu.memory_space<vmem>> -> memref<1x64x129xf32, #tpu.memory_space<vmem>>
    %dma_wait3A_426 = tpu.memref_squeeze %dma_wait3A_425 : memref<1x64x129xf32, #tpu.memory_space<vmem>> -> memref<64x129xf32, #tpu.memory_space<vmem>>
    %dma_wait3A_427 = arith.constant 56 : i32
    %dma_wait3A_428 = arith.constant 0 : i32
    %dma_wait3A_429 = tpu.memref_slice %dma_wait3A_426[%dma_wait3A_427, %dma_wait3A_428] : memref<64x129xf32, #tpu.memory_space<vmem>> -> memref<8x128xf32, #tpu.memory_space<vmem>>
    %dma_wait3A_430 = arith.constant 0 : i32
    %dma_wait3A_431 = arith.constant 0 : i32
    %dma_wait3A_432 = tpu.memref_slice %arg4[%dma_wait3A_421, %dma_wait3A_422, %add3A, %dma_wait3A_430, %dma_wait3A_431] : memref<200x8x32x8x128xf32, #tpu.memory_space<hbm>> -> memref<1x1x1x8x128xf32, #tpu.memory_space<hbm>>
    %dma_wait3A_433 = tpu.memref_squeeze %dma_wait3A_432 : memref<1x1x1x8x128xf32, #tpu.memory_space<hbm>> -> memref<8x128xf32, #tpu.memory_space<hbm>>
    %dma_wait3A_434 = arith.constant 0 : i32
    %dma_wait3A_435 = arith.constant 0 : i32
    %dma_wait3A_436 = tpu.memref_slice %arg4[%dma_wait3A_421, %dma_wait3A_422, %add3A, %dma_wait3A_434, %dma_wait3A_435] : memref<200x8x32x8x128xf32, #tpu.memory_space<hbm>> -> memref<1x1x1x8x128xf32, #tpu.memory_space<hbm>>
    %dma_wait3A_437 = tpu.memref_squeeze %dma_wait3A_436 : memref<1x1x1x8x128xf32, #tpu.memory_space<hbm>> -> memref<8x128xf32, #tpu.memory_space<hbm>>
    %dma_wait3A_438 = arith.constant 0 : i32
    %dma_wait3A_439 = arith.constant 0 : i32
    %dma_wait3A_440 = tpu.memref_slice %arg7[%dma_wait3A_420, %dma_wait3A_438, %dma_wait3A_439] : memref<2x64x129xf32, #tpu.memory_space<vmem>> -> memref<1x64x129xf32, #tpu.memory_space<vmem>>
    %dma_wait3A_441 = tpu.memref_squeeze %dma_wait3A_440 : memref<1x64x129xf32, #tpu.memory_space<vmem>> -> memref<64x129xf32, #tpu.memory_space<vmem>>
    %dma_wait3A_442 = arith.constant 56 : i32
    %dma_wait3A_443 = arith.constant 0 : i32
    %dma_wait3A_444 = tpu.memref_slice %dma_wait3A_441[%dma_wait3A_442, %dma_wait3A_443] : memref<64x129xf32, #tpu.memory_space<vmem>> -> memref<8x128xf32, #tpu.memory_space<vmem>>
    tpu.wait_dma2 semaphore(%arg11 : memref<!tpu.dma_semaphore, #tpu.memory_space<semaphore_mem>>) src(%dma_wait3A_444 : memref<8x128xf32, #tpu.memory_space<vmem>>) dst(%dma_wait3A_437 : memref<8x128xf32, #tpu.memory_space<hbm>>)
    return
  }
}

</mosaic_0001>

<sc_bundles>
// kernel: kernel.3.cloned.1.call-start
scs
__scs_entry_jumppad:
0x0: {  	(pc) =	sbr.rel $0x88, $3  }
0x1: {  	(tag) =	ssettag $0x0;
	lr =	simm.s32 $0x1  }
0x2: {  	[smem:$0x3F9F] =	sst lr;
	_ =	strace $0xD0000000  }
0x3: {  	_ = 	snop  }
0x4: {  	_ = 	snop  }
0x5: {  	_ = 	snop  }
0x6: {  	_ = 	snop  }
0x7: {  	_ = 	snop  }
__scs_overlays_trampoline_lowered:
0x8: {  	[smem:$0x3FAE] =	sst s0  }
0x9: {  	[smem:$0x3FAF] =	sst s1  }
0xa: {  	[smem:$0x3FB0] =	sst s2  }
0xb: {  	[smem:$0x3FB1] =	sst s3  }
0xc: {  	[smem:$0x3FB2] =	sst s4  }
0xd: {  	[smem:$0x3FB3] =	sst s5  }
0xe: {  	[smem:$0x3FB4] =	sst s6  }
0xf: {  	[smem:$0x3FB5] =	sst s7  }
0x10: {  	[smem:$0x3FB6] =	sst s8  }
0x11: {  	[smem:$0x3FB7] =	sst s9;
	s0 =	simm.s32 @!p0 $0x0  }
0x12: {  	s1 =	sld [smem:$0x3F9D];
	s0 =	simm.s32 @p0 $0x1  }
0x13: {  	[smem:$0x3FB8] =	sst s0;
	s0 =	simm.s32 @!p1 $0x0  }
0x14: {  	s2 =	sld [smem:$0x3F9C];
	s0 =	simm.s32 @p1 $0x1  }
0x15: {  	[smem:$0x3FB9] =	sst s0;
	s0 =	simm.s32 @!p2 $0x0  }
0x16: {  	s3 =	sld [smem:$0x3FDB];
	s0 =	simm.s32 @p2 $0x1  }
0x17: {  	s4 =	simm.s32 $0x1BF5;
	[smem:$0x3FBB] =	sst s0  }
0x18: {  	s0 =	sld [smem:$0x3F9E];
	_ =	swait.ge [sflag:s4], $0x0  }
0x19: {  	s7 =	sld [smem:$0x3F9F]  }
0x1a: {  	s8 =	sadd.s32 $0xFFFFE003, lr  }
0x1b: {  	s9 =	sadd.s32 $0xFFFFFEF7, lr;
	s5 =	simm.s32 $0xFFFFFFFF;
	p2 =	slt.u32 s8, $0xFFFFF086  }
0x1c: {  	p1 =	slt.u32 s9, $0xF7A;
	s5 =	simm.s32 @!p2 $0x0  }
0x1d: {  	s5 =	simm.s32 @p1 $0x1;
	p0 =	seq.s32 s7, s2  }
0x1e: {  	s7 =	smul.u32 @!p0 $0xF7A, s2;
	p2 =	seq.s32 @!p0 s5, $0x0  }
0x1f: {  	s9 =	smul.u32 $0xF7A, s1;
	s8 =	simm.s32 @!p0 $0x1BF5;
	p2 =	por !p2, p0  }
0x20: {  	[sflag:s8] =	ssyncset.s32 @!p0 $0xFFFFF086;
	s6 =	sadd.s32 @!p0 s3, s7;
	s7 =	simm.s32 @!p0 $0x108  }
0x21: {  	s3 =	sadd.s32 s3, s9;
	s6 =	sadd.s32 @!p0 $0x88, s6;
	s7 =	simm.s32 @p2 $0x1082  }
0x22: {  	[simem:s7], [sflag:s8] =	dma.local @!p0 [hbm:s6], $0xF7A  }
0x23: {  	s9 =	sor.u32 $0xD0000000, s2;
	s6 =	simm.s32 $0x108;
	_ =	swait.ge @!p0 [sflag:s8], $0x0  }
0x24: {  	s3 =	sadd.s32 $0x88, s3;
	s6 =	simm.s32 @!p1 $0x1082;
	[sflag:s4] =	ssyncset.s32 $0xFFFFF086  }
0x25: {  	[simem:s6], [sflag:s4] =	dma.local [hbm:s3], $0xF7A  }
0x26: {  	[smem:$0x3F9F] =	sst s1;
	(tag) =	ssettag s2;
	_ =	strace s9  }
0x27: {  	s1 =	sld [smem:$0x3FAF]  }
0x28: {  	s2 =	sld [smem:$0x3FB0]  }
0x29: {  	s4 =	sld [smem:$0x3FB2]  }
0x2a: {  	p0 =	seq.s32 s5, $0x0;
	s5 =	sld [smem:$0x3FB3]  }
0x2b: {  	s6 =	sld [smem:$0x3FB4]  }
0x2c: {  	s7 =	sld [smem:$0x3FB5]  }
0x2d: {  	s3 =	simm.s32 $0x108;
	s8 =	sld [smem:$0x3FB6]  }
0x2e: {  	s3 =	simm.s32 @!p0 $0x1082;
	s9 =	sld [smem:$0x3FB7]  }
0x2f: {  	lr =	sadd.s32 s0, s3;
	s0 =	sld [smem:$0x3FAE]  }
0x30: {  	s3 =	sld [smem:$0x3FB1]  }
0x31: {  	[smem:$0x3FBA] =	sst s10  }
0x32: {  	s10 =	sld [smem:$0x3FB8];
	_ =	sdelay $0x3  }
0x33: {  	p0 =	seq.s32 s10, $0x1;
	s10 =	sld [smem:$0x3FBA];
	_ =	sdelay $0x3  }
0x34: {  	[smem:$0x3FBA] =	sst s10  }
0x35: {  	s10 =	sld [smem:$0x3FB9];
	_ =	sdelay $0x3  }
0x36: {  	p1 =	seq.s32 s10, $0x1;
	s10 =	sld [smem:$0x3FBA];
	_ =	sdelay $0x3  }
0x37: {  	[smem:$0x3FBA] =	sst s10  }
0x38: {  	s10 =	sld [smem:$0x3FBB]  }
0x39: {  	_ = 	snop;
	(pc) =	sbr.ind lr, $3  }
0x3a: {  	_ = 	snop  }
0x3b: {  	_ = 	snop  }
0x3c: {  	p2 =	seq.s32 s10, $0x1;
	s10 =	sld [smem:$0x3FBA]  }
0x3d: {  	_ =	shalt  }
0x3e: {  	_ =	shalt  }
0x3f: {  	_ =	shalt  }
0x40: {  	_ =	shalt  }
0x41: {  	_ =	shalt  }
0x42: {  	_ =	shalt  }
0x43: {  	_ =	shalt  }
0x44: {  	_ =	shalt  }
0x45: {  	_ =	shalt  }
0x46: {  	_ =	shalt  }
0x47: {  	_ =	shalt  }
0x48: {  	_ =	shalt  }
0x49: {  	_ =	shalt  }
0x4a: {  	_ =	shalt  }
0x4b: {  	_ =	shalt  }
0x4c: {  	_ =	shalt  }
0x4d: {  	_ =	shalt  }
0x4e: {  	_ =	shalt  }
0x4f: {  	_ =	shalt  }
0x50: {  	_ =	shalt  }
0x51: {  	_ =	shalt  }
0x52: {  	_ =	shalt  }
0x53: {  	_ =	shalt  }
0x54: {  	_ =	shalt  }
0x55: {  	_ =	shalt  }
0x56: {  	_ =	shalt  }
0x57: {  	_ =	shalt  }
0x58: {  	_ =	shalt  }
0x59: {  	_ =	shalt  }
0x5a: {  	_ =	shalt  }
0x5b: {  	_ =	shalt  }
0x5c: {  	_ =	shalt  }
0x5d: {  	_ =	shalt  }
0x5e: {  	_ =	shalt  }
0x5f: {  	_ =	shalt  }
0x60: {  	_ =	shalt  }
0x61: {  	_ =	shalt  }
0x62: {  	_ =	shalt  }
0x63: {  	_ =	shalt  }
0x64: {  	_ =	shalt  }
0x65: {  	_ =	shalt  }
0x66: {  	_ =	shalt  }
0x67: {  	_ =	shalt  }
0x68: {  	_ =	shalt  }
0x69: {  	_ =	shalt  }
0x6a: {  	_ =	shalt  }
0x6b: {  	_ =	shalt  }
0x6c: {  	_ =	shalt  }
0x6d: {  	_ =	shalt  }
0x6e: {  	_ =	shalt  }
0x6f: {  	_ =	shalt  }
0x70: {  	_ =	shalt  }
0x71: {  	_ =	shalt  }
0x72: {  	_ =	shalt  }
0x73: {  	_ =	shalt  }
0x74: {  	_ =	shalt  }
0x75: {  	_ =	shalt  }
0x76: {  	_ =	shalt  }
0x77: {  	_ =	shalt  }
0x78: {  	_ =	shalt  }
0x79: {  	_ =	shalt  }
0x7a: {  	_ =	shalt  }
0x7b: {  	_ =	shalt  }
0x7c: {  	_ =	shalt  }
0x7d: {  	_ =	shalt  }
0x7e: {  	_ =	shalt  }
0x7f: {  	_ =	shalt  }
0x80: {  	_ =	shalt  }
0x81: {  	_ =	shalt  }
0x82: {  	_ =	shalt  }
0x83: {  	_ =	shalt  }
0x84: {  	_ =	shalt  }
0x85: {  	_ =	shalt  }
0x86: {  	_ =	shalt  }
0x87: {  	_ =	shalt  }
.Lfunc_end0:
.L_simem_size_0:
called_computation.1_lowered:
.L_overlay_start_0:
0x88: {  	s2 =	sld [smem:$0x3FD9]  }
0x89: {  	s3 =	sld [smem:$0x3FFE];
	_ =	sdelay $0x1  }
0x8a: {  	s1 =	srdreg.scid  }
0x8b: {  	s0 =	sand.u32 $0x1, s1  }
0x8c: {  	s17 =	sshll.u32 s0, $0xA;
	s2 =	sadd.s32 s3, s2  }
0x8d: {  	s2 =	sadd.s32 s2, s17  }
0x8e: {  	[smem:$0x3FC6] =	sst s2  }
0x8f: {  	_ = 	snop  }
0x90: {  	s2 =	sld [smem:$0x3FD0];
	(tm) =	ssettm $0x1  }
0x91: {  	s18 =	sld [smem:$0x3FFB];
	_ =	sdelay $0x3  }
0x92: {  	_ =	strace s18  }
0x93: {  	s3 =	sld [smem:$0x3FFC];
	_ =	sdelay $0x3  }
0x94: {  	_ =	strace s3  }
0x95: {  	s3 =	sld [smem:$0x3FFD];
	_ =	sdelay $0x3  }
0x96: {  	_ =	strace s3  }
0x97: {  	_ =	strace $0x8FFFFFFF  }
0x98: {  	s19 =	sld [smem:$0x3FDB];
	_ =	sdelay $0x1  }
0x99: {  	s4 =	simm.s32 $_scs_section_size  }
0x9a: {  	s5 =	simm.s32 $_size__tile_overlayer_lowered;
	s6 =	simm.s32 $_tile_overlayer_lowered  }
0x9b: {  	s22 =	simm.s32 $0x1BFF;
	s21 =	sshll.u32 s6, $0x1;
	s3 =	sadd.s32 s4, s19  }
0x9c: {  	s7 =	simm.s32 $0x0;
	s20 =	sshll.u32 s5, $0x1;
	s5 =	sadd.s32 s21, s3  }
0x9d: {  	[timem:s7], [sflag:s22] =	dma.local [hbm:s5], s20  }
0x9e: {  	_ =	swait.ge [sflag:s22], s20  }
0x9f: {  	s4 =	ssub.s32 $0x0, s20;
	[sflag:s22] =	ssyncset.done $0x0  }
0xa0: {  	[sflag:s22] =	ssyncadd.s32 s4;
	_ =	sdelay $0x1  }
0xa1: {  	s23 =	simm.s32 $0x1B8B  }
0xa2: {  	_ =	swait.ge [sflag:s23], $0x1  }
0xa3: {  	[sflag:s23] =	ssyncset.done $0x0  }
0xa4: {  	s25 =	simm.s32 $0x1B8E;
	s24 =	sld [smem:$0x3FFE];
	[sflag:s23] =	ssyncadd.s32 $0xFFFFFFFF  }
0xa5: {  	s26 =	simm.s32 $execute0_lowered;
	[smem:$0x3FD2] =	sst s25  }
0xa6: {  	s5 =	sshll.u32 s26, $0x1;
	_ =	strace $0x80000049;
	[dreg:$0x1] =	wrdreg $0xFFFFFFFF  }
0xa7: {  	s28 =	simm.s32 $_size_execute0_lowered;
	s3 =	sadd.s32 s3, s5;
	[dreg:$0x0] =	wrdreg $0x0  }
0xa8: {  	s5 =	sshll.u32 s28, $0x1;
	[dreg:$0x2] =	wrdreg s3  }
0xa9: {  	[dreg:$0x3] =	wrdreg s5  }
0xaa: {  	[dreg:$0x4] =	wrdreg $0xC0  }
0xab: {  	_ =	task [dreg:s7], $0x5FFFF  }
0xac: {  	[dreg:$0x1] =	wrdreg $0xFFFFFFFF  }
0xad: {  	[dreg:$0x0] =	wrdreg $0x60  }
0xae: {  	[dreg:$0x2] =	wrdreg s24  }
0xaf: {  	[dreg:$0x3] =	wrdreg s2  }
0xb0: {  	[dreg:$0x4] =	wrdreg $0x9  }
0xb1: {  	_ =	task.clear_ibuf [dreg:s7], $0x5FFFF;
	_ =	strace $0x90000049  }
0xb2: {  	s29 =	simm.s32 $0x9;
	_ =	strace $0x8000004B  }
0xb3: {  	_ =	swait.ge [sflag:s29], $0x1  }
0xb4: {  	[sflag:s29] =	ssyncadd.s32 $0xFFFFFFFF  }
0xb5: {  	_ =	strace $0x9000004B  }
0xb6: {  	_ =	sfence  }
0xb7: {  	s30 =	sld [smem:$0x0];
	_ =	sdelay $0x2  }
0xb8: {  	s31 =	sshll.u32 s1, $0xD;
	s1 =	sshrl.u32 s1, $0x2  }
0xb9: {  	s3 =	sand.u32 $0x4000, s31;
	s1 =	sadd.s32 s1, s30  }
0xba: {  	s0 =	sor.u32 s3, s0;
	s1 =	sshll.u32 s1, $0x11  }
0xbb: {  	s0 =	sor.u32 s1, s0  }
0xbc: {  	s0 =	sadd.s32 $0x8F2B, s0  }
0xbd: {  	[sflag:s0] =	ssyncadd.remote.s32 $0x1  }
0xbe: {  	_ =	sfence.sel $0xFFFF  }
0xbf: {  	[dreg:$0x0] =	wrdreg $0xFFFFFFFF;
	(pc) =	sbr.abs _section_cstart, $3  }
0xc0: {  	[dreg:$0x1] =	wrdreg $0xFFFFFFFF  }
0xc1: {  	_ =	task.clear_ibuf [dreg:s7], $0x2FFFF;
	_ =	strace $0x9FFFFFFF  }
0xc2: {  	(tm) =	ssettm $0x7FFFFFFF  }
0xc3: {  	_ =	shalt  }
tec
execute0_lowered:
.L_overlay_start_1:
0x0: {  	(tag) =	ssettag $0x1  }
0x1: {  	s0 =	rddreg [dreg:$0x0]  }
0x2: {  	s21 =	rddreg [dreg:$0x1];
	s1 =	srdreg.scid  }
0x3: {  	s2 =	stileid.u32;
	s3 =	simm.s32 $0x0;
	s29 =	simm.s32 $0x1  }
0x4: {  	s30 =	simm.s32 $0xA400;
	s23 =	simm.s32 $0x2;
	s25 =	simm.s32 $0xC600  }
0x5: {  	s22 =	simm.s32 $0xE778;
	s1 =	sand.u32 $0x1, s1;
	s2 =	sshll.u32 s2, $0x1  }
0x6: {  	[smem:$0x7FF] =	sst s3;
	s4 =	sadd.s32 $0xF5BE00, s0;
	s7 =	sadd.s32 $0x1000, s21  }
0x7: {  	s8 =	sadd.s32 $0x2000, s21;
	s9 =	sadd.s32 $0x3000, s21;
	s10 =	sadd.s32 $0x4000, s21  }
0x8: {  	s11 =	sadd.s32 $0x5000, s21;
	s12 =	sadd.s32 $0x6000, s21;
	s13 =	sadd.s32 $0x7000, s21  }
0x9: {  	s14 =	sadd.s32 $0x8000, s21;
	s15 =	sadd.s32 $0x9000, s21;
	s16 =	sadd.s32 $0xA000, s21  }
0xa: {  	s17 =	sadd.s32 $0xB000, s21;
	s18 =	sadd.s32 $0xC000, s21;
	s2 =	sor.u32 s1, s2  }
0xb: {  	s19 =	sadd.s32 $0xD000, s21;
	s1 =	ssub.s32 $0x2, s1;
	s5 =	sshll.u32 s2, $0x4  }
0xc: {  	v0 =	vlaneseq.u32;
	s20 =	sadd.s32 $0xE000, s21;
	s6 =	sshrl.u32 s1, $0x1;
	s0 =	sadd.s32 s5, s0  }
0xd: {  	s21 =	sadd.s32 $0xF000, s21;
	v0 =	vmul.u32 $0x88, v0;
	s1 =	ssub.s32 s1, s6;
	s0 =	sadd.s32 $0xF42E00, s0  }
0xe: {  	_ =	strace $0x8000004A;
	s31 =	smax.u32 s1, $0x1;
	[dreg:$0x3] =	wrdreg s0  }
0xf: {  	v1 =	vadd.s32 $0x880, v0;
	v2 =	vadd.s32 $0x1100, v0;
	v3 =	vadd.s32 $0x1980, v0;
	s6 =	sshll.u32 s2, $0x7;
	s2 =	simm.s32 $0x0;
	[dreg:$0x4] =	wrdreg s31  }
.LBB2_1:
0x10: {  	[dreg:$0x5] =	wrdreg s2  }
0x11: {  	s0 =	rddreg [dreg:$0x3]  }
0x12: {  	s1 =	simm.s32 $0x80;
	s24 =	simm.s32 $0x1000;
	s26 =	simm.s32 $0x5  }
0x13: {  	[tilespmem:s3], [sflag:$0x5] =	stream.strided.gather [hbm4b:s0+s1], $0x6400, s24, s1, $0x38;
	[tilespmem:$0xE800] =	vst v63  }
0x14: {  	_ =	swait.ge [sflag:s26], $0x6400  }
0x15: {  	[sflag:s26] =	ssyncset.done $0x0  }
0x16: {  	s28 =	simm.s32 $0x6400;
	[sflag:s26] =	ssyncadd.s32 $0xFFFF9C00  }
0x17: {  	[tilespmem:s28], [sflag:$0x1] =	stream.indirect.gather [hbm4b:s4+s1], $0x40, s3, s1, $0xb8;
	[tilespmem:$0xE800] =	vst v63  }
0x18: {  	s31 =	simm.s32 $0x8400;
	s2 =	simm.s32 $0x0  }
0x19: {  	[tilespmem:s31], [sflag:$0x2] =	stream.indirect.gather [hbm4b:s4+s1], $0x40, s1, s1, $0xb8;
	[tilespmem:$0xE800] =	vst v63  }
.LBB2_2:
0x1a: {  	_ =	swait.ge [sflag:s29], $0x2000  }
0x1b: {  	p0 =	seq.s32 s2, $0x0;
	[sflag:s29] =	ssyncset.done $0x0  }
0x1c: {  	s0 =	simm.s32 @!p0 $0x3;
	[sflag:s29] =	ssyncadd.s32 $0xFFFFE000  }
0x1d: {  	_ =	swait.ge @!p0 [sflag:s0], $0x400  }
0x1e: {  	[sflag:s0] =	ssyncset.done @!p0 $0x0  }
0x1f: {  	[sflag:s0] =	ssyncadd.s32 @!p0 $0xFFFFFC00  }
0x20: {  	_ =	swait.ge @!p0 [sflag:s0], $0x400  }
0x21: {  	[sflag:s0] =	ssyncset.done @!p0 $0x0  }
0x22: {  	[sflag:s0] =	ssyncadd.s32 @!p0 $0xFFFFFC00  }
0x23: {  	_ =	swait.ge @!p0 [sflag:s0], $0x400  }
0x24: {  	[sflag:s0] =	ssyncset.done @!p0 $0x0  }
0x25: {  	[sflag:s0] =	ssyncadd.s32 @!p0 $0xFFFFFC00  }
0x26: {  	_ =	swait.ge @!p0 [sflag:s0], $0x400  }
0x27: {  	[sflag:s0] =	ssyncset.done @!p0 $0x0  }
0x28: {  	[sflag:s0] =	ssyncadd.s32 @!p0 $0xFFFFFC00  }
0x29: {  	_ =	swait.ge @!p0 [sflag:s0], $0x400  }
0x2a: {  	[sflag:s0] =	ssyncset.done @!p0 $0x0  }
0x2b: {  	[sflag:s0] =	ssyncadd.s32 @!p0 $0xFFFFFC00  }
0x2c: {  	_ =	swait.ge @!p0 [sflag:s0], $0x400  }
0x2d: {  	[sflag:s0] =	ssyncset.done @!p0 $0x0  }
0x2e: {  	[sflag:s0] =	ssyncadd.s32 @!p0 $0xFFFFFC00  }
0x2f: {  	_ =	swait.ge @!p0 [sflag:s0], $0x400  }
0x30: {  	[sflag:s0] =	ssyncset.done @!p0 $0x0  }
0x31: {  	[sflag:s0] =	ssyncadd.s32 @!p0 $0xFFFFFC00  }
0x32: {  	_ =	swait.ge @!p0 [sflag:s0], $0x400  }
0x33: {  	[sflag:s0] =	ssyncset.done @!p0 $0x0  }
0x34: {  	s1 =	simm.s32 $0x6480;
	s5 =	simm.s32 $0x3;
	[sflag:s0] =	ssyncadd.s32 @!p0 $0xFFFFFC00  }
0x35: {  	v4 =	vmov s5;
	v5 =	vld [tilespmem:s1+$0x40]  }
0x36: {  	v9 =	vand.u32 $0x7F, v4  }
0x37: {  	s24 =	simm.s32 $0x0;
	v4 =	vadd.s32 v0, v9  }
0x38: {  	s26 =	simm.s32 $0x1;
	v6 =	vmov s24;
	s24 =	simm.s32 $0x2;
	v7 =	vld [tilespmem:s1+$0xFFFFFF80]  }
0x39: {  	v8 =	vand.u32 $0x7C, v6;
	v6 =	vmov s26;
	v11 =	vmov s24;
	v10 =	vld [tilespmem:s1+$0xFFFFFFC0]  }
0x3a: {  	v12 =	vadd.s32 v0, v8;
	v15 =	vand.u32 $0x7D, v6;
	v6 =	vld [tilespmem:s1+$0x0];
	v5 =	vmul.f32 $8.000000000e+00, v5  }
0x3b: {  	v17 =	vand.u32 $0x7E, v11;
	v13 =	vadd.s32 v0, v15  }
0x3c: {  	v11 =	vadd.s32 v0, v17;
	[tilespmem:v4+s30+$0x0] =	vst.idx.msk $0xffff, v5  }
0x3d: {  	v4 =	vmul.f32 $8.000000000e+00, v7;
	v5 =	vld [tilespmem:s1+$0x50]  }
0x3e: {  	v7 =	vmul.f32 $8.000000000e+00, v10  }
0x3f: {  	[tilespmem:v12+s30+$0x0] =	vst.idx.msk $0xffff, v4;
	v4 =	vmul.f32 $8.000000000e+00, v6;
	v6 =	vadd.s32 v1, v9  }
0x40: {  	[tilespmem:v13+s30+$0x0] =	vst.idx.msk $0xffff, v7;
	v10 =	vld [tilespmem:s1+$0xFFFFFF90]  }
0x41: {  	v7 =	vld [tilespmem:s1+$0xFFFFFFD0];
	[tilespmem:v11+s30+$0x0] =	vst.idx.msk $0xffff, v4  }
0x42: {  	v11 =	vld [tilespmem:s1+$0x10];
	v4 =	vmul.f32 $8.000000000e+00, v5  }
0x43: {  	s28 =	simm.s32 $0x4;
	s26 =	simm.s32 $0x7;
	s0 =	simm.s32 $0x6580;
	v12 =	vadd.s32 v1, v15  }
0x44: {  	v14 =	vld [tilespmem:s0+$0x40];
	v13 =	vadd.s32 v1, v17;
	v5 =	vmov s28;
	[tilespmem:v6+s30+$0x0] =	vst.idx.msk $0xffff, v4;
	v6 =	vmov s26  }
0x45: {  	v16 =	vadd.s32 v1, v8;
	v4 =	vand.u32 $0x7C, v5;
	v5 =	vand.u32 $0x7F, v6;
	v18 =	vld [tilespmem:s1+$0x60]  }
0x46: {  	s5 =	simm.s32 $0x5;
	v22 =	vadd.s32 v2, v9;
	v19 =	vld [tilespmem:s0+$0xFFFFFF80];
	v6 =	vmul.f32 $8.000000000e+00, v7;
	v20 =	vadd.s32 v0, v5  }
0x47: {  	v21 =	vld [tilespmem:s0+$0xFFFFFFC0];
	v10 =	vmul.f32 $8.000000000e+00, v10;
	s26 =	simm.s32 $0x6;
	v7 =	vmul.f32 $8.000000000e+00, v11;
	v11 =	vmov s5  }
0x48: {  	v23 =	vadd.s32 v0, v4;
	[tilespmem:v12+s30+$0x0] =	vst.idx.msk $0xffff, v6;
	v12 =	vmov s26;
	v6 =	vand.u32 $0x7D, v11;
	v11 =	vld [tilespmem:s0+$0x0]  }
0x49: {  	[tilespmem:v13+s30+$0x0] =	vst.idx.msk $0xffff, v7;
	v13 =	vadd.s32 v0, v6;
	v7 =	vand.u32 $0x7E, v12;
	v12 =	vmul.f32 $8.000000000e+00, v14;
	v14 =	vld [tilespmem:s1+$0xFFFFFFE0]  }
0x4a: {  	[tilespmem:v16+s30+$0x0] =	vst.idx.msk $0xffff, v10;
	v10 =	vadd.s32 v0, v7;
	v16 =	vld [tilespmem:s1+$0x20];
	v18 =	vmul.f32 $8.000000000e+00, v18  }
0x4b: {  	v19 =	vmul.f32 $8.000000000e+00, v19;
	[tilespmem:v20+s30+$0x0] =	vst.idx.msk $0xffff, v12;
	v12 =	vld [tilespmem:s1+$0xFFFFFFA0];
	v20 =	vadd.s32 v2, v15  }
0x4c: {  	v25 =	vadd.s32 v2, v17;
	v21 =	vmul.f32 $8.000000000e+00, v21;
	v24 =	vld [tilespmem:s0+$0x50];
	[tilespmem:v22+s30+$0x0] =	vst.idx.msk $0xffff, v18  }
0x4d: {  	[tilespmem:v23+s30+$0x0] =	vst.idx.msk $0xffff, v19;
	v19 =	vadd.s32 v2, v8;
	v11 =	vmul.f32 $8.000000000e+00, v11;
	v22 =	vld [tilespmem:s1+$0x70]  }
0x4e: {  	v23 =	vld [tilespmem:s0+$0xFFFFFF90];
	[tilespmem:v13+s30+$0x0] =	vst.idx.msk $0xffff, v21;
	v21 =	vadd.s32 v1, v5;
	v14 =	vmul.f32 $8.000000000e+00, v14  }
0x4f: {  	v27 =	vadd.s32 v3, v9;
	v26 =	vld [tilespmem:s0+$0xFFFFFFD0];
	[tilespmem:v10+s30+$0x0] =	vst.idx.msk $0xffff, v11;
	v10 =	vmul.f32 $8.000000000e+00, v16  }
0x50: {  	v18 =	vadd.s32 v1, v4;
	v13 =	vld [tilespmem:s0+$0x10];
	v9 =	vmul.f32 $8.000000000e+00, v12;
	[tilespmem:v20+s30+$0x0] =	vst.idx.msk $0xffff, v14  }
0x51: {  	s24 =	simm.s32 $0x8;
	v16 =	vadd.s32 v1, v6;
	[tilespmem:v25+s30+$0x0] =	vst.idx.msk $0xffff, v10;
	v14 =	vmul.f32 $8.000000000e+00, v24;
	v12 =	vld [tilespmem:s1+$0xFFFFFFF0]  }
0x52: {  	v20 =	vmov s24;
	v10 =	vadd.s32 v1, v7;
	v11 =	vld [tilespmem:s1+$0x30];
	[tilespmem:v19+s30+$0x0] =	vst.idx.msk $0xffff, v9;
	v63 =	vmul.f32 $8.000000000e+00, v22  }
0x53: {  	s31 =	simm.s32 $0x6680;
	s28 =	simm.s32 $0xB;
	v15 =	vadd.s32 v3, v15;
	v9 =	vand.u32 $0x7C, v20;
	v20 =	vmul.f32 $8.000000000e+00, v23;
	[tilespmem:v21+s30+$0x0] =	vst.idx.msk $0xffff, v14;
	v14 =	vld [tilespmem:s1+$0xFFFFFFB0]  }
0x54: {  	v17 =	vadd.s32 v3, v17;
	s26 =	simm.s32 $0xC;
	v22 =	vmov s28;
	v19 =	vld [tilespmem:s31+$0x40];
	s1 =	sshll.u32 s2, $0x10;
	v21 =	vmul.f32 $8.000000000e+00, v26;
	[tilespmem:v27+s30+$0x0] =	vst.idx.msk $0xffff, v63  }
.LBB2_3:
0x55: {  	p1 =	slt.u32 s26, $0x7C;
	s28 =	sadd.s32 $0x1, s24;
	v22 =	vand.u32 $0x7F, v22;
	[tilespmem:v18+s30+$0x0] =	vst.idx.msk $0xffff, v20;
	v13 =	vmul.f32 $8.000000000e+00, v13;
	v18 =	vld [tilespmem:s0+$0x60];
	v20 =	vadd.s32 v3, v8;
	v8 =	vmovc v4  }
0x56: {  	v4 =	vmovc v9;
	v23 =	vld [tilespmem:s31+$0xFFFFFF80];
	v24 =	vmov s28;
	s28 =	sadd.s32 $0x2, s24;
	v25 =	vadd.s32 v0, v22;
	[tilespmem:v16+s30+$0x0] =	vst.idx.msk $0xffff, v21;
	v12 =	vmul.f32 $8.000000000e+00, v12;
	s24 =	smov.u32 s26  }
0x57: {  	v9 =	vld [tilespmem:s31+$0xFFFFFFC0];
	v16 =	vmov s28;
	[tilespmem:v10+s30+$0x0] =	vst.idx.msk $0xffff, v13;
	v10 =	vadd.s32 v2, v5;
	v11 =	vmul.f32 $8.000000000e+00, v11  }
0x58: {  	v13 =	vadd.s32 v0, v4;
	v21 =	vand.u32 $0x7D, v24;
	v24 =	vld [tilespmem:s31+$0x0];
	v14 =	vmul.f32 $8.000000000e+00, v14;
	[tilespmem:v15+s30+$0x0] =	vst.idx.msk $0xffff, v12  }
0x59: {  	v12 =	vadd.s32 v0, v21;
	v26 =	vand.u32 $0x7E, v16;
	v15 =	vmul.f32 $8.000000000e+00, v19;
	v16 =	vld [tilespmem:s0+$0xFFFFFFE0];
	[tilespmem:v17+s30+$0x0] =	vst.idx.msk $0xffff, v11  }
0x5a: {  	v11 =	vadd.s32 v0, v26;
	v17 =	vld [tilespmem:s0+$0x20];
	v18 =	vmul.f32 $8.000000000e+00, v18;
	[tilespmem:v20+s30+$0x0] =	vst.idx.msk $0xffff, v14  }
0x5b: {  	v19 =	vadd.s32 v2, v6;
	v14 =	vmul.f32 $8.000000000e+00, v23;
	[tilespmem:v25+s30+$0x0] =	vst.idx.msk $0xffff, v15;
	v15 =	vld [tilespmem:s0+$0xFFFFFFA0]  }
0x5c: {  	v23 =	vadd.s32 v2, v7;
	v9 =	vmul.f32 $8.000000000e+00, v9;
	v20 =	vld [tilespmem:s31+$0x50];
	[tilespmem:v10+s30+$0x0] =	vst.idx.msk $0xffff, v18  }
0x5d: {  	[tilespmem:v13+s30+$0x0] =	vst.idx.msk $0xffff, v14;
	v10 =	vmul.f32 $8.000000000e+00, v24;
	v14 =	vadd.s32 v2, v8;
	v24 =	vld [tilespmem:s0+$0x70]  }
0x5e: {  	v27 =	vadd.s32 v1, v22;
	v25 =	vld [tilespmem:s31+$0xFFFFFF90];
	[tilespmem:v12+s30+$0x0] =	vst.idx.msk $0xffff, v9;
	v9 =	vmul.f32 $8.000000000e+00, v16  }
0x5f: {  	v29 =	vadd.s32 v3, v5;
	v5 =	vmov v22;
	v28 =	vld [tilespmem:s31+$0xFFFFFFD0];
	[tilespmem:v11+s30+$0x0] =	vst.idx.msk $0xffff, v10;
	v10 =	vmul.f32 $8.000000000e+00, v17  }
.Ltmp0:
0x60: {  	v18 =	vadd.s32 v1, v4;
	v13 =	vld [tilespmem:s31+$0x10];
	v11 =	vmul.f32 $8.000000000e+00, v15;
	[tilespmem:v19+s30+$0x0] =	vst.idx.msk $0xffff, v9;
	(pc) =	sbr.rel @p1 .LBB2_3-.Ltmp0, $4  }
0x61: {  	v16 =	vadd.s32 v1, v21;
	v15 =	vmul.f32 $8.000000000e+00, v20;
	v12 =	vld [tilespmem:s0+$0xFFFFFFF0];
	[tilespmem:v23+s30+$0x0] =	vst.idx.msk $0xffff, v10  }
0x62: {  	v9 =	vmov s26;
	v10 =	vadd.s32 v1, v26;
	[tilespmem:v14+s30+$0x0] =	vst.idx.msk $0xffff, v11;
	v11 =	vld [tilespmem:s0+$0x30];
	v23 =	vmul.f32 $8.000000000e+00, v24  }
0x63: {  	s28 =	sadd.s32 $0x3, s26;
	v9 =	vand.u32 $0x7C, v9;
	v20 =	vmul.f32 $8.000000000e+00, v25;
	[tilespmem:v27+s30+$0x0] =	vst.idx.msk $0xffff, v15;
	v14 =	vld [tilespmem:s0+$0xFFFFFFB0];
	v15 =	vadd.s32 v3, v6;
	v6 =	vmovc v21;
	s0 =	smov.u32 s31;
	s31 =	sadd.s32 $0x100, s31  }
0x64: {  	v22 =	vmov s28;
	v17 =	vadd.s32 v3, v7;
	v7 =	vmovc v26;
	s26 =	sadd.s32 $0x4, s26;
	v19 =	vld [tilespmem:s31+$0x40];
	v21 =	vmul.f32 $8.000000000e+00, v28;
	[tilespmem:v29+s30+$0x0] =	vst.idx.msk $0xffff, v23  }
0x65: {  	s26 =	sadd.s32 $0x1, s24  }
0x66: {  	v22 =	vand.u32 $0x7F, v22;
	s5 =	sadd.s32 $0x2, s24;
	v24 =	vld [tilespmem:s31+$0xFFFFFFC0];
	v23 =	vmov s26  }
0x67: {  	v27 =	vld [tilespmem:s31+$0x0];
	v25 =	vadd.s32 v0, v22;
	v26 =	vmov s5;
	v23 =	vand.u32 $0x7D, v23  }
0x68: {  	v28 =	vld [tilespmem:s31+$0xFFFFFF80];
	v26 =	vand.u32 $0x7E, v26;
	v29 =	vadd.s32 v0, v23  }
0x69: {  	v30 =	vadd.s32 v0, v26  }
0x6a: {  	[tilespmem:v18+s30+$0x0] =	vst.idx.msk $0xffff, v20;
	v18 =	vadd.s32 v0, v9;
	v19 =	vmul.f32 $8.000000000e+00, v19  }
0x6b: {  	[tilespmem:v16+s30+$0x0] =	vst.idx.msk $0xffff, v21;
	v16 =	vmul.f32 $8.000000000e+00, v24  }
0x6c: {  	[tilespmem:v25+s30+$0x0] =	vst.idx.msk $0xffff, v19;
	v19 =	vmul.f32 $8.000000000e+00, v27  }
0x6d: {  	v20 =	vmul.f32 $8.000000000e+00, v28;
	[tilespmem:v29+s30+$0x0] =	vst.idx.msk $0xffff, v16;
	v16 =	vld [tilespmem:s31+$0x50]  }
0x6e: {  	v13 =	vmul.f32 $8.000000000e+00, v13;
	v8 =	vadd.s32 v3, v8;
	[tilespmem:v30+s30+$0x0] =	vst.idx.msk $0xffff, v19;
	v21 =	vld [tilespmem:s31+$0xFFFFFFD0]  }
0x6f: {  	v12 =	vmul.f32 $8.000000000e+00, v12;
	[tilespmem:v18+s30+$0x0] =	vst.idx.msk $0xffff, v20;
	v18 =	vadd.s32 v1, v22;
	v19 =	vld [tilespmem:s31+$0x10]  }
0x70: {  	[tilespmem:v10+s30+$0x0] =	vst.idx.msk $0xffff, v13;
	v10 =	vmul.f32 $8.000000000e+00, v11;
	v13 =	vadd.s32 v1, v23;
	v11 =	vld [tilespmem:s31+$0xFFFFFF90]  }
0x71: {  	v14 =	vmul.f32 $8.000000000e+00, v14;
	[tilespmem:v15+s30+$0x0] =	vst.idx.msk $0xffff, v12;
	v12 =	vadd.s32 v1, v26;
	v20 =	vld [tilespmem:s0+$0x60]  }
0x72: {  	v15 =	vld [tilespmem:s0+$0xFFFFFFE0];
	[tilespmem:v17+s30+$0x0] =	vst.idx.msk $0xffff, v10;
	v10 =	vadd.s32 v1, v9;
	v16 =	vmul.f32 $8.000000000e+00, v16  }
0x73: {  	v58 =	vld [tilespmem:s0+$0x20];
	v17 =	vadd.s32 v2, v5;
	[tilespmem:v8+s30+$0x0] =	vst.idx.msk $0xffff, v14;
	v8 =	vmul.f32 $8.000000000e+00, v21  }
0x74: {  	v14 =	vld [tilespmem:s0+$0xFFFFFFA0];
	v21 =	vadd.s32 v2, v6;
	[tilespmem:v18+s30+$0x0] =	vst.idx.msk $0xffff, v16;
	v16 =	vmul.f32 $8.000000000e+00, v19  }
0x75: {  	v11 =	vmul.f32 $8.000000000e+00, v11;
	v18 =	vadd.s32 v2, v7;
	v19 =	vld [tilespmem:s31+$0x60];
	[tilespmem:v13+s30+$0x0] =	vst.idx.msk $0xffff, v8  }
0x76: {  	v8 =	vmul.f32 $8.000000000e+00, v20;
	v13 =	vadd.s32 v2, v4;
	[tilespmem:v12+s30+$0x0] =	vst.idx.msk $0xffff, v16;
	v12 =	vld [tilespmem:s31+$0xFFFFFFE0]  }
0x77: {  	v15 =	vmul.f32 $8.000000000e+00, v15;
	[tilespmem:v10+s30+$0x0] =	vst.idx.msk $0xffff, v11;
	v10 =	vadd.s32 v2, v22;
	v11 =	vld [tilespmem:s31+$0x20]  }
0x78: {  	v16 =	vld [tilespmem:s31+$0xFFFFFFA0];
	[tilespmem:v17+s30+$0x0] =	vst.idx.msk $0xffff, v8;
	v8 =	vmul.f32 $8.000000000e+00, v58;
	v17 =	vadd.s32 v2, v23  }
0x79: {  	v14 =	vmul.f32 $8.000000000e+00, v14;
	v20 =	vld [tilespmem:s0+$0x70];
	[tilespmem:v21+s30+$0x0] =	vst.idx.msk $0xffff, v15;
	v15 =	vadd.s32 v2, v26  }
0x7a: {  	v21 =	vld [tilespmem:s0+$0xFFFFFFF0];
	[tilespmem:v18+s30+$0x0] =	vst.idx.msk $0xffff, v8;
	v18 =	vadd.s32 v2, v9;
	v8 =	vmul.f32 $8.000000000e+00, v19  }
0x7b: {  	v5 =	vadd.s32 v3, v5;
	[tilespmem:v13+s30+$0x0] =	vst.idx.msk $0xffff, v14;
	v13 =	vld [tilespmem:s0+$0x30];
	v12 =	vmul.f32 $8.000000000e+00, v12  }
0x7c: {  	v6 =	vadd.s32 v3, v6;
	v14 =	vld [tilespmem:s0+$0xFFFFFFB0];
	[tilespmem:v10+s30+$0x0] =	vst.idx.msk $0xffff, v8;
	v8 =	vmul.f32 $8.000000000e+00, v11  }
0x7d: {  	v7 =	vadd.s32 v3, v7;
	v11 =	vmul.f32 $8.000000000e+00, v16;
	v10 =	vld [tilespmem:s31+$0x70];
	[tilespmem:v17+s30+$0x0] =	vst.idx.msk $0xffff, v12  }
0x7e: {  	v4 =	vadd.s32 v3, v4;
	v12 =	vmul.f32 $8.000000000e+00, v20;
	v16 =	vld [tilespmem:s31+$0xFFFFFFF0];
	[tilespmem:v15+s30+$0x0] =	vst.idx.msk $0xffff, v8  }
0x7f: {  	v8 =	vmul.f32 $8.000000000e+00, v21;
	v15 =	vadd.s32 v3, v22;
	[tilespmem:v18+s30+$0x0] =	vst.idx.msk $0xffff, v11;
	v11 =	vld [tilespmem:s31+$0x30]  }
0x80: {  	[tilespmem:v5+s30+$0x0] =	vst.idx.msk $0xffff, v12;
	v5 =	vmul.f32 $8.000000000e+00, v13;
	v12 =	vld [tilespmem:s31+$0xFFFFFFB0];
	v13 =	vadd.s32 v3, v23  }
0x81: {  	v14 =	vmul.f32 $8.000000000e+00, v14;
	[tilespmem:v6+s30+$0x0] =	vst.idx.msk $0xffff, v8;
	v6 =	vadd.s32 v3, v26  }
0x82: {  	[tilespmem:v7+s30+$0x0] =	vst.idx.msk $0xffff, v5;
	v7 =	vadd.s32 v3, v9;
	v5 =	vmul.f32 $8.000000000e+00, v10  }
0x83: {  	[tilespmem:v4+s30+$0x0] =	vst.idx.msk $0xffff, v14;
	v4 =	vmul.f32 $8.000000000e+00, v16  }
0x84: {  	p1 =	seq.s32 s2, $0x63;
	[tilespmem:v15+s30+$0x0] =	vst.idx.msk $0xffff, v5;
	v5 =	vmul.f32 $8.000000000e+00, v11  }
0x85: {  	s0 =	sshll.u32 @!p1 s2, $0x8;
	v8 =	vmul.f32 $8.000000000e+00, v12;
	[tilespmem:v13+s30+$0x0] =	vst.idx.msk $0xffff, v4  }
0x86: {  	s0 =	sand.u32 @!p1 $0x3FFFFF00, s0;
	[tilespmem:v6+s30+$0x0] =	vst.idx.msk $0xffff, v5  }
0x87: {  	s26 =	simm.s32 @!p1 $0x80;
	s28 =	simm.s32 @!p1 $0x6400;
	s24 =	sadd.s32 @!p1 $0x100, s0;
	[tilespmem:v7+s30+$0x0] =	vst.idx.msk $0xffff, v8  }
0x88: {  	[tilespmem:s28], [sflag:$0x1] =	stream.indirect.gather @!p1 [hbm4b:s4+s26], $0x40, s24, s26, $0xb8;
	[tilespmem:$0xE800] =	vst v63  }
0x89: {  	s31 =	sor.u32 s6, s1;
	s24 =	rddreg [dreg:$0x1]  }
0x8a: {  	s1 =	sadd.s32 s24, s31  }
0x8b: {  	[hbm4b:s1+s3] =	stream.linear.scatter [tilespmem:s30], [sflag:$0x3], $0x80, $0x38;
	[tilespmem:$0xE800] =	vst v63  }
0x8c: {  	s5 =	simm.s32 $0xA488;
	s26 =	sadd.s32 $0x10, s1  }
0x8d: {  	[hbm4b:s26+s3] =	stream.linear.scatter [tilespmem:s5], [sflag:$0x3], $0x80, $0x38;
	[tilespmem:$0xE800] =	vst v63  }
0x8e: {  	s5 =	sadd.s32 $0x20, s1;
	s26 =	simm.s32 $0xA510  }
0x8f: {  	[hbm4b:s5+s3] =	stream.linear.scatter [tilespmem:s26], [sflag:$0x3], $0x80, $0x38;
	[tilespmem:$0xE800] =	vst v63  }
0x90: {  	s5 =	sadd.s32 $0x30, s1;
	s26 =	simm.s32 $0xA598  }
0x91: {  	[hbm4b:s5+s3] =	stream.linear.scatter [tilespmem:s26], [sflag:$0x3], $0x80, $0x38;
	[tilespmem:$0xE800] =	vst v63  }
0x92: {  	s5 =	sadd.s32 $0x40, s1;
	s26 =	simm.s32 $0xA620  }
0x93: {  	[hbm4b:s5+s3] =	stream.linear.scatter [tilespmem:s26], [sflag:$0x3], $0x80, $0x38;
	[tilespmem:$0xE800] =	vst v63  }
0x94: {  	s5 =	sadd.s32 $0x50, s1;
	s26 =	simm.s32 $0xA6A8  }
0x95: {  	[hbm4b:s5+s3] =	stream.linear.scatter [tilespmem:s26], [sflag:$0x3], $0x80, $0x38;
	[tilespmem:$0xE800] =	vst v63  }
0x96: {  	s5 =	sadd.s32 $0x60, s1;
	s26 =	simm.s32 $0xA730  }
0x97: {  	[hbm4b:s5+s3] =	stream.linear.scatter [tilespmem:s26], [sflag:$0x3], $0x80, $0x38;
	[tilespmem:$0xE800] =	vst v63  }
0x98: {  	s24 =	simm.s32 $0xA7B8;
	s1 =	sadd.s32 $0x70, s1  }
0x99: {  	[hbm4b:s1+s3] =	stream.linear.scatter [tilespmem:s24], [sflag:$0x3], $0x80, $0x38;
	[tilespmem:$0xE800] =	vst v63  }
0x9a: {  	s26 =	simm.s32 $0xA840;
	s1 =	sadd.s32 s31, s7  }
0x9b: {  	[hbm4b:s1+s3] =	stream.linear.scatter [tilespmem:s26], [sflag:$0x3], $0x80, $0x38;
	[tilespmem:$0xE800] =	vst v63  }
0x9c: {  	s5 =	sadd.s32 $0x10, s1;
	s26 =	simm.s32 $0xA8C8  }
0x9d: {  	[hbm4b:s5+s3] =	stream.linear.scatter [tilespmem:s26], [sflag:$0x3], $0x80, $0x38;
	[tilespmem:$0xE800] =	vst v63  }
0x9e: {  	s5 =	sadd.s32 $0x20, s1;
	s26 =	simm.s32 $0xA950  }
0x9f: {  	[hbm4b:s5+s3] =	stream.linear.scatter [tilespmem:s26], [sflag:$0x3], $0x80, $0x38;
	[tilespmem:$0xE800] =	vst v63  }
0xa0: {  	s5 =	sadd.s32 $0x30, s1;
	s26 =	simm.s32 $0xA9D8  }
0xa1: {  	[hbm4b:s5+s3] =	stream.linear.scatter [tilespmem:s26], [sflag:$0x3], $0x80, $0x38;
	[tilespmem:$0xE800] =	vst v63  }
0xa2: {  	s5 =	sadd.s32 $0x40, s1;
	s26 =	simm.s32 $0xAA60  }
0xa3: {  	[hbm4b:s5+s3] =	stream.linear.scatter [tilespmem:s26], [sflag:$0x3], $0x80, $0x38;
	[tilespmem:$0xE800] =	vst v63  }
0xa4: {  	s5 =	sadd.s32 $0x50, s1;
	s26 =	simm.s32 $0xAAE8  }
0xa5: {  	[hbm4b:s5+s3] =	stream.linear.scatter [tilespmem:s26], [sflag:$0x3], $0x80, $0x38;
	[tilespmem:$0xE800] =	vst v63  }
0xa6: {  	s5 =	sadd.s32 $0x60, s1;
	s26 =	simm.s32 $0xAB70  }
0xa7: {  	[hbm4b:s5+s3] =	stream.linear.scatter [tilespmem:s26], [sflag:$0x3], $0x80, $0x38;
	[tilespmem:$0xE800] =	vst v63  }
0xa8: {  	s24 =	simm.s32 $0xABF8;
	s1 =	sadd.s32 $0x70, s1  }
0xa9: {  	[hbm4b:s1+s3] =	stream.linear.scatter [tilespmem:s24], [sflag:$0x3], $0x80, $0x38;
	[tilespmem:$0xE800] =	vst v63  }
0xaa: {  	s26 =	simm.s32 $0xAC80;
	s1 =	sadd.s32 s31, s8  }
0xab: {  	[hbm4b:s1+s3] =	stream.linear.scatter [tilespmem:s26], [sflag:$0x3], $0x80, $0x38;
	[tilespmem:$0xE800] =	vst v63  }
0xac: {  	s5 =	sadd.s32 $0x10, s1;
	s26 =	simm.s32 $0xAD08  }
0xad: {  	[hbm4b:s5+s3] =	stream.linear.scatter [tilespmem:s26], [sflag:$0x3], $0x80, $0x38;
	[tilespmem:$0xE800] =	vst v63  }
0xae: {  	s5 =	sadd.s32 $0x20, s1;
	s26 =	simm.s32 $0xAD90  }
0xaf: {  	[hbm4b:s5+s3] =	stream.linear.scatter [tilespmem:s26], [sflag:$0x3], $0x80, $0x38;
	[tilespmem:$0xE800] =	vst v63  }
0xb0: {  	s5 =	sadd.s32 $0x30, s1;
	s26 =	simm.s32 $0xAE18  }
0xb1: {  	[hbm4b:s5+s3] =	stream.linear.scatter [tilespmem:s26], [sflag:$0x3], $0x80, $0x38;
	[tilespmem:$0xE800] =	vst v63  }
0xb2: {  	s5 =	sadd.s32 $0x40, s1;
	s26 =	simm.s32 $0xAEA0  }
0xb3: {  	[hbm4b:s5+s3] =	stream.linear.scatter [tilespmem:s26], [sflag:$0x3], $0x80, $0x38;
	[tilespmem:$0xE800] =	vst v63  }
0xb4: {  	s5 =	sadd.s32 $0x50, s1;
	s26 =	simm.s32 $0xAF28  }
0xb5: {  	[hbm4b:s5+s3] =	stream.linear.scatter [tilespmem:s26], [sflag:$0x3], $0x80, $0x38;
	[tilespmem:$0xE800] =	vst v63  }
0xb6: {  	s5 =	sadd.s32 $0x60, s1;
	s26 =	simm.s32 $0xAFB0  }
0xb7: {  	[hbm4b:s5+s3] =	stream.linear.scatter [tilespmem:s26], [sflag:$0x3], $0x80, $0x38;
	[tilespmem:$0xE800] =	vst v63  }
0xb8: {  	s24 =	simm.s32 $0xB038;
	s1 =	sadd.s32 $0x70, s1  }
0xb9: {  	[hbm4b:s1+s3] =	stream.linear.scatter [tilespmem:s24], [sflag:$0x3], $0x80, $0x38;
	[tilespmem:$0xE800] =	vst v63  }
0xba: {  	s26 =	simm.s32 $0xB0C0;
	s1 =	sadd.s32 s31, s9  }
0xbb: {  	[hbm4b:s1+s3] =	stream.linear.scatter [tilespmem:s26], [sflag:$0x3], $0x80, $0x38;
	[tilespmem:$0xE800] =	vst v63  }
0xbc: {  	s5 =	sadd.s32 $0x10, s1;
	s26 =	simm.s32 $0xB148  }
0xbd: {  	[hbm4b:s5+s3] =	stream.linear.scatter [tilespmem:s26], [sflag:$0x3], $0x80, $0x38;
	[tilespmem:$0xE800] =	vst v63  }
0xbe: {  	s5 =	sadd.s32 $0x20, s1;
	s26 =	simm.s32 $0xB1D0  }
0xbf: {  	[hbm4b:s5+s3] =	stream.linear.scatter [tilespmem:s26], [sflag:$0x3], $0x80, $0x38;
	[tilespmem:$0xE800] =	vst v63  }
0xc0: {  	s5 =	sadd.s32 $0x30, s1;
	s26 =	simm.s32 $0xB258  }
0xc1: {  	[hbm4b:s5+s3] =	stream.linear.scatter [tilespmem:s26], [sflag:$0x3], $0x80, $0x38;
	[tilespmem:$0xE800] =	vst v63  }
0xc2: {  	s5 =	sadd.s32 $0x40, s1;
	s26 =	simm.s32 $0xB2E0  }
0xc3: {  	[hbm4b:s5+s3] =	stream.linear.scatter [tilespmem:s26], [sflag:$0x3], $0x80, $0x38;
	[tilespmem:$0xE800] =	vst v63  }
0xc4: {  	s5 =	sadd.s32 $0x50, s1;
	s26 =	simm.s32 $0xB368  }
0xc5: {  	[hbm4b:s5+s3] =	stream.linear.scatter [tilespmem:s26], [sflag:$0x3], $0x80, $0x38;
	[tilespmem:$0xE800] =	vst v63  }
0xc6: {  	s5 =	sadd.s32 $0x60, s1;
	s26 =	simm.s32 $0xB3F0  }
0xc7: {  	[hbm4b:s5+s3] =	stream.linear.scatter [tilespmem:s26], [sflag:$0x3], $0x80, $0x38;
	[tilespmem:$0xE800] =	vst v63  }
0xc8: {  	s24 =	simm.s32 $0xB478;
	s1 =	sadd.s32 $0x70, s1  }
0xc9: {  	[hbm4b:s1+s3] =	stream.linear.scatter [tilespmem:s24], [sflag:$0x3], $0x80, $0x38;
	[tilespmem:$0xE800] =	vst v63  }
0xca: {  	s26 =	simm.s32 $0xB500;
	s1 =	sadd.s32 s31, s10  }
0xcb: {  	[hbm4b:s1+s3] =	stream.linear.scatter [tilespmem:s26], [sflag:$0x3], $0x80, $0x38;
	[tilespmem:$0xE800] =	vst v63  }
0xcc: {  	s5 =	sadd.s32 $0x10, s1;
	s26 =	simm.s32 $0xB588  }
0xcd: {  	[hbm4b:s5+s3] =	stream.linear.scatter [tilespmem:s26], [sflag:$0x3], $0x80, $0x38;
	[tilespmem:$0xE800] =	vst v63  }
0xce: {  	s5 =	sadd.s32 $0x20, s1;
	s26 =	simm.s32 $0xB610  }
0xcf: {  	[hbm4b:s5+s3] =	stream.linear.scatter [tilespmem:s26], [sflag:$0x3], $0x80, $0x38;
	[tilespmem:$0xE800] =	vst v63  }
0xd0: {  	s5 =	sadd.s32 $0x30, s1;
	s26 =	simm.s32 $0xB698  }
0xd1: {  	[hbm4b:s5+s3] =	stream.linear.scatter [tilespmem:s26], [sflag:$0x3], $0x80, $0x38;
	[tilespmem:$0xE800] =	vst v63  }
0xd2: {  	s5 =	sadd.s32 $0x40, s1;
	s26 =	simm.s32 $0xB720  }
0xd3: {  	[hbm4b:s5+s3] =	stream.linear.scatter [tilespmem:s26], [sflag:$0x3], $0x80, $0x38;
	[tilespmem:$0xE800] =	vst v63  }
0xd4: {  	s5 =	sadd.s32 $0x50, s1;
	s26 =	simm.s32 $0xB7A8  }
0xd5: {  	[hbm4b:s5+s3] =	stream.linear.scatter [tilespmem:s26], [sflag:$0x3], $0x80, $0x38;
	[tilespmem:$0xE800] =	vst v63  }
0xd6: {  	s5 =	sadd.s32 $0x60, s1;
	s26 =	simm.s32 $0xB830  }
0xd7: {  	[hbm4b:s5+s3] =	stream.linear.scatter [tilespmem:s26], [sflag:$0x3], $0x80, $0x38;
	[tilespmem:$0xE800] =	vst v63  }
0xd8: {  	s24 =	simm.s32 $0xB8B8;
	s1 =	sadd.s32 $0x70, s1  }
0xd9: {  	[hbm4b:s1+s3] =	stream.linear.scatter [tilespmem:s24], [sflag:$0x3], $0x80, $0x38;
	[tilespmem:$0xE800] =	vst v63  }
0xda: {  	s26 =	simm.s32 $0xB940;
	s1 =	sadd.s32 s31, s11  }
0xdb: {  	[hbm4b:s1+s3] =	stream.linear.scatter [tilespmem:s26], [sflag:$0x3], $0x80, $0x38;
	[tilespmem:$0xE800] =	vst v63  }
0xdc: {  	s5 =	sadd.s32 $0x10, s1;
	s26 =	simm.s32 $0xB9C8  }
0xdd: {  	[hbm4b:s5+s3] =	stream.linear.scatter [tilespmem:s26], [sflag:$0x3], $0x80, $0x38;
	[tilespmem:$0xE800] =	vst v63  }
0xde: {  	s5 =	sadd.s32 $0x20, s1;
	s26 =	simm.s32 $0xBA50  }
0xdf: {  	[hbm4b:s5+s3] =	stream.linear.scatter [tilespmem:s26], [sflag:$0x3], $0x80, $0x38;
	[tilespmem:$0xE800] =	vst v63  }
0xe0: {  	s5 =	sadd.s32 $0x30, s1;
	s26 =	simm.s32 $0xBAD8  }
0xe1: {  	[hbm4b:s5+s3] =	stream.linear.scatter [tilespmem:s26], [sflag:$0x3], $0x80, $0x38;
	[tilespmem:$0xE800] =	vst v63  }
0xe2: {  	s5 =	sadd.s32 $0x40, s1;
	s26 =	simm.s32 $0xBB60  }
0xe3: {  	[hbm4b:s5+s3] =	stream.linear.scatter [tilespmem:s26], [sflag:$0x3], $0x80, $0x38;
	[tilespmem:$0xE800] =	vst v63  }
0xe4: {  	s5 =	sadd.s32 $0x50, s1;
	s26 =	simm.s32 $0xBBE8  }
0xe5: {  	[hbm4b:s5+s3] =	stream.linear.scatter [tilespmem:s26], [sflag:$0x3], $0x80, $0x38;
	[tilespmem:$0xE800] =	vst v63  }
0xe6: {  	s5 =	sadd.s32 $0x60, s1;
	s26 =	simm.s32 $0xBC70  }
0xe7: {  	[hbm4b:s5+s3] =	stream.linear.scatter [tilespmem:s26], [sflag:$0x3], $0x80, $0x38;
	[tilespmem:$0xE800] =	vst v63  }
0xe8: {  	s24 =	simm.s32 $0xBCF8;
	s1 =	sadd.s32 $0x70, s1  }
0xe9: {  	[hbm4b:s1+s3] =	stream.linear.scatter [tilespmem:s24], [sflag:$0x3], $0x80, $0x38;
	[tilespmem:$0xE800] =	vst v63  }
0xea: {  	s26 =	simm.s32 $0xBD80;
	s1 =	sadd.s32 s31, s12  }
0xeb: {  	[hbm4b:s1+s3] =	stream.linear.scatter [tilespmem:s26], [sflag:$0x3], $0x80, $0x38;
	[tilespmem:$0xE800] =	vst v63  }
0xec: {  	s5 =	sadd.s32 $0x10, s1;
	s26 =	simm.s32 $0xBE08  }
0xed: {  	[hbm4b:s5+s3] =	stream.linear.scatter [tilespmem:s26], [sflag:$0x3], $0x80, $0x38;
	[tilespmem:$0xE800] =	vst v63  }
0xee: {  	s5 =	sadd.s32 $0x20, s1;
	s26 =	simm.s32 $0xBE90  }
0xef: {  	[hbm4b:s5+s3] =	stream.linear.scatter [tilespmem:s26], [sflag:$0x3], $0x80, $0x38;
	[tilespmem:$0xE800] =	vst v63  }
0xf0: {  	s5 =	sadd.s32 $0x30, s1;
	s26 =	simm.s32 $0xBF18  }
0xf1: {  	[hbm4b:s5+s3] =	stream.linear.scatter [tilespmem:s26], [sflag:$0x3], $0x80, $0x38;
	[tilespmem:$0xE800] =	vst v63  }
0xf2: {  	s5 =	sadd.s32 $0x40, s1;
	s26 =	simm.s32 $0xBFA0  }
0xf3: {  	[hbm4b:s5+s3] =	stream.linear.scatter [tilespmem:s26], [sflag:$0x3], $0x80, $0x38;
	[tilespmem:$0xE800] =	vst v63  }
0xf4: {  	s5 =	sadd.s32 $0x50, s1;
	s26 =	simm.s32 $0xC028  }
0xf5: {  	[hbm4b:s5+s3] =	stream.linear.scatter [tilespmem:s26], [sflag:$0x3], $0x80, $0x38;
	[tilespmem:$0xE800] =	vst v63  }
0xf6: {  	s5 =	sadd.s32 $0x60, s1;
	s26 =	simm.s32 $0xC0B0  }
0xf7: {  	[hbm4b:s5+s3] =	stream.linear.scatter [tilespmem:s26], [sflag:$0x3], $0x80, $0x38;
	[tilespmem:$0xE800] =	vst v63  }
0xf8: {  	s24 =	simm.s32 $0xC138;
	s1 =	sadd.s32 $0x70, s1  }
0xf9: {  	[hbm4b:s1+s3] =	stream.linear.scatter [tilespmem:s24], [sflag:$0x3], $0x80, $0x38;
	[tilespmem:$0xE800] =	vst v63  }
0xfa: {  	s26 =	simm.s32 $0xC1C0;
	s1 =	sadd.s32 s31, s13  }
0xfb: {  	[hbm4b:s1+s3] =	stream.linear.scatter [tilespmem:s26], [sflag:$0x3], $0x80, $0x38;
	[tilespmem:$0xE800] =	vst v63  }
0xfc: {  	s5 =	sadd.s32 $0x10, s1;
	s26 =	simm.s32 $0xC248  }
0xfd: {  	[hbm4b:s5+s3] =	stream.linear.scatter [tilespmem:s26], [sflag:$0x3], $0x80, $0x38;
	[tilespmem:$0xE800] =	vst v63  }
0xfe: {  	s5 =	sadd.s32 $0x20, s1;
	s26 =	simm.s32 $0xC2D0  }
0xff: {  	[hbm4b:s5+s3] =	stream.linear.scatter [tilespmem:s26], [sflag:$0x3], $0x80, $0x38;
	[tilespmem:$0xE800] =	vst v63  }
0x100: {  	s5 =	sadd.s32 $0x30, s1;
	s26 =	simm.s32 $0xC358  }
0x101: {  	[hbm4b:s5+s3] =	stream.linear.scatter [tilespmem:s26], [sflag:$0x3], $0x80, $0x38;
	[tilespmem:$0xE800] =	vst v63  }
0x102: {  	s5 =	sadd.s32 $0x40, s1;
	s26 =	simm.s32 $0xC3E0  }
0x103: {  	[hbm4b:s5+s3] =	stream.linear.scatter [tilespmem:s26], [sflag:$0x3], $0x80, $0x38;
	[tilespmem:$0xE800] =	vst v63  }
0x104: {  	s5 =	sadd.s32 $0x50, s1;
	s26 =	simm.s32 $0xC468  }
0x105: {  	[hbm4b:s5+s3] =	stream.linear.scatter [tilespmem:s26], [sflag:$0x3], $0x80, $0x38;
	[tilespmem:$0xE800] =	vst v63  }
0x106: {  	s5 =	sadd.s32 $0x60, s1;
	s26 =	simm.s32 $0xC4F0  }
0x107: {  	[hbm4b:s5+s3] =	stream.linear.scatter [tilespmem:s26], [sflag:$0x3], $0x80, $0x38;
	[tilespmem:$0xE800] =	vst v63  }
0x108: {  	s24 =	simm.s32 $0xC578;
	s1 =	sadd.s32 $0x70, s1  }
0x109: {  	[hbm4b:s1+s3] =	stream.linear.scatter [tilespmem:s24], [sflag:$0x3], $0x80, $0x38;
	[tilespmem:$0xE800] =	vst v63  }
0x10a: {  	_ =	swait.ge [sflag:s23], $0x2000  }
0x10b: {  	[sflag:s23] =	ssyncset.done $0x0  }
0x10c: {  	s1 =	simm.s32 @!p0 $0x4;
	[sflag:s23] =	ssyncadd.s32 $0xFFFFE000  }
0x10d: {  	_ =	swait.ge @!p0 [sflag:s1], $0x400  }
0x10e: {  	[sflag:s1] =	ssyncset.done @!p0 $0x0  }
0x10f: {  	[sflag:s1] =	ssyncadd.s32 @!p0 $0xFFFFFC00  }
0x110: {  	_ =	swait.ge @!p0 [sflag:s1], $0x400  }
0x111: {  	[sflag:s1] =	ssyncset.done @!p0 $0x0  }
0x112: {  	[sflag:s1] =	ssyncadd.s32 @!p0 $0xFFFFFC00  }
0x113: {  	_ =	swait.ge @!p0 [sflag:s1], $0x400  }
0x114: {  	[sflag:s1] =	ssyncset.done @!p0 $0x0  }
0x115: {  	[sflag:s1] =	ssyncadd.s32 @!p0 $0xFFFFFC00  }
0x116: {  	_ =	swait.ge @!p0 [sflag:s1], $0x400  }
0x117: {  	[sflag:s1] =	ssyncset.done @!p0 $0x0  }
0x118: {  	[sflag:s1] =	ssyncadd.s32 @!p0 $0xFFFFFC00  }
0x119: {  	_ =	swait.ge @!p0 [sflag:s1], $0x400  }
0x11a: {  	[sflag:s1] =	ssyncset.done @!p0 $0x0  }
0x11b: {  	[sflag:s1] =	ssyncadd.s32 @!p0 $0xFFFFFC00  }
0x11c: {  	_ =	swait.ge @!p0 [sflag:s1], $0x400  }
0x11d: {  	[sflag:s1] =	ssyncset.done @!p0 $0x0  }
0x11e: {  	[sflag:s1] =	ssyncadd.s32 @!p0 $0xFFFFFC00  }
0x11f: {  	_ =	swait.ge @!p0 [sflag:s1], $0x400  }
0x120: {  	[sflag:s1] =	ssyncset.done @!p0 $0x0  }
0x121: {  	[sflag:s1] =	ssyncadd.s32 @!p0 $0xFFFFFC00  }
0x122: {  	_ =	swait.ge @!p0 [sflag:s1], $0x400  }
0x123: {  	[sflag:s1] =	ssyncset.done @!p0 $0x0  }
0x124: {  	s26 =	simm.s32 $0x3;
	s24 =	simm.s32 $0x84F0;
	[sflag:s1] =	ssyncadd.s32 @!p0 $0xFFFFFC00  }
0x125: {  	v4 =	vmov s26;
	v5 =	vld [tilespmem:s24+$0xFFFFFFD0]  }
0x126: {  	v9 =	vand.u32 $0x7F, v4  }
0x127: {  	s5 =	simm.s32 $0x0;
	v4 =	vadd.s32 v0, v9  }
0x128: {  	v6 =	vmov s5;
	s26 =	simm.s32 $0x1;
	s5 =	simm.s32 $0x2;
	v7 =	vld [tilespmem:s24+$0xFFFFFF10]  }
0x129: {  	v8 =	vand.u32 $0x7C, v6;
	v6 =	vmov s26;
	v11 =	vmov s5;
	v10 =	vld [tilespmem:s24+$0xFFFFFF50]  }
0x12a: {  	v12 =	vadd.s32 v0, v8;
	v15 =	vand.u32 $0x7D, v6;
	v6 =	vld [tilespmem:s24+$0xFFFFFF90];
	v5 =	vmul.f32 $8.000000000e+00, v5  }
0x12b: {  	v17 =	vand.u32 $0x7E, v11;
	v13 =	vadd.s32 v0, v15  }
0x12c: {  	v11 =	vadd.s32 v0, v17;
	[tilespmem:v4+s25+$0x0] =	vst.idx.msk $0xffff, v5  }
0x12d: {  	v4 =	vmul.f32 $8.000000000e+00, v7;
	v5 =	vld [tilespmem:s24+$0xFFFFFFE0]  }
0x12e: {  	v7 =	vmul.f32 $8.000000000e+00, v10  }
0x12f: {  	[tilespmem:v12+s25+$0x0] =	vst.idx.msk $0xffff, v4;
	v4 =	vmul.f32 $8.000000000e+00, v6;
	v6 =	vadd.s32 v1, v9  }
0x130: {  	[tilespmem:v13+s25+$0x0] =	vst.idx.msk $0xffff, v7;
	v10 =	vld [tilespmem:s24+$0xFFFFFF20]  }
0x131: {  	v7 =	vld [tilespmem:s24+$0xFFFFFF60];
	[tilespmem:v11+s25+$0x0] =	vst.idx.msk $0xffff, v4  }
0x132: {  	v11 =	vld [tilespmem:s24+$0xFFFFFFA0];
	v4 =	vmul.f32 $8.000000000e+00, v5  }
0x133: {  	s28 =	simm.s32 $0x7;
	s5 =	simm.s32 $0x4;
	s1 =	simm.s32 $0x85F0;
	v12 =	vadd.s32 v1, v15  }
0x134: {  	v14 =	vld [tilespmem:s1+$0xFFFFFFD0];
	v13 =	vadd.s32 v1, v17;
	v5 =	vmov s5;
	[tilespmem:v6+s25+$0x0] =	vst.idx.msk $0xffff, v4;
	v6 =	vmov s28  }
0x135: {  	v16 =	vadd.s32 v1, v8;
	v4 =	vand.u32 $0x7C, v5;
	v5 =	vand.u32 $0x7F, v6;
	v18 =	vld [tilespmem:s24+$0xFFFFFFF0]  }
0x136: {  	v22 =	vadd.s32 v2, v9;
	v19 =	vld [tilespmem:s1+$0xFFFFFF10];
	s5 =	simm.s32 $0x5;
	v6 =	vmul.f32 $8.000000000e+00, v7;
	v20 =	vadd.s32 v0, v5  }
0x137: {  	v21 =	vld [tilespmem:s1+$0xFFFFFF50];
	v10 =	vmul.f32 $8.000000000e+00, v10;
	v7 =	vmul.f32 $8.000000000e+00, v11;
	v11 =	vmov s5;
	s5 =	simm.s32 $0x6  }
0x138: {  	v23 =	vadd.s32 v0, v4;
	[tilespmem:v12+s25+$0x0] =	vst.idx.msk $0xffff, v6;
	v12 =	vmov s5;
	v6 =	vand.u32 $0x7D, v11;
	v11 =	vld [tilespmem:s1+$0xFFFFFF90]  }
0x139: {  	[tilespmem:v13+s25+$0x0] =	vst.idx.msk $0xffff, v7;
	v13 =	vadd.s32 v0, v6;
	v7 =	vand.u32 $0x7E, v12;
	v12 =	vmul.f32 $8.000000000e+00, v14;
	v14 =	vld [tilespmem:s24+$0xFFFFFF70]  }
0x13a: {  	[tilespmem:v16+s25+$0x0] =	vst.idx.msk $0xffff, v10;
	v10 =	vadd.s32 v0, v7;
	v16 =	vld [tilespmem:s24+$0xFFFFFFB0];
	v18 =	vmul.f32 $8.000000000e+00, v18  }
0x13b: {  	v19 =	vmul.f32 $8.000000000e+00, v19;
	[tilespmem:v20+s25+$0x0] =	vst.idx.msk $0xffff, v12;
	v12 =	vld [tilespmem:s24+$0xFFFFFF30];
	v20 =	vadd.s32 v2, v15  }
0x13c: {  	v60 =	vadd.s32 v2, v17;
	v21 =	vmul.f32 $8.000000000e+00, v21;
	v59 =	vld [tilespmem:s1+$0xFFFFFFE0];
	[tilespmem:v22+s25+$0x0] =	vst.idx.msk $0xffff, v18  }
0x13d: {  	[tilespmem:v23+s25+$0x0] =	vst.idx.msk $0xffff, v19;
	v19 =	vadd.s32 v2, v8;
	v11 =	vmul.f32 $8.000000000e+00, v11;
	v22 =	vld [tilespmem:s24+$0x0]  }
0x13e: {  	v23 =	vld [tilespmem:s1+$0xFFFFFF20];
	[tilespmem:v13+s25+$0x0] =	vst.idx.msk $0xffff, v21;
	v21 =	vadd.s32 v1, v5;
	v14 =	vmul.f32 $8.000000000e+00, v14  }
0x13f: {  	v62 =	vadd.s32 v3, v9;
	v61 =	vld [tilespmem:s1+$0xFFFFFF60];
	[tilespmem:v10+s25+$0x0] =	vst.idx.msk $0xffff, v11;
	v10 =	vmul.f32 $8.000000000e+00, v16  }
0x140: {  	v18 =	vadd.s32 v1, v4;
	v13 =	vld [tilespmem:s1+$0xFFFFFFA0];
	v9 =	vmul.f32 $8.000000000e+00, v12;
	[tilespmem:v20+s25+$0x0] =	vst.idx.msk $0xffff, v14  }
0x141: {  	s26 =	simm.s32 $0x8;
	v16 =	vadd.s32 v1, v6;
	[tilespmem:v60+s25+$0x0] =	vst.idx.msk $0xffff, v10;
	v14 =	vmul.f32 $8.000000000e+00, v59;
	v12 =	vld [tilespmem:s24+$0xFFFFFF80]  }
0x142: {  	v20 =	vmov s26;
	v10 =	vadd.s32 v1, v7;
	v11 =	vld [tilespmem:s24+$0xFFFFFFC0];
	[tilespmem:v19+s25+$0x0] =	vst.idx.msk $0xffff, v9;
	v63 =	vmul.f32 $8.000000000e+00, v22  }
0x143: {  	s28 =	simm.s32 $0xB;
	v15 =	vadd.s32 v3, v15;
	v9 =	vand.u32 $0x7C, v20;
	v20 =	vmul.f32 $8.000000000e+00, v23;
	[tilespmem:v21+s25+$0x0] =	vst.idx.msk $0xffff, v14;
	v14 =	vld [tilespmem:s24+$0xFFFFFF40];
	s24 =	simm.s32 $0x86F0  }
0x144: {  	v17 =	vadd.s32 v3, v17;
	v22 =	vmov s28;
	s28 =	simm.s32 $0xC;
	v21 =	vmul.f32 $8.000000000e+00, v61;
	v19 =	vld [tilespmem:s24+$0xFFFFFFD0];
	[tilespmem:v62+s25+$0x0] =	vst.idx.msk $0xffff, v63  }
.LBB2_5:
0x145: {  	p0 =	slt.u32 s28, $0x7C;
	s5 =	sadd.s32 $0x1, s26;
	v22 =	vand.u32 $0x7F, v22;
	[tilespmem:v18+s25+$0x0] =	vst.idx.msk $0xffff, v20;
	v13 =	vmul.f32 $8.000000000e+00, v13;
	v18 =	vld [tilespmem:s1+$0xFFFFFFF0];
	v20 =	vadd.s32 v3, v8;
	v8 =	vmovc v4  }
0x146: {  	v4 =	vmovc v9;
	v23 =	vld [tilespmem:s24+$0xFFFFFF10];
	v24 =	vmov s5;
	s5 =	sadd.s32 $0x2, s26;
	v25 =	vadd.s32 v0, v22;
	[tilespmem:v16+s25+$0x0] =	vst.idx.msk $0xffff, v21;
	v12 =	vmul.f32 $8.000000000e+00, v12;
	s26 =	smov.u32 s28  }
0x147: {  	v9 =	vld [tilespmem:s24+$0xFFFFFF50];
	v16 =	vmov s5;
	[tilespmem:v10+s25+$0x0] =	vst.idx.msk $0xffff, v13;
	v10 =	vadd.s32 v2, v5;
	v11 =	vmul.f32 $8.000000000e+00, v11  }
0x148: {  	v13 =	vadd.s32 v0, v4;
	v21 =	vand.u32 $0x7D, v24;
	v24 =	vld [tilespmem:s24+$0xFFFFFF90];
	v14 =	vmul.f32 $8.000000000e+00, v14;
	[tilespmem:v15+s25+$0x0] =	vst.idx.msk $0xffff, v12  }
0x149: {  	v12 =	vadd.s32 v0, v21;
	v26 =	vand.u32 $0x7E, v16;
	v15 =	vmul.f32 $8.000000000e+00, v19;
	v16 =	vld [tilespmem:s1+$0xFFFFFF70];
	[tilespmem:v17+s25+$0x0] =	vst.idx.msk $0xffff, v11  }
0x14a: {  	v11 =	vadd.s32 v0, v26;
	v17 =	vld [tilespmem:s1+$0xFFFFFFB0];
	v18 =	vmul.f32 $8.000000000e+00, v18;
	[tilespmem:v20+s25+$0x0] =	vst.idx.msk $0xffff, v14  }
0x14b: {  	v19 =	vadd.s32 v2, v6;
	v14 =	vmul.f32 $8.000000000e+00, v23;
	[tilespmem:v25+s25+$0x0] =	vst.idx.msk $0xffff, v15;
	v15 =	vld [tilespmem:s1+$0xFFFFFF30]  }
0x14c: {  	v23 =	vadd.s32 v2, v7;
	v9 =	vmul.f32 $8.000000000e+00, v9;
	v20 =	vld [tilespmem:s24+$0xFFFFFFE0];
	[tilespmem:v10+s25+$0x0] =	vst.idx.msk $0xffff, v18  }
0x14d: {  	[tilespmem:v13+s25+$0x0] =	vst.idx.msk $0xffff, v14;
	v10 =	vmul.f32 $8.000000000e+00, v24;
	v14 =	vadd.s32 v2, v8;
	v24 =	vld [tilespmem:s1+$0x0]  }
0x14e: {  	v27 =	vadd.s32 v1, v22;
	v25 =	vld [tilespmem:s24+$0xFFFFFF20];
	[tilespmem:v12+s25+$0x0] =	vst.idx.msk $0xffff, v9;
	v9 =	vmul.f32 $8.000000000e+00, v16  }
0x14f: {  	v29 =	vadd.s32 v3, v5;
	v5 =	vmov v22;
	v28 =	vld [tilespmem:s24+$0xFFFFFF60];
	[tilespmem:v11+s25+$0x0] =	vst.idx.msk $0xffff, v10;
	v10 =	vmul.f32 $8.000000000e+00, v17  }
.Ltmp1:
0x150: {  	v18 =	vadd.s32 v1, v4;
	v13 =	vld [tilespmem:s24+$0xFFFFFFA0];
	v11 =	vmul.f32 $8.000000000e+00, v15;
	[tilespmem:v19+s25+$0x0] =	vst.idx.msk $0xffff, v9;
	(pc) =	sbr.rel @p0 .LBB2_5-.Ltmp1, $4  }
0x151: {  	v16 =	vadd.s32 v1, v21;
	v15 =	vmul.f32 $8.000000000e+00, v20;
	v12 =	vld [tilespmem:s1+$0xFFFFFF80];
	[tilespmem:v23+s25+$0x0] =	vst.idx.msk $0xffff, v10  }
0x152: {  	v9 =	vmov s28;
	v10 =	vadd.s32 v1, v26;
	[tilespmem:v14+s25+$0x0] =	vst.idx.msk $0xffff, v11;
	v11 =	vld [tilespmem:s1+$0xFFFFFFC0];
	v23 =	vmul.f32 $8.000000000e+00, v24  }
0x153: {  	s5 =	sadd.s32 $0x3, s28;
	v9 =	vand.u32 $0x7C, v9;
	v20 =	vmul.f32 $8.000000000e+00, v25;
	[tilespmem:v27+s25+$0x0] =	vst.idx.msk $0xffff, v15;
	v14 =	vld [tilespmem:s1+$0xFFFFFF40];
	v15 =	vadd.s32 v3, v6;
	v6 =	vmovc v21;
	s1 =	smov.u32 s24;
	s24 =	sadd.s32 $0x100, s24  }
0x154: {  	v22 =	vmov s5;
	v17 =	vadd.s32 v3, v7;
	v7 =	vmovc v26;
	s28 =	sadd.s32 $0x4, s28;
	v19 =	vld [tilespmem:s24+$0xFFFFFFD0];
	v21 =	vmul.f32 $8.000000000e+00, v28;
	[tilespmem:v29+s25+$0x0] =	vst.idx.msk $0xffff, v23  }
0x155: {  	s5 =	sadd.s32 $0x1, s26;
	v22 =	vand.u32 $0x7F, v22;
	v28 =	vld [tilespmem:s24+$0xFFFFFF10]  }
0x156: {  	s28 =	sadd.s32 $0x2, s26;
	v24 =	vld [tilespmem:s24+$0xFFFFFF50];
	v23 =	vmov s5;
	v26 =	vadd.s32 v0, v22  }
0x157: {  	v27 =	vld [tilespmem:s24+$0xFFFFFF90];
	v51 =	vadd.s32 v0, v9;
	v25 =	vmov s28;
	v23 =	vand.u32 $0x7D, v23  }
0x158: {  	v25 =	vand.u32 $0x7E, v25;
	v29 =	vadd.s32 v0, v23  }
0x159: {  	[tilespmem:v18+s25+$0x0] =	vst.idx.msk $0xffff, v20;
	v30 =	vadd.s32 v0, v25;
	v19 =	vmul.f32 $8.000000000e+00, v19  }
0x15a: {  	[tilespmem:v16+s25+$0x0] =	vst.idx.msk $0xffff, v21;
	v54 =	vmul.f32 $8.000000000e+00, v28  }
0x15b: {  	v52 =	vmul.f32 $8.000000000e+00, v24;
	[tilespmem:v26+s25+$0x0] =	vst.idx.msk $0xffff, v19  }
0x15c: {  	v53 =	vmul.f32 $8.000000000e+00, v27;
	v55 =	vld [tilespmem:s24+$0xFFFFFFE0];
	[tilespmem:v51+s25+$0x0] =	vst.idx.msk $0xffff, v54  }
0x15d: {  	v13 =	vmul.f32 $8.000000000e+00, v13;
	v8 =	vadd.s32 v3, v8;
	[tilespmem:v29+s25+$0x0] =	vst.idx.msk $0xffff, v52;
	v59 =	vld [tilespmem:s24+$0xFFFFFF20]  }
0x15e: {  	v12 =	vmul.f32 $8.000000000e+00, v12;
	v57 =	vadd.s32 v1, v22;
	[tilespmem:v30+s25+$0x0] =	vst.idx.msk $0xffff, v53;
	v56 =	vld [tilespmem:s24+$0xFFFFFF60]  }
0x15f: {  	[tilespmem:v10+s25+$0x0] =	vst.idx.msk $0xffff, v13;
	v58 =	vmul.f32 $8.000000000e+00, v11;
	v28 =	vadd.s32 v1, v9;
	v19 =	vld [tilespmem:s24+$0xFFFFFFA0]  }
0x160: {  	v61 =	vld [tilespmem:s1+$0xFFFFFFF0];
	v60 =	vadd.s32 v1, v23;
	v14 =	vmul.f32 $8.000000000e+00, v14;
	[tilespmem:v15+s25+$0x0] =	vst.idx.msk $0xffff, v12  }
0x161: {  	v32 =	vld [tilespmem:s1+$0xFFFFFF30];
	v62 =	vadd.s32 v1, v25;
	[tilespmem:v17+s25+$0x0] =	vst.idx.msk $0xffff, v58;
	v16 =	vmul.f32 $8.000000000e+00, v55  }
0x162: {  	[tilespmem:v8+s25+$0x0] =	vst.idx.msk $0xffff, v14;
	v29 =	vadd.s32 v2, v5;
	v30 =	vld [tilespmem:s1+$0xFFFFFFB0];
	v11 =	vmul.f32 $8.000000000e+00, v59  }
0x163: {  	v38 =	vadd.s32 v2, v4;
	v63 =	vld [tilespmem:s1+$0xFFFFFF70];
	v31 =	vmul.f32 $8.000000000e+00, v56;
	[tilespmem:v57+s25+$0x0] =	vst.idx.msk $0xffff, v16  }
0x164: {  	v35 =	vadd.s32 v2, v7;
	v34 =	vmul.f32 $8.000000000e+00, v19;
	v36 =	vld [tilespmem:s24+$0xFFFFFFF0];
	[tilespmem:v28+s25+$0x0] =	vst.idx.msk $0xffff, v11  }
0x165: {  	v33 =	vadd.s32 v2, v6;
	v37 =	vmul.f32 $8.000000000e+00, v61;
	[tilespmem:v60+s25+$0x0] =	vst.idx.msk $0xffff, v31;
	v43 =	vld [tilespmem:s24+$0xFFFFFF30]  }
0x166: {  	v40 =	vadd.s32 v2, v22;
	v14 =	vmul.f32 $8.000000000e+00, v32;
	[tilespmem:v62+s25+$0x0] =	vst.idx.msk $0xffff, v34;
	v39 =	vld [tilespmem:s24+$0xFFFFFF70]  }
0x167: {  	v48 =	vadd.s32 v2, v9;
	[tilespmem:v29+s25+$0x0] =	vst.idx.msk $0xffff, v37;
	v42 =	vmul.f32 $8.000000000e+00, v30;
	v41 =	vld [tilespmem:s24+$0xFFFFFFB0]  }
0x168: {  	v44 =	vadd.s32 v2, v23;
	v15 =	vmul.f32 $8.000000000e+00, v63;
	[tilespmem:v38+s25+$0x0] =	vst.idx.msk $0xffff, v14;
	v45 =	vld [tilespmem:s1+$0x0]  }
0x169: {  	v46 =	vadd.s32 v2, v25;
	v14 =	vld [tilespmem:s1+$0xFFFFFF40];
	[tilespmem:v35+s25+$0x0] =	vst.idx.msk $0xffff, v42;
	v47 =	vmul.f32 $8.000000000e+00, v36  }
0x16a: {  	v5 =	vadd.s32 v3, v5;
	[tilespmem:v33+s25+$0x0] =	vst.idx.msk $0xffff, v15;
	v49 =	vld [tilespmem:s1+$0xFFFFFFC0];
	v53 =	vmul.f32 $8.000000000e+00, v43  }
0x16b: {  	v4 =	vadd.s32 v3, v4;
	v21 =	vld [tilespmem:s1+$0xFFFFFF80];
	v12 =	vmul.f32 $8.000000000e+00, v39;
	[tilespmem:v40+s25+$0x0] =	vst.idx.msk $0xffff, v47  }
0x16c: {  	v52 =	vadd.s32 v3, v7;
	v51 =	vmul.f32 $8.000000000e+00, v41;
	v10 =	vld [tilespmem:s24+$0x0];
	[tilespmem:v48+s25+$0x0] =	vst.idx.msk $0xffff, v53  }
0x16d: {  	v50 =	vadd.s32 v3, v6;
	v54 =	vmul.f32 $8.000000000e+00, v45;
	[tilespmem:v44+s25+$0x0] =	vst.idx.msk $0xffff, v12;
	v59 =	vld [tilespmem:s24+$0xFFFFFF40]  }
0x16e: {  	v57 =	vadd.s32 v3, v22;
	v14 =	vmul.f32 $8.000000000e+00, v14;
	[tilespmem:v46+s25+$0x0] =	vst.idx.msk $0xffff, v51;
	v55 =	vld [tilespmem:s24+$0xFFFFFF80]  }
0x16f: {  	v62 =	vadd.s32 v3, v9;
	[tilespmem:v5+s25+$0x0] =	vst.idx.msk $0xffff, v54;
	v5 =	vmul.f32 $8.000000000e+00, v49;
	v58 =	vld [tilespmem:s24+$0xFFFFFFC0]  }
0x170: {  	v56 =	vmul.f32 $8.000000000e+00, v21;
	v60 =	vadd.s32 v3, v23;
	[tilespmem:v4+s25+$0x0] =	vst.idx.msk $0xffff, v14  }
0x171: {  	v61 =	vadd.s32 v3, v25;
	[tilespmem:v52+s25+$0x0] =	vst.idx.msk $0xffff, v5;
	v5 =	vmul.f32 $8.000000000e+00, v10  }
0x172: {  	[tilespmem:v50+s25+$0x0] =	vst.idx.msk $0xffff, v56;
	v63 =	vmul.f32 $8.000000000e+00, v59  }
0x173: {  	v4 =	vmul.f32 $8.000000000e+00, v55;
	[tilespmem:v57+s25+$0x0] =	vst.idx.msk $0xffff, v5  }
0x174: {  	v5 =	vmul.f32 $8.000000000e+00, v58;
	[tilespmem:v62+s25+$0x0] =	vst.idx.msk $0xffff, v63  }
0x175: {  	[tilespmem:v60+s25+$0x0] =	vst.idx.msk $0xffff, v4  }
0x176: {  	s0 =	sadd.s32 @!p1 $0x180, s0;
	s5 =	simm.s32 @!p1 $0x8400;
	s1 =	simm.s32 @!p1 $0x80;
	[tilespmem:v61+s25+$0x0] =	vst.idx.msk $0xffff, v5  }
0x177: {  	[tilespmem:s5], [sflag:$0x2] =	stream.indirect.gather @!p1 [hbm4b:s4+s1], $0x40, s0, s1, $0xb8;
	[tilespmem:$0xE800] =	vst v63  }
0x178: {  	s0 =	sadd.s32 s31, s14  }
0x179: {  	[hbm4b:s0+s3] =	stream.linear.scatter [tilespmem:s25], [sflag:$0x4], $0x80, $0x38;
	[tilespmem:$0xE800] =	vst v63  }
0x17a: {  	s28 =	simm.s32 $0xC688;
	s26 =	sadd.s32 $0x10, s0  }
0x17b: {  	[hbm4b:s26+s3] =	stream.linear.scatter [tilespmem:s28], [sflag:$0x4], $0x80, $0x38;
	[tilespmem:$0xE800] =	vst v63  }
0x17c: {  	s24 =	simm.s32 $0xC710;
	s5 =	sadd.s32 $0x20, s0  }
0x17d: {  	[hbm4b:s5+s3] =	stream.linear.scatter [tilespmem:s24], [sflag:$0x4], $0x80, $0x38;
	[tilespmem:$0xE800] =	vst v63  }
0x17e: {  	s26 =	sadd.s32 $0x30, s0;
	s28 =	simm.s32 $0xC798  }
0x17f: {  	[hbm4b:s26+s3] =	stream.linear.scatter [tilespmem:s28], [sflag:$0x4], $0x80, $0x38;
	[tilespmem:$0xE800] =	vst v63  }
0x180: {  	s5 =	sadd.s32 $0x40, s0;
	s24 =	simm.s32 $0xC820  }
0x181: {  	[hbm4b:s5+s3] =	stream.linear.scatter [tilespmem:s24], [sflag:$0x4], $0x80, $0x38;
	[tilespmem:$0xE800] =	vst v63  }
0x182: {  	s26 =	sadd.s32 $0x50, s0;
	s28 =	simm.s32 $0xC8A8  }
0x183: {  	[hbm4b:s26+s3] =	stream.linear.scatter [tilespmem:s28], [sflag:$0x4], $0x80, $0x38;
	[tilespmem:$0xE800] =	vst v63  }
0x184: {  	s5 =	sadd.s32 $0x60, s0;
	s24 =	simm.s32 $0xC930  }
0x185: {  	[hbm4b:s5+s3] =	stream.linear.scatter [tilespmem:s24], [sflag:$0x4], $0x80, $0x38;
	[tilespmem:$0xE800] =	vst v63  }
0x186: {  	s0 =	sadd.s32 $0x70, s0;
	s26 =	simm.s32 $0xC9B8  }
0x187: {  	[hbm4b:s0+s3] =	stream.linear.scatter [tilespmem:s26], [sflag:$0x4], $0x80, $0x38;
	[tilespmem:$0xE800] =	vst v63  }
0x188: {  	s28 =	simm.s32 $0xCA40;
	s0 =	sadd.s32 s31, s15  }
0x189: {  	[hbm4b:s0+s3] =	stream.linear.scatter [tilespmem:s28], [sflag:$0x4], $0x80, $0x38;
	[tilespmem:$0xE800] =	vst v63  }
0x18a: {  	s24 =	simm.s32 $0xCAC8;
	s5 =	sadd.s32 $0x10, s0  }
0x18b: {  	[hbm4b:s5+s3] =	stream.linear.scatter [tilespmem:s24], [sflag:$0x4], $0x80, $0x38;
	[tilespmem:$0xE800] =	vst v63  }
0x18c: {  	s26 =	sadd.s32 $0x20, s0;
	s28 =	simm.s32 $0xCB50  }
0x18d: {  	[hbm4b:s26+s3] =	stream.linear.scatter [tilespmem:s28], [sflag:$0x4], $0x80, $0x38;
	[tilespmem:$0xE800] =	vst v63  }
0x18e: {  	s5 =	sadd.s32 $0x30, s0;
	s24 =	simm.s32 $0xCBD8  }
0x18f: {  	[hbm4b:s5+s3] =	stream.linear.scatter [tilespmem:s24], [sflag:$0x4], $0x80, $0x38;
	[tilespmem:$0xE800] =	vst v63  }
0x190: {  	s26 =	sadd.s32 $0x40, s0;
	s28 =	simm.s32 $0xCC60  }
0x191: {  	[hbm4b:s26+s3] =	stream.linear.scatter [tilespmem:s28], [sflag:$0x4], $0x80, $0x38;
	[tilespmem:$0xE800] =	vst v63  }
0x192: {  	s5 =	sadd.s32 $0x50, s0;
	s24 =	simm.s32 $0xCCE8  }
0x193: {  	[hbm4b:s5+s3] =	stream.linear.scatter [tilespmem:s24], [sflag:$0x4], $0x80, $0x38;
	[tilespmem:$0xE800] =	vst v63  }
0x194: {  	s26 =	sadd.s32 $0x60, s0;
	s28 =	simm.s32 $0xCD70  }
0x195: {  	[hbm4b:s26+s3] =	stream.linear.scatter [tilespmem:s28], [sflag:$0x4], $0x80, $0x38;
	[tilespmem:$0xE800] =	vst v63  }
0x196: {  	s0 =	sadd.s32 $0x70, s0;
	s5 =	simm.s32 $0xCDF8  }
0x197: {  	[hbm4b:s0+s3] =	stream.linear.scatter [tilespmem:s5], [sflag:$0x4], $0x80, $0x38;
	[tilespmem:$0xE800] =	vst v63  }
0x198: {  	s24 =	simm.s32 $0xCE80;
	s0 =	sadd.s32 s31, s16  }
0x199: {  	[hbm4b:s0+s3] =	stream.linear.scatter [tilespmem:s24], [sflag:$0x4], $0x80, $0x38;
	[tilespmem:$0xE800] =	vst v63  }
0x19a: {  	s28 =	simm.s32 $0xCF08;
	s26 =	sadd.s32 $0x10, s0  }
0x19b: {  	[hbm4b:s26+s3] =	stream.linear.scatter [tilespmem:s28], [sflag:$0x4], $0x80, $0x38;
	[tilespmem:$0xE800] =	vst v63  }
0x19c: {  	s5 =	sadd.s32 $0x20, s0;
	s24 =	simm.s32 $0xCF90  }
0x19d: {  	[hbm4b:s5+s3] =	stream.linear.scatter [tilespmem:s24], [sflag:$0x4], $0x80, $0x38;
	[tilespmem:$0xE800] =	vst v63  }
0x19e: {  	s26 =	sadd.s32 $0x30, s0;
	s28 =	simm.s32 $0xD018  }
0x19f: {  	[hbm4b:s26+s3] =	stream.linear.scatter [tilespmem:s28], [sflag:$0x4], $0x80, $0x38;
	[tilespmem:$0xE800] =	vst v63  }
0x1a0: {  	s5 =	sadd.s32 $0x40, s0;
	s24 =	simm.s32 $0xD0A0  }
0x1a1: {  	[hbm4b:s5+s3] =	stream.linear.scatter [tilespmem:s24], [sflag:$0x4], $0x80, $0x38;
	[tilespmem:$0xE800] =	vst v63  }
0x1a2: {  	s26 =	sadd.s32 $0x50, s0;
	s28 =	simm.s32 $0xD128  }
0x1a3: {  	[hbm4b:s26+s3] =	stream.linear.scatter [tilespmem:s28], [sflag:$0x4], $0x80, $0x38;
	[tilespmem:$0xE800] =	vst v63  }
0x1a4: {  	s5 =	sadd.s32 $0x60, s0;
	s24 =	simm.s32 $0xD1B0  }
0x1a5: {  	[hbm4b:s5+s3] =	stream.linear.scatter [tilespmem:s24], [sflag:$0x4], $0x80, $0x38;
	[tilespmem:$0xE800] =	vst v63  }
0x1a6: {  	s0 =	sadd.s32 $0x70, s0;
	s26 =	simm.s32 $0xD238  }
0x1a7: {  	[hbm4b:s0+s3] =	stream.linear.scatter [tilespmem:s26], [sflag:$0x4], $0x80, $0x38;
	[tilespmem:$0xE800] =	vst v63  }
0x1a8: {  	s28 =	simm.s32 $0xD2C0;
	s0 =	sadd.s32 s31, s17  }
0x1a9: {  	[hbm4b:s0+s3] =	stream.linear.scatter [tilespmem:s28], [sflag:$0x4], $0x80, $0x38;
	[tilespmem:$0xE800] =	vst v63  }
0x1aa: {  	s24 =	simm.s32 $0xD348;
	s5 =	sadd.s32 $0x10, s0  }
0x1ab: {  	[hbm4b:s5+s3] =	stream.linear.scatter [tilespmem:s24], [sflag:$0x4], $0x80, $0x38;
	[tilespmem:$0xE800] =	vst v63  }
0x1ac: {  	s26 =	sadd.s32 $0x20, s0;
	s28 =	simm.s32 $0xD3D0  }
0x1ad: {  	[hbm4b:s26+s3] =	stream.linear.scatter [tilespmem:s28], [sflag:$0x4], $0x80, $0x38;
	[tilespmem:$0xE800] =	vst v63  }
0x1ae: {  	s5 =	sadd.s32 $0x30, s0;
	s24 =	simm.s32 $0xD458  }
0x1af: {  	[hbm4b:s5+s3] =	stream.linear.scatter [tilespmem:s24], [sflag:$0x4], $0x80, $0x38;
	[tilespmem:$0xE800] =	vst v63  }
0x1b0: {  	s26 =	sadd.s32 $0x40, s0;
	s28 =	simm.s32 $0xD4E0  }
0x1b1: {  	[hbm4b:s26+s3] =	stream.linear.scatter [tilespmem:s28], [sflag:$0x4], $0x80, $0x38;
	[tilespmem:$0xE800] =	vst v63  }
0x1b2: {  	s5 =	sadd.s32 $0x50, s0;
	s24 =	simm.s32 $0xD568  }
0x1b3: {  	[hbm4b:s5+s3] =	stream.linear.scatter [tilespmem:s24], [sflag:$0x4], $0x80, $0x38;
	[tilespmem:$0xE800] =	vst v63  }
0x1b4: {  	s26 =	sadd.s32 $0x60, s0;
	s28 =	simm.s32 $0xD5F0  }
0x1b5: {  	[hbm4b:s26+s3] =	stream.linear.scatter [tilespmem:s28], [sflag:$0x4], $0x80, $0x38;
	[tilespmem:$0xE800] =	vst v63  }
0x1b6: {  	s0 =	sadd.s32 $0x70, s0;
	s5 =	simm.s32 $0xD678  }
0x1b7: {  	[hbm4b:s0+s3] =	stream.linear.scatter [tilespmem:s5], [sflag:$0x4], $0x80, $0x38;
	[tilespmem:$0xE800] =	vst v63  }
0x1b8: {  	s24 =	simm.s32 $0xD700;
	s0 =	sadd.s32 s31, s18  }
0x1b9: {  	[hbm4b:s0+s3] =	stream.linear.scatter [tilespmem:s24], [sflag:$0x4], $0x80, $0x38;
	[tilespmem:$0xE800] =	vst v63  }
0x1ba: {  	s28 =	simm.s32 $0xD788;
	s26 =	sadd.s32 $0x10, s0  }
0x1bb: {  	[hbm4b:s26+s3] =	stream.linear.scatter [tilespmem:s28], [sflag:$0x4], $0x80, $0x38;
	[tilespmem:$0xE800] =	vst v63  }
0x1bc: {  	s5 =	sadd.s32 $0x20, s0;
	s24 =	simm.s32 $0xD810  }
0x1bd: {  	[hbm4b:s5+s3] =	stream.linear.scatter [tilespmem:s24], [sflag:$0x4], $0x80, $0x38;
	[tilespmem:$0xE800] =	vst v63  }
0x1be: {  	s26 =	sadd.s32 $0x30, s0;
	s28 =	simm.s32 $0xD898  }
0x1bf: {  	[hbm4b:s26+s3] =	stream.linear.scatter [tilespmem:s28], [sflag:$0x4], $0x80, $0x38;
	[tilespmem:$0xE800] =	vst v63  }
0x1c0: {  	s5 =	sadd.s32 $0x40, s0;
	s24 =	simm.s32 $0xD920  }
0x1c1: {  	[hbm4b:s5+s3] =	stream.linear.scatter [tilespmem:s24], [sflag:$0x4], $0x80, $0x38;
	[tilespmem:$0xE800] =	vst v63  }
0x1c2: {  	s26 =	sadd.s32 $0x50, s0;
	s28 =	simm.s32 $0xD9A8  }
0x1c3: {  	[hbm4b:s26+s3] =	stream.linear.scatter [tilespmem:s28], [sflag:$0x4], $0x80, $0x38;
	[tilespmem:$0xE800] =	vst v63  }
0x1c4: {  	s5 =	sadd.s32 $0x60, s0;
	s24 =	simm.s32 $0xDA30  }
0x1c5: {  	[hbm4b:s5+s3] =	stream.linear.scatter [tilespmem:s24], [sflag:$0x4], $0x80, $0x38;
	[tilespmem:$0xE800] =	vst v63  }
0x1c6: {  	s0 =	sadd.s32 $0x70, s0;
	s26 =	simm.s32 $0xDAB8  }
0x1c7: {  	[hbm4b:s0+s3] =	stream.linear.scatter [tilespmem:s26], [sflag:$0x4], $0x80, $0x38;
	[tilespmem:$0xE800] =	vst v63  }
0x1c8: {  	s28 =	simm.s32 $0xDB40;
	s0 =	sadd.s32 s31, s19  }
0x1c9: {  	[hbm4b:s0+s3] =	stream.linear.scatter [tilespmem:s28], [sflag:$0x4], $0x80, $0x38;
	[tilespmem:$0xE800] =	vst v63  }
0x1ca: {  	s24 =	simm.s32 $0xDBC8;
	s5 =	sadd.s32 $0x10, s0  }
0x1cb: {  	[hbm4b:s5+s3] =	stream.linear.scatter [tilespmem:s24], [sflag:$0x4], $0x80, $0x38;
	[tilespmem:$0xE800] =	vst v63  }
0x1cc: {  	s26 =	sadd.s32 $0x20, s0;
	s28 =	simm.s32 $0xDC50  }
0x1cd: {  	[hbm4b:s26+s3] =	stream.linear.scatter [tilespmem:s28], [sflag:$0x4], $0x80, $0x38;
	[tilespmem:$0xE800] =	vst v63  }
0x1ce: {  	s5 =	sadd.s32 $0x30, s0;
	s24 =	simm.s32 $0xDCD8  }
0x1cf: {  	[hbm4b:s5+s3] =	stream.linear.scatter [tilespmem:s24], [sflag:$0x4], $0x80, $0x38;
	[tilespmem:$0xE800] =	vst v63  }
0x1d0: {  	s26 =	sadd.s32 $0x40, s0;
	s28 =	simm.s32 $0xDD60  }
0x1d1: {  	[hbm4b:s26+s3] =	stream.linear.scatter [tilespmem:s28], [sflag:$0x4], $0x80, $0x38;
	[tilespmem:$0xE800] =	vst v63  }
0x1d2: {  	s5 =	sadd.s32 $0x50, s0;
	s24 =	simm.s32 $0xDDE8  }
0x1d3: {  	[hbm4b:s5+s3] =	stream.linear.scatter [tilespmem:s24], [sflag:$0x4], $0x80, $0x38;
	[tilespmem:$0xE800] =	vst v63  }
0x1d4: {  	s26 =	sadd.s32 $0x60, s0;
	s28 =	simm.s32 $0xDE70  }
0x1d5: {  	[hbm4b:s26+s3] =	stream.linear.scatter [tilespmem:s28], [sflag:$0x4], $0x80, $0x38;
	[tilespmem:$0xE800] =	vst v63  }
0x1d6: {  	s0 =	sadd.s32 $0x70, s0;
	s5 =	simm.s32 $0xDEF8  }
0x1d7: {  	[hbm4b:s0+s3] =	stream.linear.scatter [tilespmem:s5], [sflag:$0x4], $0x80, $0x38;
	[tilespmem:$0xE800] =	vst v63  }
0x1d8: {  	s24 =	simm.s32 $0xDF80;
	s0 =	sadd.s32 s31, s20  }
0x1d9: {  	[hbm4b:s0+s3] =	stream.linear.scatter [tilespmem:s24], [sflag:$0x4], $0x80, $0x38;
	[tilespmem:$0xE800] =	vst v63  }
0x1da: {  	s28 =	simm.s32 $0xE008;
	s26 =	sadd.s32 $0x10, s0  }
0x1db: {  	[hbm4b:s26+s3] =	stream.linear.scatter [tilespmem:s28], [sflag:$0x4], $0x80, $0x38;
	[tilespmem:$0xE800] =	vst v63  }
0x1dc: {  	s5 =	sadd.s32 $0x20, s0;
	s24 =	simm.s32 $0xE090  }
0x1dd: {  	[hbm4b:s5+s3] =	stream.linear.scatter [tilespmem:s24], [sflag:$0x4], $0x80, $0x38;
	[tilespmem:$0xE800] =	vst v63  }
0x1de: {  	s26 =	sadd.s32 $0x30, s0;
	s28 =	simm.s32 $0xE118  }
0x1df: {  	[hbm4b:s26+s3] =	stream.linear.scatter [tilespmem:s28], [sflag:$0x4], $0x80, $0x38;
	[tilespmem:$0xE800] =	vst v63  }
0x1e0: {  	s5 =	sadd.s32 $0x40, s0;
	s24 =	simm.s32 $0xE1A0  }
0x1e1: {  	[hbm4b:s5+s3] =	stream.linear.scatter [tilespmem:s24], [sflag:$0x4], $0x80, $0x38;
	[tilespmem:$0xE800] =	vst v63  }
0x1e2: {  	s26 =	sadd.s32 $0x50, s0;
	s28 =	simm.s32 $0xE228  }
0x1e3: {  	[hbm4b:s26+s3] =	stream.linear.scatter [tilespmem:s28], [sflag:$0x4], $0x80, $0x38;
	[tilespmem:$0xE800] =	vst v63  }
0x1e4: {  	s24 =	sadd.s32 $0x60, s0;
	s26 =	simm.s32 $0xE2B0  }
0x1e5: {  	[hbm4b:s24+s3] =	stream.linear.scatter [tilespmem:s26], [sflag:$0x4], $0x80, $0x38;
	[tilespmem:$0xE800] =	vst v63  }
0x1e6: {  	s0 =	sadd.s32 $0x70, s0;
	s28 =	simm.s32 $0xE338  }
0x1e7: {  	[hbm4b:s0+s3] =	stream.linear.scatter [tilespmem:s28], [sflag:$0x4], $0x80, $0x38;
	[tilespmem:$0xE800] =	vst v63  }
0x1e8: {  	s5 =	simm.s32 $0xE3C0;
	s0 =	sadd.s32 s31, s21  }
0x1e9: {  	[hbm4b:s0+s3] =	stream.linear.scatter [tilespmem:s5], [sflag:$0x4], $0x80, $0x38;
	[tilespmem:$0xE800] =	vst v63  }
0x1ea: {  	s26 =	simm.s32 $0xE448;
	s24 =	sadd.s32 $0x10, s0  }
0x1eb: {  	[hbm4b:s24+s3] =	stream.linear.scatter [tilespmem:s26], [sflag:$0x4], $0x80, $0x38;
	[tilespmem:$0xE800] =	vst v63  }
0x1ec: {  	s31 =	simm.s32 $0xE4D0;
	s28 =	sadd.s32 $0x20, s0  }
0x1ed: {  	[hbm4b:s28+s3] =	stream.linear.scatter [tilespmem:s31], [sflag:$0x4], $0x80, $0x38;
	[tilespmem:$0xE800] =	vst v63  }
0x1ee: {  	s24 =	sadd.s32 $0x30, s0;
	s26 =	simm.s32 $0xE558  }
0x1ef: {  	[hbm4b:s24+s3] =	stream.linear.scatter [tilespmem:s26], [sflag:$0x4], $0x80, $0x38;
	[tilespmem:$0xE800] =	vst v63  }
0x1f0: {  	s2 =	sadd.s32 $0x1, s2;
	s28 =	sadd.s32 $0x40, s0;
	s31 =	simm.s32 $0xE5E0  }
0x1f1: {  	[hbm4b:s28+s3] =	stream.linear.scatter [tilespmem:s31], [sflag:$0x4], $0x80, $0x38;
	[tilespmem:$0xE800] =	vst v63  }
0x1f2: {  	p0 =	sne.s32 s2, $0x64;
	s24 =	sadd.s32 $0x50, s0;
	s26 =	simm.s32 $0xE668  }
0x1f3: {  	[hbm4b:s24+s3] =	stream.linear.scatter [tilespmem:s26], [sflag:$0x4], $0x80, $0x38;
	[tilespmem:$0xE800] =	vst v63  }
.Ltmp2:
0x1f4: {  	_ = 	snop;
	(pc) =	sbr.rel @p0 .LBB2_2-.Ltmp2, $4  }
0x1f5: {  	s28 =	sadd.s32 $0x60, s0;
	s31 =	simm.s32 $0xE6F0  }
0x1f6: {  	[hbm4b:s28+s3] =	stream.linear.scatter [tilespmem:s31], [sflag:$0x4], $0x80, $0x38;
	[tilespmem:$0xE800] =	vst v63  }
0x1f7: {  	s0 =	sadd.s32 $0x70, s0  }
0x1f8: {  	[hbm4b:s0+s3] =	stream.linear.scatter [tilespmem:s22], [sflag:$0x4], $0x80, $0x38;
	[tilespmem:$0xE800] =	vst v63  }
0x1f9: {  	s0 =	simm.s32 $0x3  }
0x1fa: {  	_ =	swait.ge [sflag:s0], $0x400  }
0x1fb: {  	[sflag:s0] =	ssyncset.done $0x0  }
0x1fc: {  	[sflag:s0] =	ssyncadd.s32 $0xFFFFFC00  }
0x1fd: {  	_ =	swait.ge [sflag:s0], $0x400  }
0x1fe: {  	[sflag:s0] =	ssyncset.done $0x0  }
0x1ff: {  	[sflag:s0] =	ssyncadd.s32 $0xFFFFFC00  }
0x200: {  	_ =	swait.ge [sflag:s0], $0x400  }
0x201: {  	[sflag:s0] =	ssyncset.done $0x0  }
0x202: {  	[sflag:s0] =	ssyncadd.s32 $0xFFFFFC00  }
0x203: {  	_ =	swait.ge [sflag:s0], $0x400  }
0x204: {  	[sflag:s0] =	ssyncset.done $0x0  }
0x205: {  	[sflag:s0] =	ssyncadd.s32 $0xFFFFFC00  }
0x206: {  	_ =	swait.ge [sflag:s0], $0x400  }
0x207: {  	[sflag:s0] =	ssyncset.done $0x0  }
0x208: {  	[sflag:s0] =	ssyncadd.s32 $0xFFFFFC00  }
0x209: {  	_ =	swait.ge [sflag:s0], $0x400  }
0x20a: {  	[sflag:s0] =	ssyncset.done $0x0  }
0x20b: {  	[sflag:s0] =	ssyncadd.s32 $0xFFFFFC00  }
0x20c: {  	_ =	swait.ge [sflag:s0], $0x400  }
0x20d: {  	[sflag:s0] =	ssyncset.done $0x0  }
0x20e: {  	[sflag:s0] =	ssyncadd.s32 $0xFFFFFC00  }
0x20f: {  	_ =	swait.ge [sflag:s0], $0x400  }
0x210: {  	[sflag:s0] =	ssyncset.done $0x0  }
0x211: {  	s1 =	simm.s32 $0x4;
	[sflag:s0] =	ssyncadd.s32 $0xFFFFFC00  }
0x212: {  	_ =	swait.ge [sflag:s1], $0x400  }
0x213: {  	[sflag:s1] =	ssyncset.done $0x0  }
0x214: {  	[sflag:s1] =	ssyncadd.s32 $0xFFFFFC00  }
0x215: {  	_ =	swait.ge [sflag:s1], $0x400  }
0x216: {  	[sflag:s1] =	ssyncset.done $0x0  }
0x217: {  	[sflag:s1] =	ssyncadd.s32 $0xFFFFFC00  }
0x218: {  	_ =	swait.ge [sflag:s1], $0x400  }
0x219: {  	[sflag:s1] =	ssyncset.done $0x0  }
0x21a: {  	[sflag:s1] =	ssyncadd.s32 $0xFFFFFC00  }
0x21b: {  	_ =	swait.ge [sflag:s1], $0x400  }
0x21c: {  	[sflag:s1] =	ssyncset.done $0x0  }
0x21d: {  	[sflag:s1] =	ssyncadd.s32 $0xFFFFFC00  }
0x21e: {  	_ =	swait.ge [sflag:s1], $0x400  }
0x21f: {  	[sflag:s1] =	ssyncset.done $0x0  }
0x220: {  	[sflag:s1] =	ssyncadd.s32 $0xFFFFFC00  }
0x221: {  	_ =	swait.ge [sflag:s1], $0x400  }
0x222: {  	[sflag:s1] =	ssyncset.done $0x0  }
0x223: {  	[sflag:s1] =	ssyncadd.s32 $0xFFFFFC00  }
0x224: {  	_ =	swait.ge [sflag:s1], $0x400  }
0x225: {  	[sflag:s1] =	ssyncset.done $0x0  }
0x226: {  	[sflag:s1] =	ssyncadd.s32 $0xFFFFFC00  }
0x227: {  	_ =	swait.ge [sflag:s1], $0x400  }
0x228: {  	s2 =	rddreg [dreg:$0x5]  }
0x229: {  	s31 =	rddreg [dreg:$0x4];
	s2 =	sadd.s32 $0x1, s2  }
0x22a: {  	p0 =	sne.s32 s2, s31  }
.Ltmp3:
0x22b: {  	_ = 	snop;
	(pc) =	sbr.rel @p0 .LBB2_1-.Ltmp3, $3  }
0x22c: {  	_ =	sdelay $0x1  }
0x22d: {  	[sflag:s1] =	ssyncset.done $0x0  }
0x22e: {  	[sflag:s1] =	ssyncadd.s32 $0xFFFFFC00  }
0x22f: {  	_ =	sfence.sel $0x180000  }
0x230: {  	[bflag:$0x0] =	sbarrier.arrive $0xFFFF  }
0x231: {  	_ =	strace $0x9000004A  }
0x232: {  	s0 =	stileid.u32;
	[bflag:$0x2] =	sbarrier.arrive $0xFFFF  }
0x233: {  	p0 =	sne.s32 s0, $0x0;
	s0 =	rddreg [dreg:$0x2]  }
0x234: {  	s0 =	sadd.s32 @!p0 $0x100000, s0  }
0x235: {  	[sflag:s0] =	ssyncadd.tile.s32 @!p0 $0x1;
	_ =	shalt  }
.Lfunc_end2:
_tile_overlayer_lowered:
.L_overlay_start_2:
0x236: {  	(tag) =	ssettag $0x2  }
0x237: {  	s0 =	rddreg [dreg:$0x0];
	s2 =	stileid.u32  }
0x238: {  	s1 =	rddreg [dreg:$0x1];
	p0 =	sne.s32 s2, $0x0  }
0x239: {  	s3 =	rddreg [dreg:$0x2];
	[bflag:$0x3] =	sbarrier.arrive $0xFFFF;
	s2 =	simm.s32 @!p0 $0x1C05  }
0x23a: {  	[timem:s3], [sflag:s2] =	dma.local @!p0 [hbm:s0], s1  }
0x23b: {  	s0 =	simm.s32 @!p0 $0x5  }
0x23c: {  	_ =	swait.ge @!p0 [sflag:s0], s1  }
0x23d: {  	s1 =	ssub.s32 @!p0 $0x0, s1;
	[sflag:s0] =	ssyncset.done @!p0 $0x0  }
0x23e: {  	[sflag:s0] =	ssyncadd.s32 @!p0 s1  }
0x23f: {  	[bflag:$0x3] =	sbarrier.arrive $0xFFFF  }
0x240: {  	_ =	shalt  }

// kernel: sparse-core-data-format-call.cloned.1.call-start
scs
called_computation_lowered:
.L_overlay_start_0:
0x0: {  	s2 =	sld [smem:$0x3FD9]  }
0x1: {  	s3 =	sld [smem:$0x3FFE];
	_ =	sdelay $0x1  }
0x2: {  	s1 =	srdreg.scid  }
0x3: {  	s0 =	sand.u32 $0x1, s1  }
0x4: {  	s18 =	sshll.u32 s0, $0xA;
	s2 =	sadd.s32 s3, s2  }
0x5: {  	s2 =	sadd.s32 s2, s18  }
0x6: {  	[smem:$0x3FC6] =	sst s2  }
0x7: {  	_ = 	snop  }
0x8: {  	s2 =	sld [smem:$0x3FC8];
	(tm) =	ssettm $0x1  }
0x9: {  	s19 =	sld [smem:$0x3FFB];
	_ =	sdelay $0x3  }
0xa: {  	_ =	strace s19  }
0xb: {  	s3 =	sld [smem:$0x3FFC];
	_ =	sdelay $0x3  }
0xc: {  	_ =	strace s3  }
0xd: {  	s3 =	sld [smem:$0x3FFD];
	_ =	sdelay $0x3  }
0xe: {  	_ =	strace s3  }
0xf: {  	_ =	strace $0x8FFFFFFF  }
0x10: {  	s20 =	sld [smem:$0x3FDB];
	_ =	sdelay $0x1  }
0x11: {  	s4 =	simm.s32 $_scs_section_size  }
0x12: {  	s5 =	simm.s32 $_size__tile_overlayer_lowered;
	s6 =	simm.s32 $_tile_overlayer_lowered  }
0x13: {  	s23 =	simm.s32 $0x1BFF;
	s22 =	sshll.u32 s6, $0x1;
	s3 =	sadd.s32 s4, s20  }
0x14: {  	s7 =	simm.s32 $0x0;
	s21 =	sshll.u32 s5, $0x1;
	s5 =	sadd.s32 s22, s3  }
0x15: {  	[timem:s7], [sflag:s23] =	dma.local [hbm:s5], s21  }
0x16: {  	_ =	swait.ge [sflag:s23], s21  }
0x17: {  	s4 =	ssub.s32 $0x0, s21;
	[sflag:s23] =	ssyncset.done $0x0  }
0x18: {  	[sflag:s23] =	ssyncadd.s32 s4;
	_ =	sdelay $0x1  }
0x19: {  	s24 =	simm.s32 $0x1B8B  }
0x1a: {  	_ =	swait.ge [sflag:s24], $0x1  }
0x1b: {  	[sflag:s24] =	ssyncset.done $0x0  }
0x1c: {  	s26 =	simm.s32 $0x1B8E;
	s25 =	sld [smem:$0x3FFE];
	[sflag:s24] =	ssyncadd.s32 $0xFFFFFFFF  }
0x1d: {  	s27 =	simm.s32 $execute0_lowered;
	[smem:$0x3FD2] =	sst s26  }
0x1e: {  	s5 =	sshll.u32 s27, $0x1;
	_ =	strace $0x80000046;
	[dreg:$0x1] =	wrdreg $0xFFFFFFFF  }
0x1f: {  	s28 =	simm.s32 $_size_execute0_lowered;
	s3 =	sadd.s32 s3, s5;
	[dreg:$0x0] =	wrdreg $0x0  }
0x20: {  	s5 =	sshll.u32 s28, $0x1;
	[dreg:$0x2] =	wrdreg s3  }
0x21: {  	[dreg:$0x3] =	wrdreg s5  }
0x22: {  	[dreg:$0x4] =	wrdreg $0xC0  }
0x23: {  	_ =	task [dreg:s7], $0x5FFFF  }
0x24: {  	[dreg:$0x1] =	wrdreg $0xFFFFFFFF  }
0x25: {  	[dreg:$0x0] =	wrdreg $0x60  }
0x26: {  	[dreg:$0x2] =	wrdreg s2  }
0x27: {  	[dreg:$0x3] =	wrdreg s25  }
0x28: {  	[dreg:$0x4] =	wrdreg $0x9  }
0x29: {  	_ =	task.clear_ibuf [dreg:s7], $0x5FFFF;
	_ =	strace $0x90000046  }
0x2a: {  	s29 =	simm.s32 $0x9;
	_ =	strace $0x80000048  }
0x2b: {  	_ =	swait.ge [sflag:s29], $0x1  }
0x2c: {  	[sflag:s29] =	ssyncadd.s32 $0xFFFFFFFF  }
0x2d: {  	_ =	strace $0x90000048  }
0x2e: {  	_ =	sfence  }
0x2f: {  	s30 =	sld [smem:$0x0];
	_ =	sdelay $0x2  }
0x30: {  	s31 =	sshll.u32 s1, $0xD;
	s1 =	sshrl.u32 s1, $0x2  }
0x31: {  	s3 =	sand.u32 $0x4000, s31;
	s1 =	sadd.s32 s1, s30  }
0x32: {  	s0 =	sor.u32 s3, s0;
	s1 =	sshll.u32 s1, $0x11  }
0x33: {  	s0 =	sor.u32 s1, s0  }
0x34: {  	s0 =	sadd.s32 $0x8F2B, s0  }
0x35: {  	[sflag:s0] =	ssyncadd.remote.s32 $0x1  }
0x36: {  	_ =	sfence.sel $0xFFFF  }
0x37: {  	[dreg:$0x0] =	wrdreg $0xFFFFFFFF;
	(pc) =	sbr.abs _section_cstart, $3  }
0x38: {  	[dreg:$0x1] =	wrdreg $0xFFFFFFFF  }
0x39: {  	_ =	task.clear_ibuf [dreg:s7], $0x2FFFF;
	_ =	strace $0x9FFFFFFF  }
0x3a: {  	(tm) =	ssettm $0x7FFFFFFF  }
0x3b: {  	_ =	shalt  }
tec
execute0_lowered:
.L_overlay_start_1:
0x0: {  	(tag) =	ssettag $0x1  }
0x1: {  	s0 =	srdreg.scid;
	s2 =	rddreg [dreg:$0x0]  }
0x2: {  	s5 =	rddreg [dreg:$0x1];
	s1 =	stileid.u32  }
0x3: {  	s4 =	simm.s32 $0x1;
	s6 =	simm.s32 $0x2;
	s15 =	simm.s32 $0x0  }
0x4: {  	p0 =	por $0x0, $0x0;
	s8 =	simm.s32 $0x80;
	s0 =	sshll.u32 s0, $0x4  }
0x5: {  	s14 =	simm.s32 $0x0;
	s9 =	simm.s32 $0x0;
	s3 =	sand.u32 $0x10, s0  }
.Ltmp0:
0x6: {  	s10 =	simm.s32 $0x0;
	s3 =	sor.u32 s1, s3;
	(pc) =	sbr.rel .LBB1_1-.Ltmp0, $4  }
0x7: {  	s0 =	rddreg [dreg:$0x2];
	_ =	strace $0x80000047;
	s3 =	sshll.u32 s3, $0x7  }
0x8: {  	s12 =	simm.s32 $0x0;
	[sflag:s4] =	ssyncpa.u1 $0x0;
	s7 =	ssub.s32 $0xF4200, s3  }
0x9: {  	s13 =	simm.s32 $0x0;
	[sflag:s6] =	ssyncpa.u1 $0x0;
	s6 =	sshrl.u32 s7, $0xC  }
0xa: {  	s5 =	sadd.s32 $0xA00, s5;
	s11 =	smov.u32 s3;
	s7 =	sadd.s32 $0x2, s6  }
.LBB1_5:
0xb: {  	p1 =	slt.u32 s13, $0x2  }
0xc: {  	s17 =	smov.u32 s15;
	p2 =	sgt.s32 @!p1 s15, $0xF41C0;
	s16 =	sshra.s32 @!p1 s15, $0x1F  }
0xd: {  	p3 =	sgt.s32 @!p1 s14, $0x40;
	s18 =	sshra.s32 @!p1 s14, $0x1F;
	p2 =	por !p2, p1  }
0xe: {  	s15 =	sand.u32 @!p1 s16, s15;
	p3 =	por !p3, p1;
	s16 =	smov.u32 s14  }
0xf: {  	s14 =	sand.u32 @!p1 s18, s14;
	s17 =	simm.s32 @p2 $0xF41C0;
	s16 =	simm.s32 @p3 $0x40  }
0x10: {  	s15 =	ssub.s32 @!p1 s17, s15;
	s14 =	ssub.s32 @!p1 s16, s14  }
0x11: {  	s18 =	smov.u32 s12;
	s16 =	sadd.s32 @!p1 $0xFFF0BE40, s15;
	s17 =	sadd.s32 @!p1 $0xFFFFFFC0, s14  }
0x12: {  	s15 =	ssub.s32 @!p1 $0xF4240, s15;
	p2 =	sgt.s32 @!p1 s16, $0x7F;
	p3 =	sgt.s32 @!p1 s17, $0x3F  }
0x13: {  	s14 =	ssub.s32 @!p1 $0x80, s14;
	p2 =	por !p2, p1;
	p3 =	por !p3, p1  }
0x14: {  	s16 =	sadd.s32 $0x1000, s11;
	s15 =	simm.s32 @!p2 $0x0;
	s14 =	simm.s32 @!p3 $0x0  }
0x15: {  	p2 =	sgt.s32 s16, $0xF423F;
	s14 =	smul.u32 @!p1 s14, s15;
	s15 =	sadd.s32 $0x40, s12  }
0x16: {  	s18 =	smov.u32 @p2 s15  }
0x17: {  	s16 =	smov.u32 @p2 s3;
	p2 =	sgt.s32 s18, $0x3F  }
0x18: {  	s18 =	simm.s32 @p2 $0x0;
	p2 =	sne.s32 s13, s7  }
.Ltmp1:
0x19: {  	p0 =	por !p0, !p0;
	s17 =	simm.s32 @!p1 $0x2;
	(pc) =	sbr.rel @!p2 .LBB1_6-.Ltmp1, $4  }
0x1a: {  	s15 =	smov.u32 s9;
	s9 =	smov.u32 s11;
	s14 =	sand.u32 @!p1 $0x3FFFFFFF, s14  }
0x1b: {  	s11 =	smov.u32 s16;
	_ =	swait.ge @!p1 [sflag:s17], s14;
	s19 =	ssub.s32 @!p1 $0x0, s14  }
0x1c: {  	s14 =	smov.u32 s10;
	s13 =	sadd.s32 $0x1, s13;
	[sflag:s17] =	ssyncset.done @!p1 $0x0  }
0x1d: {  	s10 =	smov.u32 s12;
	s12 =	smov.u32 s18;
	[sflag:s17] =	ssyncadd.s32 @!p1 s19  }
.LBB1_1:
0x1e: {  	p1 =	sgt.u32 s13, s6  }
0x1f: {  	s16 =	sshrl.u32 @!p1 s12, $0x3  }
0x20: {  	s17 =	sshll.u32 @!p1 s11, $0x3;
	s16 =	smul.u32 @!p1 $0x7A1400, s16  }
0x21: {  	s18 =	sshll.u32 @!p1 s12, $0x7;
	s17 =	sand.u32 @!p1 $0xFFFFFC00, s17  }
0x22: {  	s16 =	sadd.s32 @!p1 s16, s17;
	s17 =	sand.u32 @!p1 $0x380, s18  }
0x23: {  	s18 =	sand.u32 @!p1 $0x7F, s11;
	s16 =	sor.u32 @!p1 s17, s16  }
0x24: {  	s17 =	sor.u32 @!p1 s18, s16  }
0x25: {  	s18 =	smulhi.u32 @!p1 $0x218D6287, s17;
	_ =	sdelay $0x1  }
0x26: {  	s16 =	smulhi.u32 @!p1 $0x218D6287, s16;
	s18 =	sshrl.u32 @!p1 s18, $0x11  }
0x27: {  	s18 =	smul.u32 @!p1 $0xF4280, s18  }
0x28: {  	s19 =	sxor.u32 @!p1 $0xFFFFFFFF, s13;
	s16 =	sshrl.u32 @!p1 s16, $0x11  }
0x29: {  	s19 =	sshll.u32 @!p1 s19, $0xD;
	s16 =	sand.u32 @!p1 $0x3F, s16;
	s17 =	ssub.s32 @!p1 s17, s18  }
0x2a: {  	s16 =	smul.u32 @!p1 $0x1E850, s16;
	s18 =	sshrl.u32 @!p1 s17, $0x3;
	s17 =	sand.u32 @!p1 $0x7, s17  }
0x2b: {  	s19 =	sand.u32 @!p1 $0x2000, s19;
	s18 =	sadd.s32 @!p1 s2, s18;
	s17 =	sshll.u32 @!p1 s17, $0x12  }
0x2c: {  	s16 =	sadd.s32 @!p1 s16, s18;
	s17 =	sor.u32 @!p1 $0x400, s17;
	s18 =	simm.s32 @!p1 $0x7A1400  }
0x2d: {  	[tilespmem:s19], [sflag:$0x1] =	stream.strided.gather @!p1 [hbm4b:s16+s17], $0x2000, s18, s17, $0x38;
	[tilespmem:$0x8100] =	vst v63  }
0x2e: {  	p1 =	seq.s32 s13, $0x0  }
0x2f: {  	p2 =	sge.u32 @!p1 s13, s7  }
0x30: {  	p1 =	por p1, p2  }
.Ltmp2:
0x31: {  	_ = 	snop;
	(pc) =	sbr.rel @p1 .LBB1_5-.Ltmp2, $1  }
0x32: {  	_ =	sdelay $0x3  }
0x33: {  	s16 =	simm.s32 $0x1  }
0x34: {  	_ =	swait.ge [sflag:s4], $0x2000;
	s16 =	simm.s32 @!p0 $0x0  }
0x35: {  	[sflag:s4] =	ssyncset.done $0x0;
	s17 =	sshll.u32 s16, $0xD  }
0x36: {  	[sflag:s4] =	ssyncadd.s32 $0xFFFFE000;
	s17 =	sor.u32 $0x40, s17  }
0x37: {  	s16 =	smul.u32 $0x8200, s16;
	v0 =	vld [tilespmem:s17+$0x30]  }
0x38: {  	v1 =	vld [tilespmem:s17+$0xFFFFFFD0]  }
0x39: {  	s16 =	sshrl.u32 s16, $0x2;
	v5 =	vld [tilespmem:s17+$0xFFFFFFE0]  }
0x3a: {  	v6 =	vld [tilespmem:s17+$0xFFFFFFF0];
	s19 =	sor.u32 $0x4000, s16  }
0x3b: {  	s31 =	sand.u32 $0x1, s13;
	v4 =	vld [tilespmem:s17+$0x0];
	s18 =	sadd.s32 $0x0, s19  }
0x3c: {  	v3 =	vld [tilespmem:s17+$0x10];
	s16 =	smul.u32 $0x8200, s31;
	[tilespmem:s18+$0x1C70 ss:$0x41] =	vst.msk $0xffff, v0  }
0x3d: {  	v2 =	vld [tilespmem:s17+$0x20];
	[tilespmem:s18+$0x410 ss:$0x41] =	vst.msk $0xffff, v1  }
0x3e: {  	s16 =	sshrl.u32 s16, $0x2;
	v1 =	vld [tilespmem:s17+$0xFFFFFFC0];
	[tilespmem:s18+$0x820 ss:$0x41] =	vst.msk $0xffff, v5;
	s17 =	sadd.s32 $0x80, s17  }
0x3f: {  	s20 =	simm.s32 $0x4;
	s21 =	simm.s32 $0x8;
	s16 =	sor.u32 $0x4000, s16;
	[tilespmem:s18+$0xC30 ss:$0x41] =	vst.msk $0xffff, v6;
	v0 =	vld [tilespmem:s17+$0x30]  }
.LBB1_3:
0x40: {  	p1 =	sne.s32 s21, $0xFC;
	v5 =	vld [tilespmem:s17+$0xFFFFFFD0];
	[tilespmem:s18+$0x1040 ss:$0x41] =	vst.msk $0xffff, v4  }
0x41: {  	v6 =	vld [tilespmem:s17+$0xFFFFFFE0];
	[tilespmem:s18+$0x1450 ss:$0x41] =	vst.msk $0xffff, v3  }
0x42: {  	s22 =	sshra.s32 s20, $0x2;
	s20 =	smov.u32 s21;
	v7 =	vld [tilespmem:s17+$0xFFFFFFF0];
	[tilespmem:s18+$0x1860 ss:$0x41] =	vst.msk $0xffff, v2  }
.Ltmp3:
0x43: {  	v4 =	vld [tilespmem:s17+$0x0];
	[tilespmem:s18+$0x0 ss:$0x41] =	vst.msk $0xffff, v1;
	s18 =	sadd.s32 s22, s19;
	(pc) =	sbr.rel @p1 .LBB1_3-.Ltmp3, $4  }
0x44: {  	v3 =	vld [tilespmem:s17+$0x10];
	[tilespmem:s18+$0x1C70 ss:$0x41] =	vst.msk $0xffff, v0  }
0x45: {  	[tilespmem:s18+$0x410 ss:$0x41] =	vst.msk $0xffff, v5;
	v2 =	vld [tilespmem:s17+$0x20]  }
0x46: {  	v1 =	vld [tilespmem:s17+$0xFFFFFFC0];
	[tilespmem:s18+$0x820 ss:$0x41] =	vst.msk $0xffff, v6;
	s17 =	sadd.s32 $0x80, s17  }
0x47: {  	s21 =	sadd.s32 $0x4, s21;
	v0 =	vld [tilespmem:s17+$0x30];
	[tilespmem:s18+$0xC30 ss:$0x41] =	vst.msk $0xffff, v7  }
0x48: {  	s21 =	sshll.u32 s9, $0x7;
	s22 =	sshll.u32 s10, $0x3;
	s20 =	sshra.s32 s20, $0x2  }
0x49: {  	p1 =	sgt.s32 s9, $0xF41C0;
	s30 =	sshra.s32 s9, $0x1F;
	s25 =	sshra.s32 s10, $0x1F  }
0x4a: {  	v5 =	vld [tilespmem:s17+$0xFFFFFFD0];
	s28 =	sshrl.u32 s10, $0x3;
	s23 =	sand.u32 $0xFFFFFC00, s21;
	s22 =	sand.u32 $0xFFFFFC00, s22  }
0x4b: {  	[tilespmem:s18+$0x1040 ss:$0x41] =	vst.msk $0xffff, v4;
	v58 =	vld [tilespmem:s17+$0xFFFFFFE0];
	s21 =	sand.u32 $0x380, s21;
	s19 =	sadd.s32 s20, s19;
	s22 =	sadd.s32 s22, s23  }
0x4c: {  	v59 =	vld [tilespmem:s17+$0xFFFFFFF0];
	[tilespmem:s18+$0x1450 ss:$0x41] =	vst.msk $0xffff, v3;
	s29 =	sor.u32 s21, s22;
	s21 =	smov.u32 s9;
	s22 =	sand.u32 s30, s9  }
0x4d: {  	v60 =	vld [tilespmem:s17+$0x0];
	[tilespmem:s18+$0x1860 ss:$0x41] =	vst.msk $0xffff, v2;
	s30 =	sand.u32 $0x7, s10;
	s20 =	sshrl.u32 s29, $0x7;
	s21 =	simm.s32 @!p1 $0xF41C0  }
0x4e: {  	v61 =	vld [tilespmem:s17+$0x10];
	[tilespmem:s18+$0x0 ss:$0x41] =	vst.msk $0xffff, v1;
	p1 =	sgt.s32 s10, $0x40;
	s24 =	ssub.s32 s21, s22;
	s21 =	smov.u32 s10  }
0x4f: {  	v62 =	vld [tilespmem:s17+$0x20];
	[tilespmem:s19+$0x1C70 ss:$0x41] =	vst.msk $0xffff, v0;
	s31 =	smulhi.u32 $0x218DEF5, s20;
	s22 =	sand.u32 s25, s10;
	s21 =	simm.s32 @!p1 $0x40  }
0x50: {  	v63 =	vld [tilespmem:s17+$0xFFFFFFC0];
	[tilespmem:s19+$0x410 ss:$0x41] =	vst.msk $0xffff, v5;
	s26 =	sadd.s32 $0xFFF0BE40, s24;
	s17 =	ssub.s32 $0xF4240, s24;
	s21 =	ssub.s32 s21, s22  }
0x51: {  	[tilespmem:s19+$0x820 ss:$0x41] =	vst.msk $0xffff, v58;
	s23 =	sshrl.u32 s31, $0xD;
	p1 =	sgt.s32 s26, $0x7F;
	s27 =	sadd.s32 $0xFFFFFFC0, s21  }
0x52: {  	[tilespmem:s19+$0xC30 ss:$0x41] =	vst.msk $0xffff, v59;
	s23 =	smul.u32 $0xF4240, s23;
	s18 =	ssub.s32 $0x80, s21;
	p2 =	sgt.s32 s27, $0x3F  }
.Ltmp4:
0x53: {  	[tilespmem:s19+$0x1040 ss:$0x41] =	vst.msk $0xffff, v60;
	s17 =	simm.s32 @p1 $0x0;
	s18 =	simm.s32 @p2 $0x0;
	(pc) =	sbr.rel .LBB1_5-.Ltmp4, $4  }
0x54: {  	s29 =	sand.u32 $0xF, s28;
	[tilespmem:s19+$0x1450 ss:$0x41] =	vst.msk $0xffff, v61;
	s20 =	ssub.s32 s20, s23;
	s17 =	smul.u32 s18, s17  }
0x55: {  	[tilespmem:s19+$0x1860 ss:$0x41] =	vst.msk $0xffff, v62;
	s21 =	sshll.u32 s30, $0x12;
	s20 =	sshll.u32 s20, $0x4;
	s18 =	sadd.s32 s5, s29  }
0x56: {  	[tilespmem:s19+$0x0 ss:$0x41] =	vst.msk $0xffff, v63;
	s31 =	sor.u32 $0x40, s21;
	s18 =	sadd.s32 s20, s18;
	s17 =	sand.u32 $0x3FFFFFFF, s17  }
0x57: {  	[hbm4b:s18+s31] =	stream.strided.scatter [tilespmem:s16], [sflag:$0x2], s17, s8, s31, $0x18;
	[tilespmem:$0x8100] =	vst v63  }
.LBB1_6:
0x58: {  	_ =	sfence.sel $0x180000  }
0x59: {  	s2 =	simm.s32 $0x1;
	[bflag:$0x0] =	sbarrier.arrive $0xFFFF  }
0x5a: {  	s31 =	simm.s32 $0x2;
	[sflag:s2] =	ssyncpa.u1 $0x1  }
0x5b: {  	[sflag:s31] =	ssyncpa.u1 $0x1  }
0x5c: {  	p0 =	sne.s32 s1, $0x0;
	_ =	strace $0x90000047  }
0x5d: {  	s0 =	sadd.s32 @!p0 $0x100000, s0;
	[bflag:$0x2] =	sbarrier.arrive $0xFFFF  }
0x5e: {  	[sflag:s0] =	ssyncadd.tile.s32 @!p0 $0x1;
	_ =	shalt  }
.Lfunc_end1:
_tile_overlayer_lowered:
.L_overlay_start_2:
0x5f: {  	(tag) =	ssettag $0x2  }
0x60: {  	s0 =	rddreg [dreg:$0x0];
	s2 =	stileid.u32  }
0x61: {  	s1 =	rddreg [dreg:$0x1];
	p0 =	sne.s32 s2, $0x0  }
0x62: {  	s3 =	rddreg [dreg:$0x2];
	[bflag:$0x3] =	sbarrier.arrive $0xFFFF;
	s2 =	simm.s32 @!p0 $0x1C01  }
0x63: {  	[timem:s3], [sflag:s2] =	dma.local @!p0 [hbm:s0], s1  }
0x64: {  	s0 =	simm.s32 @!p0 $0x1  }
0x65: {  	_ =	swait.ge @!p0 [sflag:s0], s1  }
0x66: {  	s1 =	ssub.s32 @!p0 $0x0, s1;
	[sflag:s0] =	ssyncset.done @!p0 $0x0  }
0x67: {  	[sflag:s0] =	ssyncadd.s32 @!p0 s1  }
0x68: {  	[bflag:$0x3] =	sbarrier.arrive $0xFFFF  }
0x69: {  	_ =	shalt  }

</sc_bundles>
